<compile_context>
chip_gen: v7x
topology: tpu7x:2x2x1
jax: 0.10.2.dev20260603
libtpu: 0.0.44.dev20260713+nightly
codegen_flags: <defaults>
</compile_context>

<pallas_src>
import functools

import jax
import jax.numpy as jnp
from jax import lax
from jax.experimental import pallas as pl
from jax.experimental.pallas import tpu as pltpu
from jax.experimental.pallas import tpu_sc as plsc

N_SUBSETS = 3
BATCH = 768
DIM = 2048
N_CLASSES = 16
NBUCKETS = N_SUBSETS * N_CLASSES
LANES = 16
NW = 32
NQ = 16
NH = 2
DSLICE = DIM // NQ
HROWS = BATCH // NH
SUBSET_SHIFT = 8
GROUPS = HROWS // LANES


def _norm_body(p_ref, z_ref, wp_ref, wz_ref, d_ref):
    p = p_ref[...]
    z = z_ref[...]
    pp = jnp.sum(p * p, axis=1, keepdims=True)
    zz = jnp.sum(z * z, axis=1, keepdims=True)
    pz = jnp.sum(p * z, axis=1, keepdims=True)
    wp = 1.0 / jnp.maximum(jnp.sqrt(pp), 1e-8)
    wz = 1.0 / jnp.maximum(jnp.sqrt(zz), 1e-8)
    wp_ref[...] = wp
    wz_ref[...] = wz
    d_ref[...] = wp * wz * pz


def _seg_body(ps_hbm, zs_hbm, tgt_hbm, wp_hbm, wz_hbm,
              outa_hbm, outb_hbm, pcol, zcol, tbuf, wpbuf, wzbuf,
              acc_a, acc_b, sem_p, sem_z):
    cid = lax.axis_index("c")
    sid = lax.axis_index("s")
    wid = sid * 2 + cid
    h = wid // NQ
    q = wid % NQ
    rbase = h * HROWS
    nch = DSLICE // LANES

    cp = pltpu.async_copy(
        ps_hbm.at[pl.ds(rbase, HROWS), pl.ds(q * DSLICE, DSLICE)], pcol,
        sem_p)
    cz = pltpu.async_copy(
        zs_hbm.at[pl.ds(rbase, HROWS), pl.ds(q * DSLICE, DSLICE)], zcol,
        sem_z)
    pltpu.sync_copy(tgt_hbm.at[pl.ds(rbase, HROWS)], tbuf)
    pltpu.sync_copy(wp_hbm.at[pl.ds(rbase, HROWS)], wpbuf)
    pltpu.sync_copy(wz_hbm.at[pl.ds(rbase, HROWS)], wzbuf)

    zv = jnp.zeros((LANES,), jnp.float32)

    def _zero(i, c):
        acc_a[pl.ds(i * LANES, LANES)] = zv
        acc_b[pl.ds(i * LANES, LANES)] = zv
        return c

    lax.fori_loop(0, NBUCKETS * DSLICE // LANES, _zero, 0)
    cp.wait()
    cz.wait()

    iota = lax.iota(jnp.int32, LANES)
    gdn = lax.GatherDimensionNumbers(
        offset_dims=(), collapsed_slice_dims=(0,), start_index_map=(0,))

    def _group(g, _):
        gbase = g * LANES
        tv = tbuf[pl.ds(gbase, LANES)]
        wpv = wpbuf[pl.ds(gbase, LANES)]
        wzv = wzbuf[pl.ds(gbase, LANES)]
        rows = iota + jnp.full((LANES,), rbase + gbase, jnp.int32)
        offv = (lax.shift_right_arithmetic(rows, SUBSET_SHIFT) * N_CLASSES
                + tv) * DSLICE
        for k in range(LANES):
            kfull = jnp.full((LANES, 1), k, jnp.int32)
            bok = lax.gather(offv, kfull, gdn, (1,),
                             mode=lax.GatherScatterMode.PROMISE_IN_BOUNDS)
            wpk = jnp.full((LANES,), wpv[k], jnp.float32)
            wzk = jnp.full((LANES,), wzv[k], jnp.float32)
            row = gbase + k
            for i in range(nch):
                idx = bok + (iota + jnp.full((LANES,), i * LANES, jnp.int32))
                pv = pcol[row, pl.ds(i * LANES, LANES)]
                plsc.addupdate_scatter(acc_a, [idx], wpk * pv)
                zw = zcol[row, pl.ds(i * LANES, LANES)]
                plsc.addupdate_scatter(acc_b, [idx], wzk * zw)
        return _

    lax.fori_loop(0, GROUPS, _group, 0)

    asz = NBUCKETS * DSLICE
    pltpu.sync_copy(acc_a, outa_hbm.at[pl.ds(wid * asz, asz)])
    pltpu.sync_copy(acc_b, outb_hbm.at[pl.ds(wid * asz, asz)])


_seg_call = functools.partial(
    pl.kernel,
    out_type=(
        jax.ShapeDtypeStruct((NW * NBUCKETS * DSLICE,), jnp.float32),
        jax.ShapeDtypeStruct((NW * NBUCKETS * DSLICE,), jnp.float32),
    ),
    mesh=plsc.VectorSubcoreMesh(core_axis_name="c", subcore_axis_name="s"),
    compiler_params=pltpu.CompilerParams(needs_layout_passes=False,
                                         use_tc_tiling_on_sc=True),
    scratch_types=[
        pltpu.VMEM((HROWS, DSLICE), jnp.float32),
        pltpu.VMEM((HROWS, DSLICE), jnp.float32),
        pltpu.VMEM((HROWS,), jnp.int32),
        pltpu.VMEM((HROWS,), jnp.float32),
        pltpu.VMEM((HROWS,), jnp.float32),
        pltpu.VMEM((NBUCKETS * DSLICE,), jnp.float32),
        pltpu.VMEM((NBUCKETS * DSLICE,), jnp.float32),
        pltpu.SemaphoreType.DMA,
        pltpu.SemaphoreType.DMA,
    ],
)(_seg_body)


NROWS_K3 = NQ * NBUCKETS


def _loss_body(a_ref, b_ref, d_ref, ta_ref, tb_ref, o_ref):
    a = a_ref[...]
    b = b_ref[...]
    at = sum(a[i * NROWS_K3:(i + 1) * NROWS_K3] for i in range(NH))
    bt = sum(b[i * NROWS_K3:(i + 1) * NROWS_K3] for i in range(NH))
    prod = at * bt
    v = jnp.sum(prod, axis=1, keepdims=True)
    ridx = lax.broadcasted_iota(jnp.int32, (NROWS_K3, 1), 0)
    sidx = lax.rem(ridx, NBUCKETS) // N_CLASSES
    d = d_ref[...]
    didx = lax.broadcasted_iota(jnp.int32, (BATCH, 1), 0) // (BATCH // N_SUBSETS)
    total = jnp.float32(0.0)
    for s in range(N_SUBSETS):
        ssum = jnp.sum(jnp.where(sidx == s, v, 0.0))
        dsum = jnp.sum(jnp.where(didx == s, d, 0.0))
        eq = ta_ref[:, s:s + 1] == tb_ref[s:s + 1, :]
        npairs = 0.5 * (jnp.sum(eq.astype(jnp.float32))
                        - jnp.float32(BATCH // N_SUBSETS))
        npairs = jnp.maximum(npairs, 1.0)
        total = total + jnp.float32(-0.5) * (ssum - dsum) / npairs
    o_ref[...] = jnp.full((1, 1), total / N_SUBSETS, jnp.float32)


def kernel(ps, zs, extra, targets):
    del extra
    wp, wz, d = pl.pallas_call(
        _norm_body,
        out_shape=(
            jax.ShapeDtypeStruct((BATCH, 1), jnp.float32),
            jax.ShapeDtypeStruct((BATCH, 1), jnp.float32),
            jax.ShapeDtypeStruct((BATCH, 1), jnp.float32),
        ),
    )(ps, zs)
    outa, outb = _seg_call(ps, zs, targets, wp.reshape(BATCH),
                           wz.reshape(BATCH))
    tb = targets.reshape(N_SUBSETS, BATCH // N_SUBSETS)
    ta = tb.T
    loss = pl.pallas_call(
        _loss_body,
        out_shape=jax.ShapeDtypeStruct((1, 1), jnp.float32),
    )(outa.reshape(NH * NROWS_K3, DSLICE), outb.reshape(NH * NROWS_K3, DSLICE),
      d, ta, tb)
    return loss[0, 0]

# --- scband reference (transcript-rebuilt; emitter-appended) ---
"""Pipeline reference for scband-sim-siam-loss-22084721836474 (READ-ONLY COPY).

The authoritative reference and input builder live on the scoring server;
editing this copy changes nothing except your own understanding.
"""

import jax, jax.numpy as jnp
import numpy as np

N_SUBSETS = 3
WEIGHT = 1.0
BATCH = 768
DIM = 2048
N_CLASSES = 16

def setup_inputs(seed: int = 0) -> dict:
    key = jax.random.key(seed)
    k1, k2, k3, k4 = jax.random.split(key, 4)
    ps = jax.random.normal(k1, (BATCH, DIM), dtype=jnp.float32)
    zs = jax.random.normal(k2, (BATCH, DIM), dtype=jnp.float32)
    extra = jax.random.normal(k3, (BATCH, DIM), dtype=jnp.float32)
    targets = jax.random.randint(k4, (BATCH,), 0, N_CLASSES, dtype=jnp.int32)
    return {"ps": ps, "zs": zs, "extra": extra, "targets": targets}


def _subset_loss(p, z, t):
    # NegativeCosineSimilarityLoss: -cosine_similarity(p, stop_grad(z)).mean()
    pn = p / jnp.maximum(jnp.linalg.norm(p, axis=1, keepdims=True), 1e-8)
    zn = z / jnp.maximum(jnp.linalg.norm(z, axis=1, keepdims=True), 1e-8)
    zn = jax.lax.stop_gradient(zn)
    C = pn @ zn.T  # C[i, j] = cos(p_i, z_j)
    n = t.shape[0]
    same = t[:, None] == t[None, :]
    upper = jnp.triu(jnp.ones((n, n), dtype=bool), k=1)
    mask = same & upper  # pairs (i, j), i < j, same label (matches nonzero/get_combinations enumeration)
    npairs = jnp.maximum(mask.sum(), 1).astype(jnp.float32)
    # criterion(p1, z2) -> mean over pairs of -C[i, j]; criterion(p2, z1) -> mean of -C[j, i]
    s1 = jnp.where(mask, C, 0.0).sum()
    s2 = jnp.where(mask, C.T, 0.0).sum()
    loss = -0.5 * (s1 + s2) / npairs
    return loss * WEIGHT


def reference(ps, zs, extra, targets):
    mb = targets.shape[0] // N_SUBSETS
    losses = []
    for i in range(N_SUBSETS):
        sl = slice(i * mb, (i + 1) * mb)
        losses.append(_subset_loss(ps[sl], zs[sl], targets[sl]))
    return sum(losses) / len(losses)

if __name__ == "__main__":
    import jax
    _d = setup_inputs()
    print(jax.jit(kernel)(*tuple(_d.values())))

</pallas_src>

<mosaic_0001>
#map = affine_map<(d0, d1) -> (0, 0)>
#map1 = affine_map<(d0, d1) -> (0)>
module attributes {stable_mosaic.version = 14 : i64} {
  func.func @_seg_body(%arg0: i32, %arg1: i32, %arg2: memref<768x2048xf32, #tpu.memory_space<hbm>>, %arg3: memref<768x2048xf32, #tpu.memory_space<hbm>>, %arg4: memref<768xi32, #tpu.memory_space<hbm>>, %arg5: memref<768xf32, #tpu.memory_space<hbm>>, %arg6: memref<768xf32, #tpu.memory_space<hbm>>, %arg7: memref<196608xf32, #tpu.memory_space<hbm>>, %arg8: memref<196608xf32, #tpu.memory_space<hbm>>, %arg9: memref<384x128xf32, #tpu.memory_space<vmem>>, %arg10: memref<384x128xf32, #tpu.memory_space<vmem>>, %arg11: memref<384xi32, #tpu.memory_space<vmem>>, %arg12: memref<384xf32, #tpu.memory_space<vmem>>, %arg13: memref<384xf32, #tpu.memory_space<vmem>>, %arg14: memref<6144xf32, #tpu.memory_space<vmem>>, %arg15: memref<6144xf32, #tpu.memory_space<vmem>>, %arg16: memref<!tpu.dma_semaphore, #tpu.memory_space<semaphore_mem>>, %arg17: memref<!tpu.dma_semaphore, #tpu.memory_space<semaphore_mem>>) attributes {dimension_semantics = [#tpu.dimension_semantics<core_parallel>, #tpu.dimension_semantics<subcore_parallel>], iteration_bounds = array<i64: 2, 16>, scalar_prefetch = 0 : i64, scratch_operands = 9 : i64, tpu.core_type = #tpu.core_type<sc_vector_subcore>, window_params = [{transform_indices = #map}, {transform_indices = #map}, {transform_indices = #map1}, {transform_indices = #map1}, {transform_indices = #map1}, {transform_indices = #map1}, {transform_indices = #map1}]} {
    %mul3A = arith.constant 2 : i32
    %mul3A_0 = arith.muli %arg1, %mul3A : i32
    %add3A = arith.addi %mul3A_0, %arg0 : i32
    %jit3A = arith.constant 16 : i32
    %div3A = arith.divsi %add3A, %jit3A : i32
    %sign3A = arith.constant 0 : i32
    %sign3A_1 = arith.cmpi sgt, %add3A, %sign3A : i32
    %sign3A_2 = arith.extui %sign3A_1 : i1 to i32
    %sign3A_3 = arith.constant 0 : i32
    %sign3A_4 = arith.cmpi slt, %add3A, %sign3A_3 : i32
    %sign3A_5 = arith.extui %sign3A_4 : i1 to i32
    %sign3A_6 = arith.subi %sign3A_2, %sign3A_5 : i32
    %sign3A_7 = arith.constant 0 : i32
    %sign3A_8 = arith.cmpi sgt, %jit3A, %sign3A_7 : i32
    %sign3A_9 = arith.extui %sign3A_8 : i1 to i32
    %sign3A_10 = arith.constant 0 : i32
    %sign3A_11 = arith.cmpi slt, %jit3A, %sign3A_10 : i32
    %sign3A_12 = arith.extui %sign3A_11 : i1 to i32
    %sign3A_13 = arith.subi %sign3A_9, %sign3A_12 : i32
    %ne3A = arith.cmpi ne, %sign3A_6, %sign3A_13 : i32
    %rem3A = arith.remsi %add3A, %jit3A : i32
    %ne3A_14 = arith.constant 0 : i32
    %ne3A_15 = arith.cmpi ne, %rem3A, %ne3A_14 : i32
    %and3A = arith.andi %ne3A, %ne3A_15 : i1
    %sub3A = arith.constant 1 : i32
    %sub3A_16 = arith.subi %div3A, %sub3A : i32
    %select_n3A = arith.select %and3A, %sub3A_16, %div3A : i32
    %jit3A_17 = arith.constant 16 : i32
    %eq3A = arith.constant 0 : i32
    %eq3A_18 = arith.cmpi eq, %jit3A_17, %eq3A : i32
    %jit3A_19 = arith.constant 1 : i32
    %select_n3A_20 = arith.select %eq3A_18, %jit3A_19, %jit3A_17 : i32
    %rem3A_21 = arith.remsi %add3A, %select_n3A_20 : i32
    %ne3A_22 = arith.constant 0 : i32
    %ne3A_23 = arith.cmpi ne, %rem3A_21, %ne3A_22 : i32
    %lt3A = arith.constant 0 : i32
    %lt3A_24 = arith.cmpi slt, %rem3A_21, %lt3A : i32
    %lt3A_25 = arith.constant 0 : i32
    %lt3A_26 = arith.cmpi slt, %select_n3A_20, %lt3A_25 : i32
    %ne3A_27 = arith.xori %lt3A_24, %lt3A_26 : i1
    %and3A_28 = arith.andi %ne3A_27, %ne3A_23 : i1
    %add3A_29 = arith.addi %rem3A_21, %select_n3A_20 : i32
    %select_n3A_30 = arith.select %and3A_28, %add3A_29, %rem3A_21 : i32
    %mul3A_31 = arith.constant 384 : i32
    %mul3A_32 = arith.muli %select_n3A, %mul3A_31 : i32
    %mul3A_33 = arith.constant 128 : i32
    %mul3A_34 = arith.muli %select_n3A_30, %mul3A_33 : i32
    %dma_start3A = tpu.memref_slice %arg2[%mul3A_32, %mul3A_34] : memref<768x2048xf32, #tpu.memory_space<hbm>> -> memref<384x128xf32, #tpu.memory_space<hbm>>
    %dma_start3A_35 = tpu.memref_slice %arg2[%mul3A_32, %mul3A_34] : memref<768x2048xf32, #tpu.memory_space<hbm>> -> memref<384x128xf32, #tpu.memory_space<hbm>>
    tpu.enqueue_dma source(%dma_start3A_35 : memref<384x128xf32, #tpu.memory_space<hbm>>) target(%arg9 : memref<384x128xf32, #tpu.memory_space<vmem>>) target_semaphore(%arg16 : memref<!tpu.dma_semaphore, #tpu.memory_space<semaphore_mem>>)
    %mul3A_36 = arith.constant 128 : i32
    %mul3A_37 = arith.muli %select_n3A_30, %mul3A_36 : i32
    %dma_start3A_38 = tpu.memref_slice %arg3[%mul3A_32, %mul3A_37] : memref<768x2048xf32, #tpu.memory_space<hbm>> -> memref<384x128xf32, #tpu.memory_space<hbm>>
    %dma_start3A_39 = tpu.memref_slice %arg3[%mul3A_32, %mul3A_37] : memref<768x2048xf32, #tpu.memory_space<hbm>> -> memref<384x128xf32, #tpu.memory_space<hbm>>
    tpu.enqueue_dma source(%dma_start3A_39 : memref<384x128xf32, #tpu.memory_space<hbm>>) target(%arg10 : memref<384x128xf32, #tpu.memory_space<vmem>>) target_semaphore(%arg17 : memref<!tpu.dma_semaphore, #tpu.memory_space<semaphore_mem>>)
    "tpu.region"() ({
      %run_scoped3A = tpu.sem_alloc : memref<!tpu.dma_semaphore, #tpu.memory_space<semaphore_mem>>
      %dma_start3A_59 = tpu.memref_slice %arg4[%mul3A_32] : memref<768xi32, #tpu.memory_space<hbm>> -> memref<384xi32, #tpu.memory_space<hbm>>
      %dma_start3A_60 = tpu.memref_slice %arg4[%mul3A_32] : memref<768xi32, #tpu.memory_space<hbm>> -> memref<384xi32, #tpu.memory_space<hbm>>
      tpu.enqueue_dma source(%dma_start3A_60 : memref<384xi32, #tpu.memory_space<hbm>>) target(%arg11 : memref<384xi32, #tpu.memory_space<vmem>>) target_semaphore(%run_scoped3A : memref<!tpu.dma_semaphore, #tpu.memory_space<semaphore_mem>>)
      %dma_wait3A_61 = tpu.memref_slice %arg4[%mul3A_32] : memref<768xi32, #tpu.memory_space<hbm>> -> memref<384xi32, #tpu.memory_space<hbm>>
      %dma_wait3A_62 = tpu.memref_slice %arg4[%mul3A_32] : memref<768xi32, #tpu.memory_space<hbm>> -> memref<384xi32, #tpu.memory_space<hbm>>
      tpu.wait_dma2 semaphore(%run_scoped3A : memref<!tpu.dma_semaphore, #tpu.memory_space<semaphore_mem>>) src(%dma_wait3A_62 : memref<384xi32, #tpu.memory_space<hbm>>) dst(%arg11 : memref<384xi32, #tpu.memory_space<vmem>>)
      tpu.yield
    }) : () -> ()
    "tpu.region"() ({
      %run_scoped3A = tpu.sem_alloc : memref<!tpu.dma_semaphore, #tpu.memory_space<semaphore_mem>>
      %dma_start3A_59 = tpu.memref_slice %arg5[%mul3A_32] : memref<768xf32, #tpu.memory_space<hbm>> -> memref<384xf32, #tpu.memory_space<hbm>>
      %dma_start3A_60 = tpu.memref_slice %arg5[%mul3A_32] : memref<768xf32, #tpu.memory_space<hbm>> -> memref<384xf32, #tpu.memory_space<hbm>>
      tpu.enqueue_dma source(%dma_start3A_60 : memref<384xf32, #tpu.memory_space<hbm>>) target(%arg12 : memref<384xf32, #tpu.memory_space<vmem>>) target_semaphore(%run_scoped3A : memref<!tpu.dma_semaphore, #tpu.memory_space<semaphore_mem>>)
      %dma_wait3A_61 = tpu.memref_slice %arg5[%mul3A_32] : memref<768xf32, #tpu.memory_space<hbm>> -> memref<384xf32, #tpu.memory_space<hbm>>
      %dma_wait3A_62 = tpu.memref_slice %arg5[%mul3A_32] : memref<768xf32, #tpu.memory_space<hbm>> -> memref<384xf32, #tpu.memory_space<hbm>>
      tpu.wait_dma2 semaphore(%run_scoped3A : memref<!tpu.dma_semaphore, #tpu.memory_space<semaphore_mem>>) src(%dma_wait3A_62 : memref<384xf32, #tpu.memory_space<hbm>>) dst(%arg12 : memref<384xf32, #tpu.memory_space<vmem>>)
      tpu.yield
    }) : () -> ()
    "tpu.region"() ({
      %run_scoped3A = tpu.sem_alloc : memref<!tpu.dma_semaphore, #tpu.memory_space<semaphore_mem>>
      %dma_start3A_59 = tpu.memref_slice %arg6[%mul3A_32] : memref<768xf32, #tpu.memory_space<hbm>> -> memref<384xf32, #tpu.memory_space<hbm>>
      %dma_start3A_60 = tpu.memref_slice %arg6[%mul3A_32] : memref<768xf32, #tpu.memory_space<hbm>> -> memref<384xf32, #tpu.memory_space<hbm>>
      tpu.enqueue_dma source(%dma_start3A_60 : memref<384xf32, #tpu.memory_space<hbm>>) target(%arg13 : memref<384xf32, #tpu.memory_space<vmem>>) target_semaphore(%run_scoped3A : memref<!tpu.dma_semaphore, #tpu.memory_space<semaphore_mem>>)
      %dma_wait3A_61 = tpu.memref_slice %arg6[%mul3A_32] : memref<768xf32, #tpu.memory_space<hbm>> -> memref<384xf32, #tpu.memory_space<hbm>>
      %dma_wait3A_62 = tpu.memref_slice %arg6[%mul3A_32] : memref<768xf32, #tpu.memory_space<hbm>> -> memref<384xf32, #tpu.memory_space<hbm>>
      tpu.wait_dma2 semaphore(%run_scoped3A : memref<!tpu.dma_semaphore, #tpu.memory_space<semaphore_mem>>) src(%dma_wait3A_62 : memref<384xf32, #tpu.memory_space<hbm>>) dst(%arg13 : memref<384xf32, #tpu.memory_space<vmem>>)
      tpu.yield
    }) : () -> ()
    %broadcast_in_dim3A = arith.constant 0.000000e+00 : f32
    %broadcast_in_dim3A_40 = vector.broadcast %broadcast_in_dim3A : f32 to vector<16xf32>
    %scan3A = arith.constant 0 : i32
    %scan3A_41 = arith.constant 0 : i32
    %scan3A_42 = arith.constant 384 : i32
    %scan3A_43 = arith.addi %scan3A_41, %scan3A_42 : i32
    %scan3A_44 = arith.constant 1 : i32
    scf.for %scan3A_59 = %scan3A_41 to %scan3A_43 step %scan3A_44  : i32 {
      %mul3A_60 = arith.constant 16 : i32
      %mul3A_61 = arith.muli %scan3A_59, %mul3A_60 : i32
      %swap3A = arith.index_cast %mul3A_61 : i32 to index
      %swap3A_62 = tpu.vector_load %arg14[%swap3A] {strides = array<i32>} : memref<6144xf32, #tpu.memory_space<vmem>>, vector<16xf32>,
      tpu.vector_store %arg14[%swap3A], %broadcast_in_dim3A_40 {strides = array<i32>} : memref<6144xf32, #tpu.memory_space<vmem>>, vector<16xf32>,
      %mul3A_63 = arith.constant 16 : i32
      %mul3A_64 = arith.muli %scan3A_59, %mul3A_63 : i32
      %swap3A_65 = arith.index_cast %mul3A_64 : i32 to index
      %swap3A_66 = tpu.vector_load %arg15[%swap3A_65] {strides = array<i32>} : memref<6144xf32, #tpu.memory_space<vmem>>, vector<16xf32>,
      tpu.vector_store %arg15[%swap3A_65], %broadcast_in_dim3A_40 {strides = array<i32>} : memref<6144xf32, #tpu.memory_space<vmem>>, vector<16xf32>,
    }
    %scan3A_45 = arith.constant 384 : i32
    %dma_wait3A = tpu.memref_slice %arg2[%mul3A_32, %mul3A_34] : memref<768x2048xf32, #tpu.memory_space<hbm>> -> memref<384x128xf32, #tpu.memory_space<hbm>>
    %dma_wait3A_46 = tpu.memref_slice %arg2[%mul3A_32, %mul3A_34] : memref<768x2048xf32, #tpu.memory_space<hbm>> -> memref<384x128xf32, #tpu.memory_space<hbm>>
    tpu.wait_dma2 semaphore(%arg16 : memref<!tpu.dma_semaphore, #tpu.memory_space<semaphore_mem>>) src(%dma_wait3A_46 : memref<384x128xf32, #tpu.memory_space<hbm>>) dst(%arg9 : memref<384x128xf32, #tpu.memory_space<vmem>>)
    %dma_wait3A_47 = tpu.memref_slice %arg3[%mul3A_32, %mul3A_37] : memref<768x2048xf32, #tpu.memory_space<hbm>> -> memref<384x128xf32, #tpu.memory_space<hbm>>
    %dma_wait3A_48 = tpu.memref_slice %arg3[%mul3A_32, %mul3A_37] : memref<768x2048xf32, #tpu.memory_space<hbm>> -> memref<384x128xf32, #tpu.memory_space<hbm>>
    tpu.wait_dma2 semaphore(%arg17 : memref<!tpu.dma_semaphore, #tpu.memory_space<semaphore_mem>>) src(%dma_wait3A_48 : memref<384x128xf32, #tpu.memory_space<hbm>>) dst(%arg10 : memref<384x128xf32, #tpu.memory_space<vmem>>)
    %iota3A = tpu.iota {dimensions = array<i32: 0>} : vector<16xi32>
    %scan3A_49 = arith.constant 0 : i32
    %scan3A_50 = arith.constant 0 : i32
    %scan3A_51 = arith.constant 24 : i32
    %scan3A_52 = arith.addi %scan3A_50, %scan3A_51 : i32
    %scan3A_53 = arith.constant 1 : i32
    scf.for %scan3A_59 = %scan3A_50 to %scan3A_52 step %scan3A_53  : i32 {
      %mul3A_60 = arith.constant 16 : i32
      %mul3A_61 = arith.muli %scan3A_59, %mul3A_60 : i32
      %get3A = arith.index_cast %mul3A_61 : i32 to index
      %get3A_62 = tpu.vector_load %arg11[%get3A] {strides = array<i32>} : memref<384xi32, #tpu.memory_space<vmem>>, vector<16xi32>,
      %get3A_63 = arith.index_cast %mul3A_61 : i32 to index
      %get3A_64 = tpu.vector_load %arg12[%get3A_63] {strides = array<i32>} : memref<384xf32, #tpu.memory_space<vmem>>, vector<16xf32>,
      %get3A_65 = arith.index_cast %mul3A_61 : i32 to index
      %get3A_66 = tpu.vector_load %arg13[%get3A_65] {strides = array<i32>} : memref<384xf32, #tpu.memory_space<vmem>>, vector<16xf32>,
      %add3A_67 = arith.addi %mul3A_32, %mul3A_61 : i32
      %broadcast_in_dim3A_68 = vector.broadcast %add3A_67 : i32 to vector<16xi32>
      %add3A_69 = arith.addi %iota3A, %broadcast_in_dim3A_68 : vector<16xi32>
      %shift_right_arithmetic3A = arith.constant 8 : i32
      %shift_right_arithmetic3A_70 = vector.broadcast %shift_right_arithmetic3A : i32 to vector<16xi32>
      %shift_right_arithmetic3A_71 = arith.shrsi %add3A_69, %shift_right_arithmetic3A_70 : vector<16xi32>
      %mul3A_72 = arith.constant 16 : i32
      %mul3A_73 = vector.broadcast %mul3A_72 : i32 to vector<16xi32>
      %mul3A_74 = arith.muli %shift_right_arithmetic3A_71, %mul3A_73 : vector<16xi32>
      %add3A_75 = arith.addi %mul3A_74, %get3A_62 : vector<16xi32>
      %mul3A_76 = arith.constant 128 : i32
      %mul3A_77 = vector.broadcast %mul3A_76 : i32 to vector<16xi32>
      %mul3A_78 = arith.muli %add3A_75, %mul3A_77 : vector<16xi32>
      %broadcast_in_dim3A_79 = arith.constant 0 : i32
      %broadcast_in_dim3A_80 = vector.broadcast %broadcast_in_dim3A_79 : i32 to vector<16x1xi32>
      %gather3A = vector.shape_cast %broadcast_in_dim3A_80 : vector<16x1xi32> to vector<16xi32>
      %gather3A_81 = tpu.dynamic_gather %mul3A_78[%gather3A] in [0] : vector<16xi32>, vector<16xi32> -> vector<16xi32>
      %slice3A = vector.extract_strided_slice %get3A_64 {offsets = [0], sizes = [1], strides = [1]} : vector<16xf32> to vector<1xf32>
      %squeeze3A = vector.extract %slice3A[0] : f32 from vector<1xf32>
      %broadcast_in_dim3A_82 = vector.broadcast %squeeze3A : f32 to vector<16xf32>
      %slice3A_83 = vector.extract_strided_slice %get3A_66 {offsets = [0], sizes = [1], strides = [1]} : vector<16xf32> to vector<1xf32>
      %squeeze3A_84 = vector.extract %slice3A_83[0] : f32 from vector<1xf32>
      %broadcast_in_dim3A_85 = vector.broadcast %squeeze3A_84 : f32 to vector<16xf32>
      %add3A_86 = arith.constant 0 : i32
      %add3A_87 = arith.addi %mul3A_61, %add3A_86 : i32
      %broadcast_in_dim3A_88 = arith.constant 0 : i32
      %broadcast_in_dim3A_89 = vector.broadcast %broadcast_in_dim3A_88 : i32 to vector<16xi32>
      %add3A_90 = arith.addi %iota3A, %broadcast_in_dim3A_89 : vector<16xi32>
      %add3A_91 = arith.addi %gather3A_81, %add3A_90 : vector<16xi32>
      %get3A_92 = arith.index_cast %add3A_87 : i32 to index
      %get3A_93 = arith.constant 0 : index
      %get3A_94 = tpu.vector_load %arg9[%get3A_92, %get3A_93] {strides = array<i32>} : memref<384x128xf32, #tpu.memory_space<vmem>>, vector<16xf32>,
      %mul3A_95 = arith.mulf %broadcast_in_dim3A_82, %get3A_94 : vector<16xf32>
      tpu.vector_store_idx %arg14[%add3A_91], %mul3A_95 {add = true} : memref<6144xf32, #tpu.memory_space<vmem>>[vector<16xi32>], vector<16xf32>,
      %get3A_96 = arith.index_cast %add3A_87 : i32 to index
      %get3A_97 = arith.constant 0 : index
      %get3A_98 = tpu.vector_load %arg10[%get3A_96, %get3A_97] {strides = array<i32>} : memref<384x128xf32, #tpu.memory_space<vmem>>, vector<16xf32>,
      %mul3A_99 = arith.mulf %broadcast_in_dim3A_85, %get3A_98 : vector<16xf32>
      tpu.vector_store_idx %arg15[%add3A_91], %mul3A_99 {add = true} : memref<6144xf32, #tpu.memory_space<vmem>>[vector<16xi32>], vector<16xf32>,
      %broadcast_in_dim3A_100 = arith.constant 16 : i32
      %broadcast_in_dim3A_101 = vector.broadcast %broadcast_in_dim3A_100 : i32 to vector<16xi32>
      %add3A_102 = arith.addi %iota3A, %broadcast_in_dim3A_101 : vector<16xi32>
      %add3A_103 = arith.addi %gather3A_81, %add3A_102 : vector<16xi32>
      %get3A_104 = arith.index_cast %add3A_87 : i32 to index
      %get3A_105 = arith.constant 16 : index
      %get3A_106 = tpu.vector_load %arg9[%get3A_104, %get3A_105] {strides = array<i32>} : memref<384x128xf32, #tpu.memory_space<vmem>>, vector<16xf32>,
      %mul3A_107 = arith.mulf %broadcast_in_dim3A_82, %get3A_106 : vector<16xf32>
      tpu.vector_store_idx %arg14[%add3A_103], %mul3A_107 {add = true} : memref<6144xf32, #tpu.memory_space<vmem>>[vector<16xi32>], vector<16xf32>,
      %get3A_108 = arith.index_cast %add3A_87 : i32 to index
      %get3A_109 = arith.constant 16 : index
      %get3A_110 = tpu.vector_load %arg10[%get3A_108, %get3A_109] {strides = array<i32>} : memref<384x128xf32, #tpu.memory_space<vmem>>, vector<16xf32>,
      %mul3A_111 = arith.mulf %broadcast_in_dim3A_85, %get3A_110 : vector<16xf32>
      tpu.vector_store_idx %arg15[%add3A_103], %mul3A_111 {add = true} : memref<6144xf32, #tpu.memory_space<vmem>>[vector<16xi32>], vector<16xf32>,
      %broadcast_in_dim3A_112 = arith.constant 32 : i32
      %broadcast_in_dim3A_113 = vector.broadcast %broadcast_in_dim3A_112 : i32 to vector<16xi32>
      %add3A_114 = arith.addi %iota3A, %broadcast_in_dim3A_113 : vector<16xi32>
      %add3A_115 = arith.addi %gather3A_81, %add3A_114 : vector<16xi32>
      %get3A_116 = arith.index_cast %add3A_87 : i32 to index
      %get3A_117 = arith.constant 32 : index
      %get3A_118 = tpu.vector_load %arg9[%get3A_116, %get3A_117] {strides = array<i32>} : memref<384x128xf32, #tpu.memory_space<vmem>>, vector<16xf32>,
      %mul3A_119 = arith.mulf %broadcast_in_dim3A_82, %get3A_118 : vector<16xf32>
      tpu.vector_store_idx %arg14[%add3A_115], %mul3A_119 {add = true} : memref<6144xf32, #tpu.memory_space<vmem>>[vector<16xi32>], vector<16xf32>,
      %get3A_120 = arith.index_cast %add3A_87 : i32 to index
      %get3A_121 = arith.constant 32 : index
      %get3A_122 = tpu.vector_load %arg10[%get3A_120, %get3A_121] {strides = array<i32>} : memref<384x128xf32, #tpu.memory_space<vmem>>, vector<16xf32>,
      %mul3A_123 = arith.mulf %broadcast_in_dim3A_85, %get3A_122 : vector<16xf32>
      tpu.vector_store_idx %arg15[%add3A_115], %mul3A_123 {add = true} : memref<6144xf32, #tpu.memory_space<vmem>>[vector<16xi32>], vector<16xf32>,
      %broadcast_in_dim3A_124 = arith.constant 48 : i32
      %broadcast_in_dim3A_125 = vector.broadcast %broadcast_in_dim3A_124 : i32 to vector<16xi32>
      %add3A_126 = arith.addi %iota3A, %broadcast_in_dim3A_125 : vector<16xi32>
      %add3A_127 = arith.addi %gather3A_81, %add3A_126 : vector<16xi32>
      %get3A_128 = arith.index_cast %add3A_87 : i32 to index
      %get3A_129 = arith.constant 48 : index
      %get3A_130 = tpu.vector_load %arg9[%get3A_128, %get3A_129] {strides = array<i32>} : memref<384x128xf32, #tpu.memory_space<vmem>>, vector<16xf32>,
      %mul3A_131 = arith.mulf %broadcast_in_dim3A_82, %get3A_130 : vector<16xf32>
      tpu.vector_store_idx %arg14[%add3A_127], %mul3A_131 {add = true} : memref<6144xf32, #tpu.memory_space<vmem>>[vector<16xi32>], vector<16xf32>,
      %get3A_132 = arith.index_cast %add3A_87 : i32 to index
      %get3A_133 = arith.constant 48 : index
      %get3A_134 = tpu.vector_load %arg10[%get3A_132, %get3A_133] {strides = array<i32>} : memref<384x128xf32, #tpu.memory_space<vmem>>, vector<16xf32>,
      %mul3A_135 = arith.mulf %broadcast_in_dim3A_85, %get3A_134 : vector<16xf32>
      tpu.vector_store_idx %arg15[%add3A_127], %mul3A_135 {add = true} : memref<6144xf32, #tpu.memory_space<vmem>>[vector<16xi32>], vector<16xf32>,
      %broadcast_in_dim3A_136 = arith.constant 64 : i32
      %broadcast_in_dim3A_137 = vector.broadcast %broadcast_in_dim3A_136 : i32 to vector<16xi32>
      %add3A_138 = arith.addi %iota3A, %broadcast_in_dim3A_137 : vector<16xi32>
      %add3A_139 = arith.addi %gather3A_81, %add3A_138 : vector<16xi32>
      %get3A_140 = arith.index_cast %add3A_87 : i32 to index
      %get3A_141 = arith.constant 64 : index
      %get3A_142 = tpu.vector_load %arg9[%get3A_140, %get3A_141] {strides = array<i32>} : memref<384x128xf32, #tpu.memory_space<vmem>>, vector<16xf32>,
      %mul3A_143 = arith.mulf %broadcast_in_dim3A_82, %get3A_142 : vector<16xf32>
      tpu.vector_store_idx %arg14[%add3A_139], %mul3A_143 {add = true} : memref<6144xf32, #tpu.memory_space<vmem>>[vector<16xi32>], vector<16xf32>,
      %get3A_144 = arith.index_cast %add3A_87 : i32 to index
      %get3A_145 = arith.constant 64 : index
      %get3A_146 = tpu.vector_load %arg10[%get3A_144, %get3A_145] {strides = array<i32>} : memref<384x128xf32, #tpu.memory_space<vmem>>, vector<16xf32>,
      %mul3A_147 = arith.mulf %broadcast_in_dim3A_85, %get3A_146 : vector<16xf32>
      tpu.vector_store_idx %arg15[%add3A_139], %mul3A_147 {add = true} : memref<6144xf32, #tpu.memory_space<vmem>>[vector<16xi32>], vector<16xf32>,
      %broadcast_in_dim3A_148 = arith.constant 80 : i32
      %broadcast_in_dim3A_149 = vector.broadcast %broadcast_in_dim3A_148 : i32 to vector<16xi32>
      %add3A_150 = arith.addi %iota3A, %broadcast_in_dim3A_149 : vector<16xi32>
      %add3A_151 = arith.addi %gather3A_81, %add3A_150 : vector<16xi32>
      %get3A_152 = arith.index_cast %add3A_87 : i32 to index
      %get3A_153 = arith.constant 80 : index
      %get3A_154 = tpu.vector_load %arg9[%get3A_152, %get3A_153] {strides = array<i32>} : memref<384x128xf32, #tpu.memory_space<vmem>>, vector<16xf32>,
      %mul3A_155 = arith.mulf %broadcast_in_dim3A_82, %get3A_154 : vector<16xf32>
      tpu.vector_store_idx %arg14[%add3A_151], %mul3A_155 {add = true} : memref<6144xf32, #tpu.memory_space<vmem>>[vector<16xi32>], vector<16xf32>,
      %get3A_156 = arith.index_cast %add3A_87 : i32 to index
      %get3A_157 = arith.constant 80 : index
      %get3A_158 = tpu.vector_load %arg10[%get3A_156, %get3A_157] {strides = array<i32>} : memref<384x128xf32, #tpu.memory_space<vmem>>, vector<16xf32>,
      %mul3A_159 = arith.mulf %broadcast_in_dim3A_85, %get3A_158 : vector<16xf32>
      tpu.vector_store_idx %arg15[%add3A_151], %mul3A_159 {add = true} : memref<6144xf32, #tpu.memory_space<vmem>>[vector<16xi32>], vector<16xf32>,
      %broadcast_in_dim3A_160 = arith.constant 96 : i32
      %broadcast_in_dim3A_161 = vector.broadcast %broadcast_in_dim3A_160 : i32 to vector<16xi32>
      %add3A_162 = arith.addi %iota3A, %broadcast_in_dim3A_161 : vector<16xi32>
      %add3A_163 = arith.addi %gather3A_81, %add3A_162 : vector<16xi32>
      %get3A_164 = arith.index_cast %add3A_87 : i32 to index
      %get3A_165 = arith.constant 96 : index
      %get3A_166 = tpu.vector_load %arg9[%get3A_164, %get3A_165] {strides = array<i32>} : memref<384x128xf32, #tpu.memory_space<vmem>>, vector<16xf32>,
      %mul3A_167 = arith.mulf %broadcast_in_dim3A_82, %get3A_166 : vector<16xf32>
      tpu.vector_store_idx %arg14[%add3A_163], %mul3A_167 {add = true} : memref<6144xf32, #tpu.memory_space<vmem>>[vector<16xi32>], vector<16xf32>,
      %get3A_168 = arith.index_cast %add3A_87 : i32 to index
      %get3A_169 = arith.constant 96 : index
      %get3A_170 = tpu.vector_load %arg10[%get3A_168, %get3A_169] {strides = array<i32>} : memref<384x128xf32, #tpu.memory_space<vmem>>, vector<16xf32>,
      %mul3A_171 = arith.mulf %broadcast_in_dim3A_85, %get3A_170 : vector<16xf32>
      tpu.vector_store_idx %arg15[%add3A_163], %mul3A_171 {add = true} : memref<6144xf32, #tpu.memory_space<vmem>>[vector<16xi32>], vector<16xf32>,
      %broadcast_in_dim3A_172 = arith.constant 112 : i32
      %broadcast_in_dim3A_173 = vector.broadcast %broadcast_in_dim3A_172 : i32 to vector<16xi32>
      %add3A_174 = arith.addi %iota3A, %broadcast_in_dim3A_173 : vector<16xi32>
      %add3A_175 = arith.addi %gather3A_81, %add3A_174 : vector<16xi32>
      %get3A_176 = arith.index_cast %add3A_87 : i32 to index
      %get3A_177 = arith.constant 112 : index
      %get3A_178 = tpu.vector_load %arg9[%get3A_176, %get3A_177] {strides = array<i32>} : memref<384x128xf32, #tpu.memory_space<vmem>>, vector<16xf32>,
      %mul3A_179 = arith.mulf %broadcast_in_dim3A_82, %get3A_178 : vector<16xf32>
      tpu.vector_store_idx %arg14[%add3A_175], %mul3A_179 {add = true} : memref<6144xf32, #tpu.memory_space<vmem>>[vector<16xi32>], vector<16xf32>,
      %get3A_180 = arith.index_cast %add3A_87 : i32 to index
      %get3A_181 = arith.constant 112 : index
      %get3A_182 = tpu.vector_load %arg10[%get3A_180, %get3A_181] {strides = array<i32>} : memref<384x128xf32, #tpu.memory_space<vmem>>, vector<16xf32>,
      %mul3A_183 = arith.mulf %broadcast_in_dim3A_85, %get3A_182 : vector<16xf32>
      tpu.vector_store_idx %arg15[%add3A_175], %mul3A_183 {add = true} : memref<6144xf32, #tpu.memory_space<vmem>>[vector<16xi32>], vector<16xf32>,
      %broadcast_in_dim3A_184 = arith.constant 1 : i32
      %broadcast_in_dim3A_185 = vector.broadcast %broadcast_in_dim3A_184 : i32 to vector<16x1xi32>
      %gather3A_186 = vector.shape_cast %broadcast_in_dim3A_185 : vector<16x1xi32> to vector<16xi32>
      %gather3A_187 = tpu.dynamic_gather %mul3A_78[%gather3A_186] in [0] : vector<16xi32>, vector<16xi32> -> vector<16xi32>
      %slice3A_188 = vector.extract_strided_slice %get3A_64 {offsets = [1], sizes = [1], strides = [1]} : vector<16xf32> to vector<1xf32>
      %squeeze3A_189 = vector.extract %slice3A_188[0] : f32 from vector<1xf32>
      %broadcast_in_dim3A_190 = vector.broadcast %squeeze3A_189 : f32 to vector<16xf32>
      %slice3A_191 = vector.extract_strided_slice %get3A_66 {offsets = [1], sizes = [1], strides = [1]} : vector<16xf32> to vector<1xf32>
      %squeeze3A_192 = vector.extract %slice3A_191[0] : f32 from vector<1xf32>
      %broadcast_in_dim3A_193 = vector.broadcast %squeeze3A_192 : f32 to vector<16xf32>
      %add3A_194 = arith.constant 1 : i32
      %add3A_195 = arith.addi %mul3A_61, %add3A_194 : i32
      %broadcast_in_dim3A_196 = arith.constant 0 : i32
      %broadcast_in_dim3A_197 = vector.broadcast %broadcast_in_dim3A_196 : i32 to vector<16xi32>
      %add3A_198 = arith.addi %iota3A, %broadcast_in_dim3A_197 : vector<16xi32>
      %add3A_199 = arith.addi %gather3A_187, %add3A_198 : vector<16xi32>
      %get3A_200 = arith.index_cast %add3A_195 : i32 to index
      %get3A_201 = arith.constant 0 : index
      %get3A_202 = tpu.vector_load %arg9[%get3A_200, %get3A_201] {strides = array<i32>} : memref<384x128xf32, #tpu.memory_space<vmem>>, vector<16xf32>,
      %mul3A_203 = arith.mulf %broadcast_in_dim3A_190, %get3A_202 : vector<16xf32>
      tpu.vector_store_idx %arg14[%add3A_199], %mul3A_203 {add = true} : memref<6144xf32, #tpu.memory_space<vmem>>[vector<16xi32>], vector<16xf32>,
      %get3A_204 = arith.index_cast %add3A_195 : i32 to index
      %get3A_205 = arith.constant 0 : index
      %get3A_206 = tpu.vector_load %arg10[%get3A_204, %get3A_205] {strides = array<i32>} : memref<384x128xf32, #tpu.memory_space<vmem>>, vector<16xf32>,
      %mul3A_207 = arith.mulf %broadcast_in_dim3A_193, %get3A_206 : vector<16xf32>
      tpu.vector_store_idx %arg15[%add3A_199], %mul3A_207 {add = true} : memref<6144xf32, #tpu.memory_space<vmem>>[vector<16xi32>], vector<16xf32>,
      %broadcast_in_dim3A_208 = arith.constant 16 : i32
      %broadcast_in_dim3A_209 = vector.broadcast %broadcast_in_dim3A_208 : i32 to vector<16xi32>
      %add3A_210 = arith.addi %iota3A, %broadcast_in_dim3A_209 : vector<16xi32>
      %add3A_211 = arith.addi %gather3A_187, %add3A_210 : vector<16xi32>
      %get3A_212 = arith.index_cast %add3A_195 : i32 to index
      %get3A_213 = arith.constant 16 : index
      %get3A_214 = tpu.vector_load %arg9[%get3A_212, %get3A_213] {strides = array<i32>} : memref<384x128xf32, #tpu.memory_space<vmem>>, vector<16xf32>,
      %mul3A_215 = arith.mulf %broadcast_in_dim3A_190, %get3A_214 : vector<16xf32>
      tpu.vector_store_idx %arg14[%add3A_211], %mul3A_215 {add = true} : memref<6144xf32, #tpu.memory_space<vmem>>[vector<16xi32>], vector<16xf32>,
      %get3A_216 = arith.index_cast %add3A_195 : i32 to index
      %get3A_217 = arith.constant 16 : index
      %get3A_218 = tpu.vector_load %arg10[%get3A_216, %get3A_217] {strides = array<i32>} : memref<384x128xf32, #tpu.memory_space<vmem>>, vector<16xf32>,
      %mul3A_219 = arith.mulf %broadcast_in_dim3A_193, %get3A_218 : vector<16xf32>
      tpu.vector_store_idx %arg15[%add3A_211], %mul3A_219 {add = true} : memref<6144xf32, #tpu.memory_space<vmem>>[vector<16xi32>], vector<16xf32>,
      %broadcast_in_dim3A_220 = arith.constant 32 : i32
      %broadcast_in_dim3A_221 = vector.broadcast %broadcast_in_dim3A_220 : i32 to vector<16xi32>
      %add3A_222 = arith.addi %iota3A, %broadcast_in_dim3A_221 : vector<16xi32>
      %add3A_223 = arith.addi %gather3A_187, %add3A_222 : vector<16xi32>
      %get3A_224 = arith.index_cast %add3A_195 : i32 to index
      %get3A_225 = arith.constant 32 : index
      %get3A_226 = tpu.vector_load %arg9[%get3A_224, %get3A_225] {strides = array<i32>} : memref<384x128xf32, #tpu.memory_space<vmem>>, vector<16xf32>,
      %mul3A_227 = arith.mulf %broadcast_in_dim3A_190, %get3A_226 : vector<16xf32>
      tpu.vector_store_idx %arg14[%add3A_223], %mul3A_227 {add = true} : memref<6144xf32, #tpu.memory_space<vmem>>[vector<16xi32>], vector<16xf32>,
      %get3A_228 = arith.index_cast %add3A_195 : i32 to index
      %get3A_229 = arith.constant 32 : index
      %get3A_230 = tpu.vector_load %arg10[%get3A_228, %get3A_229] {strides = array<i32>} : memref<384x128xf32, #tpu.memory_space<vmem>>, vector<16xf32>,
      %mul3A_231 = arith.mulf %broadcast_in_dim3A_193, %get3A_230 : vector<16xf32>
      tpu.vector_store_idx %arg15[%add3A_223], %mul3A_231 {add = true} : memref<6144xf32, #tpu.memory_space<vmem>>[vector<16xi32>], vector<16xf32>,
      %broadcast_in_dim3A_232 = arith.constant 48 : i32
      %broadcast_in_dim3A_233 = vector.broadcast %broadcast_in_dim3A_232 : i32 to vector<16xi32>
      %add3A_234 = arith.addi %iota3A, %broadcast_in_dim3A_233 : vector<16xi32>
      %add3A_235 = arith.addi %gather3A_187, %add3A_234 : vector<16xi32>
      %get3A_236 = arith.index_cast %add3A_195 : i32 to index
      %get3A_237 = arith.constant 48 : index
      %get3A_238 = tpu.vector_load %arg9[%get3A_236, %get3A_237] {strides = array<i32>} : memref<384x128xf32, #tpu.memory_space<vmem>>, vector<16xf32>,
      %mul3A_239 = arith.mulf %broadcast_in_dim3A_190, %get3A_238 : vector<16xf32>
      tpu.vector_store_idx %arg14[%add3A_235], %mul3A_239 {add = true} : memref<6144xf32, #tpu.memory_space<vmem>>[vector<16xi32>], vector<16xf32>,
      %get3A_240 = arith.index_cast %add3A_195 : i32 to index
      %get3A_241 = arith.constant 48 : index
      %get3A_242 = tpu.vector_load %arg10[%get3A_240, %get3A_241] {strides = array<i32>} : memref<384x128xf32, #tpu.memory_space<vmem>>, vector<16xf32>,
      %mul3A_243 = arith.mulf %broadcast_in_dim3A_193, %get3A_242 : vector<16xf32>
      tpu.vector_store_idx %arg15[%add3A_235], %mul3A_243 {add = true} : memref<6144xf32, #tpu.memory_space<vmem>>[vector<16xi32>], vector<16xf32>,
      %broadcast_in_dim3A_244 = arith.constant 64 : i32
      %broadcast_in_dim3A_245 = vector.broadcast %broadcast_in_dim3A_244 : i32 to vector<16xi32>
      %add3A_246 = arith.addi %iota3A, %broadcast_in_dim3A_245 : vector<16xi32>
      %add3A_247 = arith.addi %gather3A_187, %add3A_246 : vector<16xi32>
      %get3A_248 = arith.index_cast %add3A_195 : i32 to index
      %get3A_249 = arith.constant 64 : index
      %get3A_250 = tpu.vector_load %arg9[%get3A_248, %get3A_249] {strides = array<i32>} : memref<384x128xf32, #tpu.memory_space<vmem>>, vector<16xf32>,
      %mul3A_251 = arith.mulf %broadcast_in_dim3A_190, %get3A_250 : vector<16xf32>
      tpu.vector_store_idx %arg14[%add3A_247], %mul3A_251 {add = true} : memref<6144xf32, #tpu.memory_space<vmem>>[vector<16xi32>], vector<16xf32>,
      %get3A_252 = arith.index_cast %add3A_195 : i32 to index
      %get3A_253 = arith.constant 64 : index
      %get3A_254 = tpu.vector_load %arg10[%get3A_252, %get3A_253] {strides = array<i32>} : memref<384x128xf32, #tpu.memory_space<vmem>>, vector<16xf32>,
      %mul3A_255 = arith.mulf %broadcast_in_dim3A_193, %get3A_254 : vector<16xf32>
      tpu.vector_store_idx %arg15[%add3A_247], %mul3A_255 {add = true} : memref<6144xf32, #tpu.memory_space<vmem>>[vector<16xi32>], vector<16xf32>,
      %broadcast_in_dim3A_256 = arith.constant 80 : i32
      %broadcast_in_dim3A_257 = vector.broadcast %broadcast_in_dim3A_256 : i32 to vector<16xi32>
      %add3A_258 = arith.addi %iota3A, %broadcast_in_dim3A_257 : vector<16xi32>
      %add3A_259 = arith.addi %gather3A_187, %add3A_258 : vector<16xi32>
      %get3A_260 = arith.index_cast %add3A_195 : i32 to index
      %get3A_261 = arith.constant 80 : index
      %get3A_262 = tpu.vector_load %arg9[%get3A_260, %get3A_261] {strides = array<i32>} : memref<384x128xf32, #tpu.memory_space<vmem>>, vector<16xf32>,
      %mul3A_263 = arith.mulf %broadcast_in_dim3A_190, %get3A_262 : vector<16xf32>
      tpu.vector_store_idx %arg14[%add3A_259], %mul3A_263 {add = true} : memref<6144xf32, #tpu.memory_space<vmem>>[vector<16xi32>], vector<16xf32>,
      %get3A_264 = arith.index_cast %add3A_195 : i32 to index
      %get3A_265 = arith.constant 80 : index
      %get3A_266 = tpu.vector_load %arg10[%get3A_264, %get3A_265] {strides = array<i32>} : memref<384x128xf32, #tpu.memory_space<vmem>>, vector<16xf32>,
      %mul3A_267 = arith.mulf %broadcast_in_dim3A_193, %get3A_266 : vector<16xf32>
      tpu.vector_store_idx %arg15[%add3A_259], %mul3A_267 {add = true} : memref<6144xf32, #tpu.memory_space<vmem>>[vector<16xi32>], vector<16xf32>,
      %broadcast_in_dim3A_268 = arith.constant 96 : i32
      %broadcast_in_dim3A_269 = vector.broadcast %broadcast_in_dim3A_268 : i32 to vector<16xi32>
      %add3A_270 = arith.addi %iota3A, %broadcast_in_dim3A_269 : vector<16xi32>
      %add3A_271 = arith.addi %gather3A_187, %add3A_270 : vector<16xi32>
      %get3A_272 = arith.index_cast %add3A_195 : i32 to index
      %get3A_273 = arith.constant 96 : index
      %get3A_274 = tpu.vector_load %arg9[%get3A_272, %get3A_273] {strides = array<i32>} : memref<384x128xf32, #tpu.memory_space<vmem>>, vector<16xf32>,
      %mul3A_275 = arith.mulf %broadcast_in_dim3A_190, %get3A_274 : vector<16xf32>
      tpu.vector_store_idx %arg14[%add3A_271], %mul3A_275 {add = true} : memref<6144xf32, #tpu.memory_space<vmem>>[vector<16xi32>], vector<16xf32>,
      %get3A_276 = arith.index_cast %add3A_195 : i32 to index
      %get3A_277 = arith.constant 96 : index
      %get3A_278 = tpu.vector_load %arg10[%get3A_276, %get3A_277] {strides = array<i32>} : memref<384x128xf32, #tpu.memory_space<vmem>>, vector<16xf32>,
      %mul3A_279 = arith.mulf %broadcast_in_dim3A_193, %get3A_278 : vector<16xf32>
      tpu.vector_store_idx %arg15[%add3A_271], %mul3A_279 {add = true} : memref<6144xf32, #tpu.memory_space<vmem>>[vector<16xi32>], vector<16xf32>,
      %broadcast_in_dim3A_280 = arith.constant 112 : i32
      %broadcast_in_dim3A_281 = vector.broadcast %broadcast_in_dim3A_280 : i32 to vector<16xi32>
      %add3A_282 = arith.addi %iota3A, %broadcast_in_dim3A_281 : vector<16xi32>
      %add3A_283 = arith.addi %gather3A_187, %add3A_282 : vector<16xi32>
      %get3A_284 = arith.index_cast %add3A_195 : i32 to index
      %get3A_285 = arith.constant 112 : index
      %get3A_286 = tpu.vector_load %arg9[%get3A_284, %get3A_285] {strides = array<i32>} : memref<384x128xf32, #tpu.memory_space<vmem>>, vector<16xf32>,
      %mul3A_287 = arith.mulf %broadcast_in_dim3A_190, %get3A_286 : vector<16xf32>
      tpu.vector_store_idx %arg14[%add3A_283], %mul3A_287 {add = true} : memref<6144xf32, #tpu.memory_space<vmem>>[vector<16xi32>], vector<16xf32>,
      %get3A_288 = arith.index_cast %add3A_195 : i32 to index
      %get3A_289 = arith.constant 112 : index
      %get3A_290 = tpu.vector_load %arg10[%get3A_288, %get3A_289] {strides = array<i32>} : memref<384x128xf32, #tpu.memory_space<vmem>>, vector<16xf32>,
      %mul3A_291 = arith.mulf %broadcast_in_dim3A_193, %get3A_290 : vector<16xf32>
      tpu.vector_store_idx %arg15[%add3A_283], %mul3A_291 {add = true} : memref<6144xf32, #tpu.memory_space<vmem>>[vector<16xi32>], vector<16xf32>,
      %broadcast_in_dim3A_292 = arith.constant 2 : i32
      %broadcast_in_dim3A_293 = vector.broadcast %broadcast_in_dim3A_292 : i32 to vector<16x1xi32>
      %gather3A_294 = vector.shape_cast %broadcast_in_dim3A_293 : vector<16x1xi32> to vector<16xi32>
      %gather3A_295 = tpu.dynamic_gather %mul3A_78[%gather3A_294] in [0] : vector<16xi32>, vector<16xi32> -> vector<16xi32>
      %slice3A_296 = vector.extract_strided_slice %get3A_64 {offsets = [2], sizes = [1], strides = [1]} : vector<16xf32> to vector<1xf32>
      %squeeze3A_297 = vector.extract %slice3A_296[0] : f32 from vector<1xf32>
      %broadcast_in_dim3A_298 = vector.broadcast %squeeze3A_297 : f32 to vector<16xf32>
      %slice3A_299 = vector.extract_strided_slice %get3A_66 {offsets = [2], sizes = [1], strides = [1]} : vector<16xf32> to vector<1xf32>
      %squeeze3A_300 = vector.extract %slice3A_299[0] : f32 from vector<1xf32>
      %broadcast_in_dim3A_301 = vector.broadcast %squeeze3A_300 : f32 to vector<16xf32>
      %add3A_302 = arith.constant 2 : i32
      %add3A_303 = arith.addi %mul3A_61, %add3A_302 : i32
      %broadcast_in_dim3A_304 = arith.constant 0 : i32
      %broadcast_in_dim3A_305 = vector.broadcast %broadcast_in_dim3A_304 : i32 to vector<16xi32>
      %add3A_306 = arith.addi %iota3A, %broadcast_in_dim3A_305 : vector<16xi32>
      %add3A_307 = arith.addi %gather3A_295, %add3A_306 : vector<16xi32>
      %get3A_308 = arith.index_cast %add3A_303 : i32 to index
      %get3A_309 = arith.constant 0 : index
      %get3A_310 = tpu.vector_load %arg9[%get3A_308, %get3A_309] {strides = array<i32>} : memref<384x128xf32, #tpu.memory_space<vmem>>, vector<16xf32>,
      %mul3A_311 = arith.mulf %broadcast_in_dim3A_298, %get3A_310 : vector<16xf32>
      tpu.vector_store_idx %arg14[%add3A_307], %mul3A_311 {add = true} : memref<6144xf32, #tpu.memory_space<vmem>>[vector<16xi32>], vector<16xf32>,
      %get3A_312 = arith.index_cast %add3A_303 : i32 to index
      %get3A_313 = arith.constant 0 : index
      %get3A_314 = tpu.vector_load %arg10[%get3A_312, %get3A_313] {strides = array<i32>} : memref<384x128xf32, #tpu.memory_space<vmem>>, vector<16xf32>,
      %mul3A_315 = arith.mulf %broadcast_in_dim3A_301, %get3A_314 : vector<16xf32>
      tpu.vector_store_idx %arg15[%add3A_307], %mul3A_315 {add = true} : memref<6144xf32, #tpu.memory_space<vmem>>[vector<16xi32>], vector<16xf32>,
      %broadcast_in_dim3A_316 = arith.constant 16 : i32
      %broadcast_in_dim3A_317 = vector.broadcast %broadcast_in_dim3A_316 : i32 to vector<16xi32>
      %add3A_318 = arith.addi %iota3A, %broadcast_in_dim3A_317 : vector<16xi32>
      %add3A_319 = arith.addi %gather3A_295, %add3A_318 : vector<16xi32>
      %get3A_320 = arith.index_cast %add3A_303 : i32 to index
      %get3A_321 = arith.constant 16 : index
      %get3A_322 = tpu.vector_load %arg9[%get3A_320, %get3A_321] {strides = array<i32>} : memref<384x128xf32, #tpu.memory_space<vmem>>, vector<16xf32>,
      %mul3A_323 = arith.mulf %broadcast_in_dim3A_298, %get3A_322 : vector<16xf32>
      tpu.vector_store_idx %arg14[%add3A_319], %mul3A_323 {add = true} : memref<6144xf32, #tpu.memory_space<vmem>>[vector<16xi32>], vector<16xf32>,
      %get3A_324 = arith.index_cast %add3A_303 : i32 to index
      %get3A_325 = arith.constant 16 : index
      %get3A_326 = tpu.vector_load %arg10[%get3A_324, %get3A_325] {strides = array<i32>} : memref<384x128xf32, #tpu.memory_space<vmem>>, vector<16xf32>,
      %mul3A_327 = arith.mulf %broadcast_in_dim3A_301, %get3A_326 : vector<16xf32>
      tpu.vector_store_idx %arg15[%add3A_319], %mul3A_327 {add = true} : memref<6144xf32, #tpu.memory_space<vmem>>[vector<16xi32>], vector<16xf32>,
      %broadcast_in_dim3A_328 = arith.constant 32 : i32
      %broadcast_in_dim3A_329 = vector.broadcast %broadcast_in_dim3A_328 : i32 to vector<16xi32>
      %add3A_330 = arith.addi %iota3A, %broadcast_in_dim3A_329 : vector<16xi32>
      %add3A_331 = arith.addi %gather3A_295, %add3A_330 : vector<16xi32>
      %get3A_332 = arith.index_cast %add3A_303 : i32 to index
      %get3A_333 = arith.constant 32 : index
      %get3A_334 = tpu.vector_load %arg9[%get3A_332, %get3A_333] {strides = array<i32>} : memref<384x128xf32, #tpu.memory_space<vmem>>, vector<16xf32>,
      %mul3A_335 = arith.mulf %broadcast_in_dim3A_298, %get3A_334 : vector<16xf32>
      tpu.vector_store_idx %arg14[%add3A_331], %mul3A_335 {add = true} : memref<6144xf32, #tpu.memory_space<vmem>>[vector<16xi32>], vector<16xf32>,
      %get3A_336 = arith.index_cast %add3A_303 : i32 to index
      %get3A_337 = arith.constant 32 : index
      %get3A_338 = tpu.vector_load %arg10[%get3A_336, %get3A_337] {strides = array<i32>} : memref<384x128xf32, #tpu.memory_space<vmem>>, vector<16xf32>,
      %mul3A_339 = arith.mulf %broadcast_in_dim3A_301, %get3A_338 : vector<16xf32>
      tpu.vector_store_idx %arg15[%add3A_331], %mul3A_339 {add = true} : memref<6144xf32, #tpu.memory_space<vmem>>[vector<16xi32>], vector<16xf32>,
      %broadcast_in_dim3A_340 = arith.constant 48 : i32
      %broadcast_in_dim3A_341 = vector.broadcast %broadcast_in_dim3A_340 : i32 to vector<16xi32>
      %add3A_342 = arith.addi %iota3A, %broadcast_in_dim3A_341 : vector<16xi32>
      %add3A_343 = arith.addi %gather3A_295, %add3A_342 : vector<16xi32>
      %get3A_344 = arith.index_cast %add3A_303 : i32 to index
      %get3A_345 = arith.constant 48 : index
      %get3A_346 = tpu.vector_load %arg9[%get3A_344, %get3A_345] {strides = array<i32>} : memref<384x128xf32, #tpu.memory_space<vmem>>, vector<16xf32>,
      %mul3A_347 = arith.mulf %broadcast_in_dim3A_298, %get3A_346 : vector<16xf32>
      tpu.vector_store_idx %arg14[%add3A_343], %mul3A_347 {add = true} : memref<6144xf32, #tpu.memory_space<vmem>>[vector<16xi32>], vector<16xf32>,
      %get3A_348 = arith.index_cast %add3A_303 : i32 to index
      %get3A_349 = arith.constant 48 : index
      %get3A_350 = tpu.vector_load %arg10[%get3A_348, %get3A_349] {strides = array<i32>} : memref<384x128xf32, #tpu.memory_space<vmem>>, vector<16xf32>,
      %mul3A_351 = arith.mulf %broadcast_in_dim3A_301, %get3A_350 : vector<16xf32>
      tpu.vector_store_idx %arg15[%add3A_343], %mul3A_351 {add = true} : memref<6144xf32, #tpu.memory_space<vmem>>[vector<16xi32>], vector<16xf32>,
      %broadcast_in_dim3A_352 = arith.constant 64 : i32
      %broadcast_in_dim3A_353 = vector.broadcast %broadcast_in_dim3A_352 : i32 to vector<16xi32>
      %add3A_354 = arith.addi %iota3A, %broadcast_in_dim3A_353 : vector<16xi32>
      %add3A_355 = arith.addi %gather3A_295, %add3A_354 : vector<16xi32>
      %get3A_356 = arith.index_cast %add3A_303 : i32 to index
      %get3A_357 = arith.constant 64 : index
      %get3A_358 = tpu.vector_load %arg9[%get3A_356, %get3A_357] {strides = array<i32>} : memref<384x128xf32, #tpu.memory_space<vmem>>, vector<16xf32>,
      %mul3A_359 = arith.mulf %broadcast_in_dim3A_298, %get3A_358 : vector<16xf32>
      tpu.vector_store_idx %arg14[%add3A_355], %mul3A_359 {add = true} : memref<6144xf32, #tpu.memory_space<vmem>>[vector<16xi32>], vector<16xf32>,
      %get3A_360 = arith.index_cast %add3A_303 : i32 to index
      %get3A_361 = arith.constant 64 : index
      %get3A_362 = tpu.vector_load %arg10[%get3A_360, %get3A_361] {strides = array<i32>} : memref<384x128xf32, #tpu.memory_space<vmem>>, vector<16xf32>,
      %mul3A_363 = arith.mulf %broadcast_in_dim3A_301, %get3A_362 : vector<16xf32>
      tpu.vector_store_idx %arg15[%add3A_355], %mul3A_363 {add = true} : memref<6144xf32, #tpu.memory_space<vmem>>[vector<16xi32>], vector<16xf32>,
      %broadcast_in_dim3A_364 = arith.constant 80 : i32
      %broadcast_in_dim3A_365 = vector.broadcast %broadcast_in_dim3A_364 : i32 to vector<16xi32>
      %add3A_366 = arith.addi %iota3A, %broadcast_in_dim3A_365 : vector<16xi32>
      %add3A_367 = arith.addi %gather3A_295, %add3A_366 : vector<16xi32>
      %get3A_368 = arith.index_cast %add3A_303 : i32 to index
      %get3A_369 = arith.constant 80 : index
      %get3A_370 = tpu.vector_load %arg9[%get3A_368, %get3A_369] {strides = array<i32>} : memref<384x128xf32, #tpu.memory_space<vmem>>, vector<16xf32>,
      %mul3A_371 = arith.mulf %broadcast_in_dim3A_298, %get3A_370 : vector<16xf32>
      tpu.vector_store_idx %arg14[%add3A_367], %mul3A_371 {add = true} : memref<6144xf32, #tpu.memory_space<vmem>>[vector<16xi32>], vector<16xf32>,
      %get3A_372 = arith.index_cast %add3A_303 : i32 to index
      %get3A_373 = arith.constant 80 : index
      %get3A_374 = tpu.vector_load %arg10[%get3A_372, %get3A_373] {strides = array<i32>} : memref<384x128xf32, #tpu.memory_space<vmem>>, vector<16xf32>,
      %mul3A_375 = arith.mulf %broadcast_in_dim3A_301, %get3A_374 : vector<16xf32>
      tpu.vector_store_idx %arg15[%add3A_367], %mul3A_375 {add = true} : memref<6144xf32, #tpu.memory_space<vmem>>[vector<16xi32>], vector<16xf32>,
      %broadcast_in_dim3A_376 = arith.constant 96 : i32
      %broadcast_in_dim3A_377 = vector.broadcast %broadcast_in_dim3A_376 : i32 to vector<16xi32>
      %add3A_378 = arith.addi %iota3A, %broadcast_in_dim3A_377 : vector<16xi32>
      %add3A_379 = arith.addi %gather3A_295, %add3A_378 : vector<16xi32>
      %get3A_380 = arith.index_cast %add3A_303 : i32 to index
      %get3A_381 = arith.constant 96 : index
      %get3A_382 = tpu.vector_load %arg9[%get3A_380, %get3A_381] {strides = array<i32>} : memref<384x128xf32, #tpu.memory_space<vmem>>, vector<16xf32>,
      %mul3A_383 = arith.mulf %broadcast_in_dim3A_298, %get3A_382 : vector<16xf32>
      tpu.vector_store_idx %arg14[%add3A_379], %mul3A_383 {add = true} : memref<6144xf32, #tpu.memory_space<vmem>>[vector<16xi32>], vector<16xf32>,
      %get3A_384 = arith.index_cast %add3A_303 : i32 to index
      %get3A_385 = arith.constant 96 : index
      %get3A_386 = tpu.vector_load %arg10[%get3A_384, %get3A_385] {strides = array<i32>} : memref<384x128xf32, #tpu.memory_space<vmem>>, vector<16xf32>,
      %mul3A_387 = arith.mulf %broadcast_in_dim3A_301, %get3A_386 : vector<16xf32>
      tpu.vector_store_idx %arg15[%add3A_379], %mul3A_387 {add = true} : memref<6144xf32, #tpu.memory_space<vmem>>[vector<16xi32>], vector<16xf32>,
      %broadcast_in_dim3A_388 = arith.constant 112 : i32
      %broadcast_in_dim3A_389 = vector.broadcast %broadcast_in_dim3A_388 : i32 to vector<16xi32>
      %add3A_390 = arith.addi %iota3A, %broadcast_in_dim3A_389 : vector<16xi32>
      %add3A_391 = arith.addi %gather3A_295, %add3A_390 : vector<16xi32>
      %get3A_392 = arith.index_cast %add3A_303 : i32 to index
      %get3A_393 = arith.constant 112 : index
      %get3A_394 = tpu.vector_load %arg9[%get3A_392, %get3A_393] {strides = array<i32>} : memref<384x128xf32, #tpu.memory_space<vmem>>, vector<16xf32>,
      %mul3A_395 = arith.mulf %broadcast_in_dim3A_298, %get3A_394 : vector<16xf32>
      tpu.vector_store_idx %arg14[%add3A_391], %mul3A_395 {add = true} : memref<6144xf32, #tpu.memory_space<vmem>>[vector<16xi32>], vector<16xf32>,
      %get3A_396 = arith.index_cast %add3A_303 : i32 to index
      %get3A_397 = arith.constant 112 : index
      %get3A_398 = tpu.vector_load %arg10[%get3A_396, %get3A_397] {strides = array<i32>} : memref<384x128xf32, #tpu.memory_space<vmem>>, vector<16xf32>,
      %mul3A_399 = arith.mulf %broadcast_in_dim3A_301, %get3A_398 : vector<16xf32>
      tpu.vector_store_idx %arg15[%add3A_391], %mul3A_399 {add = true} : memref<6144xf32, #tpu.memory_space<vmem>>[vector<16xi32>], vector<16xf32>,
      %broadcast_in_dim3A_400 = arith.constant 3 : i32
      %broadcast_in_dim3A_401 = vector.broadcast %broadcast_in_dim3A_400 : i32 to vector<16x1xi32>
      %gather3A_402 = vector.shape_cast %broadcast_in_dim3A_401 : vector<16x1xi32> to vector<16xi32>
      %gather3A_403 = tpu.dynamic_gather %mul3A_78[%gather3A_402] in [0] : vector<16xi32>, vector<16xi32> -> vector<16xi32>
      %slice3A_404 = vector.extract_strided_slice %get3A_64 {offsets = [3], sizes = [1], strides = [1]} : vector<16xf32> to vector<1xf32>
      %squeeze3A_405 = vector.extract %slice3A_404[0] : f32 from vector<1xf32>
      %broadcast_in_dim3A_406 = vector.broadcast %squeeze3A_405 : f32 to vector<16xf32>
      %slice3A_407 = vector.extract_strided_slice %get3A_66 {offsets = [3], sizes = [1], strides = [1]} : vector<16xf32> to vector<1xf32>
      %squeeze3A_408 = vector.extract %slice3A_407[0] : f32 from vector<1xf32>
      %broadcast_in_dim3A_409 = vector.broadcast %squeeze3A_408 : f32 to vector<16xf32>
      %add3A_410 = arith.constant 3 : i32
      %add3A_411 = arith.addi %mul3A_61, %add3A_410 : i32
      %broadcast_in_dim3A_412 = arith.constant 0 : i32
      %broadcast_in_dim3A_413 = vector.broadcast %broadcast_in_dim3A_412 : i32 to vector<16xi32>
      %add3A_414 = arith.addi %iota3A, %broadcast_in_dim3A_413 : vector<16xi32>
      %add3A_415 = arith.addi %gather3A_403, %add3A_414 : vector<16xi32>
      %get3A_416 = arith.index_cast %add3A_411 : i32 to index
      %get3A_417 = arith.constant 0 : index
      %get3A_418 = tpu.vector_load %arg9[%get3A_416, %get3A_417] {strides = array<i32>} : memref<384x128xf32, #tpu.memory_space<vmem>>, vector<16xf32>,
      %mul3A_419 = arith.mulf %broadcast_in_dim3A_406, %get3A_418 : vector<16xf32>
      tpu.vector_store_idx %arg14[%add3A_415], %mul3A_419 {add = true} : memref<6144xf32, #tpu.memory_space<vmem>>[vector<16xi32>], vector<16xf32>,
      %get3A_420 = arith.index_cast %add3A_411 : i32 to index
      %get3A_421 = arith.constant 0 : index
      %get3A_422 = tpu.vector_load %arg10[%get3A_420, %get3A_421] {strides = array<i32>} : memref<384x128xf32, #tpu.memory_space<vmem>>, vector<16xf32>,
      %mul3A_423 = arith.mulf %broadcast_in_dim3A_409, %get3A_422 : vector<16xf32>
      tpu.vector_store_idx %arg15[%add3A_415], %mul3A_423 {add = true} : memref<6144xf32, #tpu.memory_space<vmem>>[vector<16xi32>], vector<16xf32>,
      %broadcast_in_dim3A_424 = arith.constant 16 : i32
      %broadcast_in_dim3A_425 = vector.broadcast %broadcast_in_dim3A_424 : i32 to vector<16xi32>
      %add3A_426 = arith.addi %iota3A, %broadcast_in_dim3A_425 : vector<16xi32>
      %add3A_427 = arith.addi %gather3A_403, %add3A_426 : vector<16xi32>
      %get3A_428 = arith.index_cast %add3A_411 : i32 to index
      %get3A_429 = arith.constant 16 : index
      %get3A_430 = tpu.vector_load %arg9[%get3A_428, %get3A_429] {strides = array<i32>} : memref<384x128xf32, #tpu.memory_space<vmem>>, vector<16xf32>,
      %mul3A_431 = arith.mulf %broadcast_in_dim3A_406, %get3A_430 : vector<16xf32>
      tpu.vector_store_idx %arg14[%add3A_427], %mul3A_431 {add = true} : memref<6144xf32, #tpu.memory_space<vmem>>[vector<16xi32>], vector<16xf32>,
      %get3A_432 = arith.index_cast %add3A_411 : i32 to index
      %get3A_433 = arith.constant 16 : index
      %get3A_434 = tpu.vector_load %arg10[%get3A_432, %get3A_433] {strides = array<i32>} : memref<384x128xf32, #tpu.memory_space<vmem>>, vector<16xf32>,
      %mul3A_435 = arith.mulf %broadcast_in_dim3A_409, %get3A_434 : vector<16xf32>
      tpu.vector_store_idx %arg15[%add3A_427], %mul3A_435 {add = true} : memref<6144xf32, #tpu.memory_space<vmem>>[vector<16xi32>], vector<16xf32>,
      %broadcast_in_dim3A_436 = arith.constant 32 : i32
      %broadcast_in_dim3A_437 = vector.broadcast %broadcast_in_dim3A_436 : i32 to vector<16xi32>
      %add3A_438 = arith.addi %iota3A, %broadcast_in_dim3A_437 : vector<16xi32>
      %add3A_439 = arith.addi %gather3A_403, %add3A_438 : vector<16xi32>
      %get3A_440 = arith.index_cast %add3A_411 : i32 to index
      %get3A_441 = arith.constant 32 : index
      %get3A_442 = tpu.vector_load %arg9[%get3A_440, %get3A_441] {strides = array<i32>} : memref<384x128xf32, #tpu.memory_space<vmem>>, vector<16xf32>,
      %mul3A_443 = arith.mulf %broadcast_in_dim3A_406, %get3A_442 : vector<16xf32>
      tpu.vector_store_idx %arg14[%add3A_439], %mul3A_443 {add = true} : memref<6144xf32, #tpu.memory_space<vmem>>[vector<16xi32>], vector<16xf32>,
      %get3A_444 = arith.index_cast %add3A_411 : i32 to index
      %get3A_445 = arith.constant 32 : index
      %get3A_446 = tpu.vector_load %arg10[%get3A_444, %get3A_445] {strides = array<i32>} : memref<384x128xf32, #tpu.memory_space<vmem>>, vector<16xf32>,
      %mul3A_447 = arith.mulf %broadcast_in_dim3A_409, %get3A_446 : vector<16xf32>
      tpu.vector_store_idx %arg15[%add3A_439], %mul3A_447 {add = true} : memref<6144xf32, #tpu.memory_space<vmem>>[vector<16xi32>], vector<16xf32>,
      %broadcast_in_dim3A_448 = arith.constant 48 : i32
      %broadcast_in_dim3A_449 = vector.broadcast %broadcast_in_dim3A_448 : i32 to vector<16xi32>
      %add3A_450 = arith.addi %iota3A, %broadcast_in_dim3A_449 : vector<16xi32>
      %add3A_451 = arith.addi %gather3A_403, %add3A_450 : vector<16xi32>
      %get3A_452 = arith.index_cast %add3A_411 : i32 to index
      %get3A_453 = arith.constant 48 : index
      %get3A_454 = tpu.vector_load %arg9[%get3A_452, %get3A_453] {strides = array<i32>} : memref<384x128xf32, #tpu.memory_space<vmem>>, vector<16xf32>,
      %mul3A_455 = arith.mulf %broadcast_in_dim3A_406, %get3A_454 : vector<16xf32>
      tpu.vector_store_idx %arg14[%add3A_451], %mul3A_455 {add = true} : memref<6144xf32, #tpu.memory_space<vmem>>[vector<16xi32>], vector<16xf32>,
      %get3A_456 = arith.index_cast %add3A_411 : i32 to index
      %get3A_457 = arith.constant 48 : index
      %get3A_458 = tpu.vector_load %arg10[%get3A_456, %get3A_457] {strides = array<i32>} : memref<384x128xf32, #tpu.memory_space<vmem>>, vector<16xf32>,
      %mul3A_459 = arith.mulf %broadcast_in_dim3A_409, %get3A_458 : vector<16xf32>
      tpu.vector_store_idx %arg15[%add3A_451], %mul3A_459 {add = true} : memref<6144xf32, #tpu.memory_space<vmem>>[vector<16xi32>], vector<16xf32>,
      %broadcast_in_dim3A_460 = arith.constant 64 : i32
      %broadcast_in_dim3A_461 = vector.broadcast %broadcast_in_dim3A_460 : i32 to vector<16xi32>
      %add3A_462 = arith.addi %iota3A, %broadcast_in_dim3A_461 : vector<16xi32>
      %add3A_463 = arith.addi %gather3A_403, %add3A_462 : vector<16xi32>
      %get3A_464 = arith.index_cast %add3A_411 : i32 to index
      %get3A_465 = arith.constant 64 : index
      %get3A_466 = tpu.vector_load %arg9[%get3A_464, %get3A_465] {strides = array<i32>} : memref<384x128xf32, #tpu.memory_space<vmem>>, vector<16xf32>,
      %mul3A_467 = arith.mulf %broadcast_in_dim3A_406, %get3A_466 : vector<16xf32>
      tpu.vector_store_idx %arg14[%add3A_463], %mul3A_467 {add = true} : memref<6144xf32, #tpu.memory_space<vmem>>[vector<16xi32>], vector<16xf32>,
      %get3A_468 = arith.index_cast %add3A_411 : i32 to index
      %get3A_469 = arith.constant 64 : index
      %get3A_470 = tpu.vector_load %arg10[%get3A_468, %get3A_469] {strides = array<i32>} : memref<384x128xf32, #tpu.memory_space<vmem>>, vector<16xf32>,
      %mul3A_471 = arith.mulf %broadcast_in_dim3A_409, %get3A_470 : vector<16xf32>
      tpu.vector_store_idx %arg15[%add3A_463], %mul3A_471 {add = true} : memref<6144xf32, #tpu.memory_space<vmem>>[vector<16xi32>], vector<16xf32>,
      %broadcast_in_dim3A_472 = arith.constant 80 : i32
      %broadcast_in_dim3A_473 = vector.broadcast %broadcast_in_dim3A_472 : i32 to vector<16xi32>
      %add3A_474 = arith.addi %iota3A, %broadcast_in_dim3A_473 : vector<16xi32>
      %add3A_475 = arith.addi %gather3A_403, %add3A_474 : vector<16xi32>
      %get3A_476 = arith.index_cast %add3A_411 : i32 to index
      %get3A_477 = arith.constant 80 : index
      %get3A_478 = tpu.vector_load %arg9[%get3A_476, %get3A_477] {strides = array<i32>} : memref<384x128xf32, #tpu.memory_space<vmem>>, vector<16xf32>,
      %mul3A_479 = arith.mulf %broadcast_in_dim3A_406, %get3A_478 : vector<16xf32>
      tpu.vector_store_idx %arg14[%add3A_475], %mul3A_479 {add = true} : memref<6144xf32, #tpu.memory_space<vmem>>[vector<16xi32>], vector<16xf32>,
      %get3A_480 = arith.index_cast %add3A_411 : i32 to index
      %get3A_481 = arith.constant 80 : index
      %get3A_482 = tpu.vector_load %arg10[%get3A_480, %get3A_481] {strides = array<i32>} : memref<384x128xf32, #tpu.memory_space<vmem>>, vector<16xf32>,
      %mul3A_483 = arith.mulf %broadcast_in_dim3A_409, %get3A_482 : vector<16xf32>
      tpu.vector_store_idx %arg15[%add3A_475], %mul3A_483 {add = true} : memref<6144xf32, #tpu.memory_space<vmem>>[vector<16xi32>], vector<16xf32>,
      %broadcast_in_dim3A_484 = arith.constant 96 : i32
      %broadcast_in_dim3A_485 = vector.broadcast %broadcast_in_dim3A_484 : i32 to vector<16xi32>
      %add3A_486 = arith.addi %iota3A, %broadcast_in_dim3A_485 : vector<16xi32>
      %add3A_487 = arith.addi %gather3A_403, %add3A_486 : vector<16xi32>
      %get3A_488 = arith.index_cast %add3A_411 : i32 to index
      %get3A_489 = arith.constant 96 : index
      %get3A_490 = tpu.vector_load %arg9[%get3A_488, %get3A_489] {strides = array<i32>} : memref<384x128xf32, #tpu.memory_space<vmem>>, vector<16xf32>,
      %mul3A_491 = arith.mulf %broadcast_in_dim3A_406, %get3A_490 : vector<16xf32>
      tpu.vector_store_idx %arg14[%add3A_487], %mul3A_491 {add = true} : memref<6144xf32, #tpu.memory_space<vmem>>[vector<16xi32>], vector<16xf32>,
      %get3A_492 = arith.index_cast %add3A_411 : i32 to index
      %get3A_493 = arith.constant 96 : index
      %get3A_494 = tpu.vector_load %arg10[%get3A_492, %get3A_493] {strides = array<i32>} : memref<384x128xf32, #tpu.memory_space<vmem>>, vector<16xf32>,
      %mul3A_495 = arith.mulf %broadcast_in_dim3A_409, %get3A_494 : vector<16xf32>
      tpu.vector_store_idx %arg15[%add3A_487], %mul3A_495 {add = true} : memref<6144xf32, #tpu.memory_space<vmem>>[vector<16xi32>], vector<16xf32>,
      %broadcast_in_dim3A_496 = arith.constant 112 : i32
      %broadcast_in_dim3A_497 = vector.broadcast %broadcast_in_dim3A_496 : i32 to vector<16xi32>
      %add3A_498 = arith.addi %iota3A, %broadcast_in_dim3A_497 : vector<16xi32>
      %add3A_499 = arith.addi %gather3A_403, %add3A_498 : vector<16xi32>
      %get3A_500 = arith.index_cast %add3A_411 : i32 to index
      %get3A_501 = arith.constant 112 : index
      %get3A_502 = tpu.vector_load %arg9[%get3A_500, %get3A_501] {strides = array<i32>} : memref<384x128xf32, #tpu.memory_space<vmem>>, vector<16xf32>,
      %mul3A_503 = arith.mulf %broadcast_in_dim3A_406, %get3A_502 : vector<16xf32>
      tpu.vector_store_idx %arg14[%add3A_499], %mul3A_503 {add = true} : memref<6144xf32, #tpu.memory_space<vmem>>[vector<16xi32>], vector<16xf32>,
      %get3A_504 = arith.index_cast %add3A_411 : i32 to index
      %get3A_505 = arith.constant 112 : index
      %get3A_506 = tpu.vector_load %arg10[%get3A_504, %get3A_505] {strides = array<i32>} : memref<384x128xf32, #tpu.memory_space<vmem>>, vector<16xf32>,
      %mul3A_507 = arith.mulf %broadcast_in_dim3A_409, %get3A_506 : vector<16xf32>
      tpu.vector_store_idx %arg15[%add3A_499], %mul3A_507 {add = true} : memref<6144xf32, #tpu.memory_space<vmem>>[vector<16xi32>], vector<16xf32>,
      %broadcast_in_dim3A_508 = arith.constant 4 : i32
      %broadcast_in_dim3A_509 = vector.broadcast %broadcast_in_dim3A_508 : i32 to vector<16x1xi32>
      %gather3A_510 = vector.shape_cast %broadcast_in_dim3A_509 : vector<16x1xi32> to vector<16xi32>
      %gather3A_511 = tpu.dynamic_gather %mul3A_78[%gather3A_510] in [0] : vector<16xi32>, vector<16xi32> -> vector<16xi32>
      %slice3A_512 = vector.extract_strided_slice %get3A_64 {offsets = [4], sizes = [1], strides = [1]} : vector<16xf32> to vector<1xf32>
      %squeeze3A_513 = vector.extract %slice3A_512[0] : f32 from vector<1xf32>
      %broadcast_in_dim3A_514 = vector.broadcast %squeeze3A_513 : f32 to vector<16xf32>
      %slice3A_515 = vector.extract_strided_slice %get3A_66 {offsets = [4], sizes = [1], strides = [1]} : vector<16xf32> to vector<1xf32>
      %squeeze3A_516 = vector.extract %slice3A_515[0] : f32 from vector<1xf32>
      %broadcast_in_dim3A_517 = vector.broadcast %squeeze3A_516 : f32 to vector<16xf32>
      %add3A_518 = arith.constant 4 : i32
      %add3A_519 = arith.addi %mul3A_61, %add3A_518 : i32
      %broadcast_in_dim3A_520 = arith.constant 0 : i32
      %broadcast_in_dim3A_521 = vector.broadcast %broadcast_in_dim3A_520 : i32 to vector<16xi32>
      %add3A_522 = arith.addi %iota3A, %broadcast_in_dim3A_521 : vector<16xi32>
      %add3A_523 = arith.addi %gather3A_511, %add3A_522 : vector<16xi32>
      %get3A_524 = arith.index_cast %add3A_519 : i32 to index
      %get3A_525 = arith.constant 0 : index
      %get3A_526 = tpu.vector_load %arg9[%get3A_524, %get3A_525] {strides = array<i32>} : memref<384x128xf32, #tpu.memory_space<vmem>>, vector<16xf32>,
      %mul3A_527 = arith.mulf %broadcast_in_dim3A_514, %get3A_526 : vector<16xf32>
      tpu.vector_store_idx %arg14[%add3A_523], %mul3A_527 {add = true} : memref<6144xf32, #tpu.memory_space<vmem>>[vector<16xi32>], vector<16xf32>,
      %get3A_528 = arith.index_cast %add3A_519 : i32 to index
      %get3A_529 = arith.constant 0 : index
      %get3A_530 = tpu.vector_load %arg10[%get3A_528, %get3A_529] {strides = array<i32>} : memref<384x128xf32, #tpu.memory_space<vmem>>, vector<16xf32>,
      %mul3A_531 = arith.mulf %broadcast_in_dim3A_517, %get3A_530 : vector<16xf32>
      tpu.vector_store_idx %arg15[%add3A_523], %mul3A_531 {add = true} : memref<6144xf32, #tpu.memory_space<vmem>>[vector<16xi32>], vector<16xf32>,
      %broadcast_in_dim3A_532 = arith.constant 16 : i32
      %broadcast_in_dim3A_533 = vector.broadcast %broadcast_in_dim3A_532 : i32 to vector<16xi32>
      %add3A_534 = arith.addi %iota3A, %broadcast_in_dim3A_533 : vector<16xi32>
      %add3A_535 = arith.addi %gather3A_511, %add3A_534 : vector<16xi32>
      %get3A_536 = arith.index_cast %add3A_519 : i32 to index
      %get3A_537 = arith.constant 16 : index
      %get3A_538 = tpu.vector_load %arg9[%get3A_536, %get3A_537] {strides = array<i32>} : memref<384x128xf32, #tpu.memory_space<vmem>>, vector<16xf32>,
      %mul3A_539 = arith.mulf %broadcast_in_dim3A_514, %get3A_538 : vector<16xf32>
      tpu.vector_store_idx %arg14[%add3A_535], %mul3A_539 {add = true} : memref<6144xf32, #tpu.memory_space<vmem>>[vector<16xi32>], vector<16xf32>,
      %get3A_540 = arith.index_cast %add3A_519 : i32 to index
      %get3A_541 = arith.constant 16 : index
      %get3A_542 = tpu.vector_load %arg10[%get3A_540, %get3A_541] {strides = array<i32>} : memref<384x128xf32, #tpu.memory_space<vmem>>, vector<16xf32>,
      %mul3A_543 = arith.mulf %broadcast_in_dim3A_517, %get3A_542 : vector<16xf32>
      tpu.vector_store_idx %arg15[%add3A_535], %mul3A_543 {add = true} : memref<6144xf32, #tpu.memory_space<vmem>>[vector<16xi32>], vector<16xf32>,
      %broadcast_in_dim3A_544 = arith.constant 32 : i32
      %broadcast_in_dim3A_545 = vector.broadcast %broadcast_in_dim3A_544 : i32 to vector<16xi32>
      %add3A_546 = arith.addi %iota3A, %broadcast_in_dim3A_545 : vector<16xi32>
      %add3A_547 = arith.addi %gather3A_511, %add3A_546 : vector<16xi32>
      %get3A_548 = arith.index_cast %add3A_519 : i32 to index
      %get3A_549 = arith.constant 32 : index
      %get3A_550 = tpu.vector_load %arg9[%get3A_548, %get3A_549] {strides = array<i32>} : memref<384x128xf32, #tpu.memory_space<vmem>>, vector<16xf32>,
      %mul3A_551 = arith.mulf %broadcast_in_dim3A_514, %get3A_550 : vector<16xf32>
      tpu.vector_store_idx %arg14[%add3A_547], %mul3A_551 {add = true} : memref<6144xf32, #tpu.memory_space<vmem>>[vector<16xi32>], vector<16xf32>,
      %get3A_552 = arith.index_cast %add3A_519 : i32 to index
      %get3A_553 = arith.constant 32 : index
      %get3A_554 = tpu.vector_load %arg10[%get3A_552, %get3A_553] {strides = array<i32>} : memref<384x128xf32, #tpu.memory_space<vmem>>, vector<16xf32>,
      %mul3A_555 = arith.mulf %broadcast_in_dim3A_517, %get3A_554 : vector<16xf32>
      tpu.vector_store_idx %arg15[%add3A_547], %mul3A_555 {add = true} : memref<6144xf32, #tpu.memory_space<vmem>>[vector<16xi32>], vector<16xf32>,
      %broadcast_in_dim3A_556 = arith.constant 48 : i32
      %broadcast_in_dim3A_557 = vector.broadcast %broadcast_in_dim3A_556 : i32 to vector<16xi32>
      %add3A_558 = arith.addi %iota3A, %broadcast_in_dim3A_557 : vector<16xi32>
      %add3A_559 = arith.addi %gather3A_511, %add3A_558 : vector<16xi32>
      %get3A_560 = arith.index_cast %add3A_519 : i32 to index
      %get3A_561 = arith.constant 48 : index
      %get3A_562 = tpu.vector_load %arg9[%get3A_560, %get3A_561] {strides = array<i32>} : memref<384x128xf32, #tpu.memory_space<vmem>>, vector<16xf32>,
      %mul3A_563 = arith.mulf %broadcast_in_dim3A_514, %get3A_562 : vector<16xf32>
      tpu.vector_store_idx %arg14[%add3A_559], %mul3A_563 {add = true} : memref<6144xf32, #tpu.memory_space<vmem>>[vector<16xi32>], vector<16xf32>,
      %get3A_564 = arith.index_cast %add3A_519 : i32 to index
      %get3A_565 = arith.constant 48 : index
      %get3A_566 = tpu.vector_load %arg10[%get3A_564, %get3A_565] {strides = array<i32>} : memref<384x128xf32, #tpu.memory_space<vmem>>, vector<16xf32>,
      %mul3A_567 = arith.mulf %broadcast_in_dim3A_517, %get3A_566 : vector<16xf32>
      tpu.vector_store_idx %arg15[%add3A_559], %mul3A_567 {add = true} : memref<6144xf32, #tpu.memory_space<vmem>>[vector<16xi32>], vector<16xf32>,
      %broadcast_in_dim3A_568 = arith.constant 64 : i32
      %broadcast_in_dim3A_569 = vector.broadcast %broadcast_in_dim3A_568 : i32 to vector<16xi32>
      %add3A_570 = arith.addi %iota3A, %broadcast_in_dim3A_569 : vector<16xi32>
      %add3A_571 = arith.addi %gather3A_511, %add3A_570 : vector<16xi32>
      %get3A_572 = arith.index_cast %add3A_519 : i32 to index
      %get3A_573 = arith.constant 64 : index
      %get3A_574 = tpu.vector_load %arg9[%get3A_572, %get3A_573] {strides = array<i32>} : memref<384x128xf32, #tpu.memory_space<vmem>>, vector<16xf32>,
      %mul3A_575 = arith.mulf %broadcast_in_dim3A_514, %get3A_574 : vector<16xf32>
      tpu.vector_store_idx %arg14[%add3A_571], %mul3A_575 {add = true} : memref<6144xf32, #tpu.memory_space<vmem>>[vector<16xi32>], vector<16xf32>,
      %get3A_576 = arith.index_cast %add3A_519 : i32 to index
      %get3A_577 = arith.constant 64 : index
      %get3A_578 = tpu.vector_load %arg10[%get3A_576, %get3A_577] {strides = array<i32>} : memref<384x128xf32, #tpu.memory_space<vmem>>, vector<16xf32>,
      %mul3A_579 = arith.mulf %broadcast_in_dim3A_517, %get3A_578 : vector<16xf32>
      tpu.vector_store_idx %arg15[%add3A_571], %mul3A_579 {add = true} : memref<6144xf32, #tpu.memory_space<vmem>>[vector<16xi32>], vector<16xf32>,
      %broadcast_in_dim3A_580 = arith.constant 80 : i32
      %broadcast_in_dim3A_581 = vector.broadcast %broadcast_in_dim3A_580 : i32 to vector<16xi32>
      %add3A_582 = arith.addi %iota3A, %broadcast_in_dim3A_581 : vector<16xi32>
      %add3A_583 = arith.addi %gather3A_511, %add3A_582 : vector<16xi32>
      %get3A_584 = arith.index_cast %add3A_519 : i32 to index
      %get3A_585 = arith.constant 80 : index
      %get3A_586 = tpu.vector_load %arg9[%get3A_584, %get3A_585] {strides = array<i32>} : memref<384x128xf32, #tpu.memory_space<vmem>>, vector<16xf32>,
      %mul3A_587 = arith.mulf %broadcast_in_dim3A_514, %get3A_586 : vector<16xf32>
      tpu.vector_store_idx %arg14[%add3A_583], %mul3A_587 {add = true} : memref<6144xf32, #tpu.memory_space<vmem>>[vector<16xi32>], vector<16xf32>,
      %get3A_588 = arith.index_cast %add3A_519 : i32 to index
      %get3A_589 = arith.constant 80 : index
      %get3A_590 = tpu.vector_load %arg10[%get3A_588, %get3A_589] {strides = array<i32>} : memref<384x128xf32, #tpu.memory_space<vmem>>, vector<16xf32>,
      %mul3A_591 = arith.mulf %broadcast_in_dim3A_517, %get3A_590 : vector<16xf32>
      tpu.vector_store_idx %arg15[%add3A_583], %mul3A_591 {add = true} : memref<6144xf32, #tpu.memory_space<vmem>>[vector<16xi32>], vector<16xf32>,
      %broadcast_in_dim3A_592 = arith.constant 96 : i32
      %broadcast_in_dim3A_593 = vector.broadcast %broadcast_in_dim3A_592 : i32 to vector<16xi32>
      %add3A_594 = arith.addi %iota3A, %broadcast_in_dim3A_593 : vector<16xi32>
      %add3A_595 = arith.addi %gather3A_511, %add3A_594 : vector<16xi32>
      %get3A_596 = arith.index_cast %add3A_519 : i32 to index
      %get3A_597 = arith.constant 96 : index
      %get3A_598 = tpu.vector_load %arg9[%get3A_596, %get3A_597] {strides = array<i32>} : memref<384x128xf32, #tpu.memory_space<vmem>>, vector<16xf32>,
      %mul3A_599 = arith.mulf %broadcast_in_dim3A_514, %get3A_598 : vector<16xf32>
      tpu.vector_store_idx %arg14[%add3A_595], %mul3A_599 {add = true} : memref<6144xf32, #tpu.memory_space<vmem>>[vector<16xi32>], vector<16xf32>,
      %get3A_600 = arith.index_cast %add3A_519 : i32 to index
      %get3A_601 = arith.constant 96 : index
      %get3A_602 = tpu.vector_load %arg10[%get3A_600, %get3A_601] {strides = array<i32>} : memref<384x128xf32, #tpu.memory_space<vmem>>, vector<16xf32>,
      %mul3A_603 = arith.mulf %broadcast_in_dim3A_517, %get3A_602 : vector<16xf32>
      tpu.vector_store_idx %arg15[%add3A_595], %mul3A_603 {add = true} : memref<6144xf32, #tpu.memory_space<vmem>>[vector<16xi32>], vector<16xf32>,
      %broadcast_in_dim3A_604 = arith.constant 112 : i32
      %broadcast_in_dim3A_605 = vector.broadcast %broadcast_in_dim3A_604 : i32 to vector<16xi32>
      %add3A_606 = arith.addi %iota3A, %broadcast_in_dim3A_605 : vector<16xi32>
      %add3A_607 = arith.addi %gather3A_511, %add3A_606 : vector<16xi32>
      %get3A_608 = arith.index_cast %add3A_519 : i32 to index
      %get3A_609 = arith.constant 112 : index
      %get3A_610 = tpu.vector_load %arg9[%get3A_608, %get3A_609] {strides = array<i32>} : memref<384x128xf32, #tpu.memory_space<vmem>>, vector<16xf32>,
      %mul3A_611 = arith.mulf %broadcast_in_dim3A_514, %get3A_610 : vector<16xf32>
      tpu.vector_store_idx %arg14[%add3A_607], %mul3A_611 {add = true} : memref<6144xf32, #tpu.memory_space<vmem>>[vector<16xi32>], vector<16xf32>,
      %get3A_612 = arith.index_cast %add3A_519 : i32 to index
      %get3A_613 = arith.constant 112 : index
      %get3A_614 = tpu.vector_load %arg10[%get3A_612, %get3A_613] {strides = array<i32>} : memref<384x128xf32, #tpu.memory_space<vmem>>, vector<16xf32>,
      %mul3A_615 = arith.mulf %broadcast_in_dim3A_517, %get3A_614 : vector<16xf32>
      tpu.vector_store_idx %arg15[%add3A_607], %mul3A_615 {add = true} : memref<6144xf32, #tpu.memory_space<vmem>>[vector<16xi32>], vector<16xf32>,
      %broadcast_in_dim3A_616 = arith.constant 5 : i32
      %broadcast_in_dim3A_617 = vector.broadcast %broadcast_in_dim3A_616 : i32 to vector<16x1xi32>
      %gather3A_618 = vector.shape_cast %broadcast_in_dim3A_617 : vector<16x1xi32> to vector<16xi32>
      %gather3A_619 = tpu.dynamic_gather %mul3A_78[%gather3A_618] in [0] : vector<16xi32>, vector<16xi32> -> vector<16xi32>
      %slice3A_620 = vector.extract_strided_slice %get3A_64 {offsets = [5], sizes = [1], strides = [1]} : vector<16xf32> to vector<1xf32>
      %squeeze3A_621 = vector.extract %slice3A_620[0] : f32 from vector<1xf32>
      %broadcast_in_dim3A_622 = vector.broadcast %squeeze3A_621 : f32 to vector<16xf32>
      %slice3A_623 = vector.extract_strided_slice %get3A_66 {offsets = [5], sizes = [1], strides = [1]} : vector<16xf32> to vector<1xf32>
      %squeeze3A_624 = vector.extract %slice3A_623[0] : f32 from vector<1xf32>
      %broadcast_in_dim3A_625 = vector.broadcast %squeeze3A_624 : f32 to vector<16xf32>
      %add3A_626 = arith.constant 5 : i32
      %add3A_627 = arith.addi %mul3A_61, %add3A_626 : i32
      %broadcast_in_dim3A_628 = arith.constant 0 : i32
      %broadcast_in_dim3A_629 = vector.broadcast %broadcast_in_dim3A_628 : i32 to vector<16xi32>
      %add3A_630 = arith.addi %iota3A, %broadcast_in_dim3A_629 : vector<16xi32>
      %add3A_631 = arith.addi %gather3A_619, %add3A_630 : vector<16xi32>
      %get3A_632 = arith.index_cast %add3A_627 : i32 to index
      %get3A_633 = arith.constant 0 : index
      %get3A_634 = tpu.vector_load %arg9[%get3A_632, %get3A_633] {strides = array<i32>} : memref<384x128xf32, #tpu.memory_space<vmem>>, vector<16xf32>,
      %mul3A_635 = arith.mulf %broadcast_in_dim3A_622, %get3A_634 : vector<16xf32>
      tpu.vector_store_idx %arg14[%add3A_631], %mul3A_635 {add = true} : memref<6144xf32, #tpu.memory_space<vmem>>[vector<16xi32>], vector<16xf32>,
      %get3A_636 = arith.index_cast %add3A_627 : i32 to index
      %get3A_637 = arith.constant 0 : index
      %get3A_638 = tpu.vector_load %arg10[%get3A_636, %get3A_637] {strides = array<i32>} : memref<384x128xf32, #tpu.memory_space<vmem>>, vector<16xf32>,
      %mul3A_639 = arith.mulf %broadcast_in_dim3A_625, %get3A_638 : vector<16xf32>
      tpu.vector_store_idx %arg15[%add3A_631], %mul3A_639 {add = true} : memref<6144xf32, #tpu.memory_space<vmem>>[vector<16xi32>], vector<16xf32>,
      %broadcast_in_dim3A_640 = arith.constant 16 : i32
      %broadcast_in_dim3A_641 = vector.broadcast %broadcast_in_dim3A_640 : i32 to vector<16xi32>
      %add3A_642 = arith.addi %iota3A, %broadcast_in_dim3A_641 : vector<16xi32>
      %add3A_643 = arith.addi %gather3A_619, %add3A_642 : vector<16xi32>
      %get3A_644 = arith.index_cast %add3A_627 : i32 to index
      %get3A_645 = arith.constant 16 : index
      %get3A_646 = tpu.vector_load %arg9[%get3A_644, %get3A_645] {strides = array<i32>} : memref<384x128xf32, #tpu.memory_space<vmem>>, vector<16xf32>,
      %mul3A_647 = arith.mulf %broadcast_in_dim3A_622, %get3A_646 : vector<16xf32>
      tpu.vector_store_idx %arg14[%add3A_643], %mul3A_647 {add = true} : memref<6144xf32, #tpu.memory_space<vmem>>[vector<16xi32>], vector<16xf32>,
      %get3A_648 = arith.index_cast %add3A_627 : i32 to index
      %get3A_649 = arith.constant 16 : index
      %get3A_650 = tpu.vector_load %arg10[%get3A_648, %get3A_649] {strides = array<i32>} : memref<384x128xf32, #tpu.memory_space<vmem>>, vector<16xf32>,
      %mul3A_651 = arith.mulf %broadcast_in_dim3A_625, %get3A_650 : vector<16xf32>
      tpu.vector_store_idx %arg15[%add3A_643], %mul3A_651 {add = true} : memref<6144xf32, #tpu.memory_space<vmem>>[vector<16xi32>], vector<16xf32>,
      %broadcast_in_dim3A_652 = arith.constant 32 : i32
      %broadcast_in_dim3A_653 = vector.broadcast %broadcast_in_dim3A_652 : i32 to vector<16xi32>
      %add3A_654 = arith.addi %iota3A, %broadcast_in_dim3A_653 : vector<16xi32>
      %add3A_655 = arith.addi %gather3A_619, %add3A_654 : vector<16xi32>
      %get3A_656 = arith.index_cast %add3A_627 : i32 to index
      %get3A_657 = arith.constant 32 : index
      %get3A_658 = tpu.vector_load %arg9[%get3A_656, %get3A_657] {strides = array<i32>} : memref<384x128xf32, #tpu.memory_space<vmem>>, vector<16xf32>,
      %mul3A_659 = arith.mulf %broadcast_in_dim3A_622, %get3A_658 : vector<16xf32>
      tpu.vector_store_idx %arg14[%add3A_655], %mul3A_659 {add = true} : memref<6144xf32, #tpu.memory_space<vmem>>[vector<16xi32>], vector<16xf32>,
      %get3A_660 = arith.index_cast %add3A_627 : i32 to index
      %get3A_661 = arith.constant 32 : index
      %get3A_662 = tpu.vector_load %arg10[%get3A_660, %get3A_661] {strides = array<i32>} : memref<384x128xf32, #tpu.memory_space<vmem>>, vector<16xf32>,
      %mul3A_663 = arith.mulf %broadcast_in_dim3A_625, %get3A_662 : vector<16xf32>
      tpu.vector_store_idx %arg15[%add3A_655], %mul3A_663 {add = true} : memref<6144xf32, #tpu.memory_space<vmem>>[vector<16xi32>], vector<16xf32>,
      %broadcast_in_dim3A_664 = arith.constant 48 : i32
      %broadcast_in_dim3A_665 = vector.broadcast %broadcast_in_dim3A_664 : i32 to vector<16xi32>
      %add3A_666 = arith.addi %iota3A, %broadcast_in_dim3A_665 : vector<16xi32>
      %add3A_667 = arith.addi %gather3A_619, %add3A_666 : vector<16xi32>
      %get3A_668 = arith.index_cast %add3A_627 : i32 to index
      %get3A_669 = arith.constant 48 : index
      %get3A_670 = tpu.vector_load %arg9[%get3A_668, %get3A_669] {strides = array<i32>} : memref<384x128xf32, #tpu.memory_space<vmem>>, vector<16xf32>,
      %mul3A_671 = arith.mulf %broadcast_in_dim3A_622, %get3A_670 : vector<16xf32>
      tpu.vector_store_idx %arg14[%add3A_667], %mul3A_671 {add = true} : memref<6144xf32, #tpu.memory_space<vmem>>[vector<16xi32>], vector<16xf32>,
      %get3A_672 = arith.index_cast %add3A_627 : i32 to index
      %get3A_673 = arith.constant 48 : index
      %get3A_674 = tpu.vector_load %arg10[%get3A_672, %get3A_673] {strides = array<i32>} : memref<384x128xf32, #tpu.memory_space<vmem>>, vector<16xf32>,
      %mul3A_675 = arith.mulf %broadcast_in_dim3A_625, %get3A_674 : vector<16xf32>
      tpu.vector_store_idx %arg15[%add3A_667], %mul3A_675 {add = true} : memref<6144xf32, #tpu.memory_space<vmem>>[vector<16xi32>], vector<16xf32>,
      %broadcast_in_dim3A_676 = arith.constant 64 : i32
      %broadcast_in_dim3A_677 = vector.broadcast %broadcast_in_dim3A_676 : i32 to vector<16xi32>
      %add3A_678 = arith.addi %iota3A, %broadcast_in_dim3A_677 : vector<16xi32>
      %add3A_679 = arith.addi %gather3A_619, %add3A_678 : vector<16xi32>
      %get3A_680 = arith.index_cast %add3A_627 : i32 to index
      %get3A_681 = arith.constant 64 : index
      %get3A_682 = tpu.vector_load %arg9[%get3A_680, %get3A_681] {strides = array<i32>} : memref<384x128xf32, #tpu.memory_space<vmem>>, vector<16xf32>,
      %mul3A_683 = arith.mulf %broadcast_in_dim3A_622, %get3A_682 : vector<16xf32>
      tpu.vector_store_idx %arg14[%add3A_679], %mul3A_683 {add = true} : memref<6144xf32, #tpu.memory_space<vmem>>[vector<16xi32>], vector<16xf32>,
      %get3A_684 = arith.index_cast %add3A_627 : i32 to index
      %get3A_685 = arith.constant 64 : index
      %get3A_686 = tpu.vector_load %arg10[%get3A_684, %get3A_685] {strides = array<i32>} : memref<384x128xf32, #tpu.memory_space<vmem>>, vector<16xf32>,
      %mul3A_687 = arith.mulf %broadcast_in_dim3A_625, %get3A_686 : vector<16xf32>
      tpu.vector_store_idx %arg15[%add3A_679], %mul3A_687 {add = true} : memref<6144xf32, #tpu.memory_space<vmem>>[vector<16xi32>], vector<16xf32>,
      %broadcast_in_dim3A_688 = arith.constant 80 : i32
      %broadcast_in_dim3A_689 = vector.broadcast %broadcast_in_dim3A_688 : i32 to vector<16xi32>
      %add3A_690 = arith.addi %iota3A, %broadcast_in_dim3A_689 : vector<16xi32>
      %add3A_691 = arith.addi %gather3A_619, %add3A_690 : vector<16xi32>
      %get3A_692 = arith.index_cast %add3A_627 : i32 to index
      %get3A_693 = arith.constant 80 : index
      %get3A_694 = tpu.vector_load %arg9[%get3A_692, %get3A_693] {strides = array<i32>} : memref<384x128xf32, #tpu.memory_space<vmem>>, vector<16xf32>,
      %mul3A_695 = arith.mulf %broadcast_in_dim3A_622, %get3A_694 : vector<16xf32>
      tpu.vector_store_idx %arg14[%add3A_691], %mul3A_695 {add = true} : memref<6144xf32, #tpu.memory_space<vmem>>[vector<16xi32>], vector<16xf32>,
      %get3A_696 = arith.index_cast %add3A_627 : i32 to index
      %get3A_697 = arith.constant 80 : index
      %get3A_698 = tpu.vector_load %arg10[%get3A_696, %get3A_697] {strides = array<i32>} : memref<384x128xf32, #tpu.memory_space<vmem>>, vector<16xf32>,
      %mul3A_699 = arith.mulf %broadcast_in_dim3A_625, %get3A_698 : vector<16xf32>
      tpu.vector_store_idx %arg15[%add3A_691], %mul3A_699 {add = true} : memref<6144xf32, #tpu.memory_space<vmem>>[vector<16xi32>], vector<16xf32>,
      %broadcast_in_dim3A_700 = arith.constant 96 : i32
      %broadcast_in_dim3A_701 = vector.broadcast %broadcast_in_dim3A_700 : i32 to vector<16xi32>
      %add3A_702 = arith.addi %iota3A, %broadcast_in_dim3A_701 : vector<16xi32>
      %add3A_703 = arith.addi %gather3A_619, %add3A_702 : vector<16xi32>
      %get3A_704 = arith.index_cast %add3A_627 : i32 to index
      %get3A_705 = arith.constant 96 : index
      %get3A_706 = tpu.vector_load %arg9[%get3A_704, %get3A_705] {strides = array<i32>} : memref<384x128xf32, #tpu.memory_space<vmem>>, vector<16xf32>,
      %mul3A_707 = arith.mulf %broadcast_in_dim3A_622, %get3A_706 : vector<16xf32>
      tpu.vector_store_idx %arg14[%add3A_703], %mul3A_707 {add = true} : memref<6144xf32, #tpu.memory_space<vmem>>[vector<16xi32>], vector<16xf32>,
      %get3A_708 = arith.index_cast %add3A_627 : i32 to index
      %get3A_709 = arith.constant 96 : index
      %get3A_710 = tpu.vector_load %arg10[%get3A_708, %get3A_709] {strides = array<i32>} : memref<384x128xf32, #tpu.memory_space<vmem>>, vector<16xf32>,
      %mul3A_711 = arith.mulf %broadcast_in_dim3A_625, %get3A_710 : vector<16xf32>
      tpu.vector_store_idx %arg15[%add3A_703], %mul3A_711 {add = true} : memref<6144xf32, #tpu.memory_space<vmem>>[vector<16xi32>], vector<16xf32>,
      %broadcast_in_dim3A_712 = arith.constant 112 : i32
      %broadcast_in_dim3A_713 = vector.broadcast %broadcast_in_dim3A_712 : i32 to vector<16xi32>
      %add3A_714 = arith.addi %iota3A, %broadcast_in_dim3A_713 : vector<16xi32>
      %add3A_715 = arith.addi %gather3A_619, %add3A_714 : vector<16xi32>
      %get3A_716 = arith.index_cast %add3A_627 : i32 to index
      %get3A_717 = arith.constant 112 : index
      %get3A_718 = tpu.vector_load %arg9[%get3A_716, %get3A_717] {strides = array<i32>} : memref<384x128xf32, #tpu.memory_space<vmem>>, vector<16xf32>,
      %mul3A_719 = arith.mulf %broadcast_in_dim3A_622, %get3A_718 : vector<16xf32>
      tpu.vector_store_idx %arg14[%add3A_715], %mul3A_719 {add = true} : memref<6144xf32, #tpu.memory_space<vmem>>[vector<16xi32>], vector<16xf32>,
      %get3A_720 = arith.index_cast %add3A_627 : i32 to index
      %get3A_721 = arith.constant 112 : index
      %get3A_722 = tpu.vector_load %arg10[%get3A_720, %get3A_721] {strides = array<i32>} : memref<384x128xf32, #tpu.memory_space<vmem>>, vector<16xf32>,
      %mul3A_723 = arith.mulf %broadcast_in_dim3A_625, %get3A_722 : vector<16xf32>
      tpu.vector_store_idx %arg15[%add3A_715], %mul3A_723 {add = true} : memref<6144xf32, #tpu.memory_space<vmem>>[vector<16xi32>], vector<16xf32>,
      %broadcast_in_dim3A_724 = arith.constant 6 : i32
      %broadcast_in_dim3A_725 = vector.broadcast %broadcast_in_dim3A_724 : i32 to vector<16x1xi32>
      %gather3A_726 = vector.shape_cast %broadcast_in_dim3A_725 : vector<16x1xi32> to vector<16xi32>
      %gather3A_727 = tpu.dynamic_gather %mul3A_78[%gather3A_726] in [0] : vector<16xi32>, vector<16xi32> -> vector<16xi32>
      %slice3A_728 = vector.extract_strided_slice %get3A_64 {offsets = [6], sizes = [1], strides = [1]} : vector<16xf32> to vector<1xf32>
      %squeeze3A_729 = vector.extract %slice3A_728[0] : f32 from vector<1xf32>
      %broadcast_in_dim3A_730 = vector.broadcast %squeeze3A_729 : f32 to vector<16xf32>
      %slice3A_731 = vector.extract_strided_slice %get3A_66 {offsets = [6], sizes = [1], strides = [1]} : vector<16xf32> to vector<1xf32>
      %squeeze3A_732 = vector.extract %slice3A_731[0] : f32 from vector<1xf32>
      %broadcast_in_dim3A_733 = vector.broadcast %squeeze3A_732 : f32 to vector<16xf32>
      %add3A_734 = arith.constant 6 : i32
      %add3A_735 = arith.addi %mul3A_61, %add3A_734 : i32
      %broadcast_in_dim3A_736 = arith.constant 0 : i32
      %broadcast_in_dim3A_737 = vector.broadcast %broadcast_in_dim3A_736 : i32 to vector<16xi32>
      %add3A_738 = arith.addi %iota3A, %broadcast_in_dim3A_737 : vector<16xi32>
      %add3A_739 = arith.addi %gather3A_727, %add3A_738 : vector<16xi32>
      %get3A_740 = arith.index_cast %add3A_735 : i32 to index
      %get3A_741 = arith.constant 0 : index
      %get3A_742 = tpu.vector_load %arg9[%get3A_740, %get3A_741] {strides = array<i32>} : memref<384x128xf32, #tpu.memory_space<vmem>>, vector<16xf32>,
      %mul3A_743 = arith.mulf %broadcast_in_dim3A_730, %get3A_742 : vector<16xf32>
      tpu.vector_store_idx %arg14[%add3A_739], %mul3A_743 {add = true} : memref<6144xf32, #tpu.memory_space<vmem>>[vector<16xi32>], vector<16xf32>,
      %get3A_744 = arith.index_cast %add3A_735 : i32 to index
      %get3A_745 = arith.constant 0 : index
      %get3A_746 = tpu.vector_load %arg10[%get3A_744, %get3A_745] {strides = array<i32>} : memref<384x128xf32, #tpu.memory_space<vmem>>, vector<16xf32>,
      %mul3A_747 = arith.mulf %broadcast_in_dim3A_733, %get3A_746 : vector<16xf32>
      tpu.vector_store_idx %arg15[%add3A_739], %mul3A_747 {add = true} : memref<6144xf32, #tpu.memory_space<vmem>>[vector<16xi32>], vector<16xf32>,
      %broadcast_in_dim3A_748 = arith.constant 16 : i32
      %broadcast_in_dim3A_749 = vector.broadcast %broadcast_in_dim3A_748 : i32 to vector<16xi32>
      %add3A_750 = arith.addi %iota3A, %broadcast_in_dim3A_749 : vector<16xi32>
      %add3A_751 = arith.addi %gather3A_727, %add3A_750 : vector<16xi32>
      %get3A_752 = arith.index_cast %add3A_735 : i32 to index
      %get3A_753 = arith.constant 16 : index
      %get3A_754 = tpu.vector_load %arg9[%get3A_752, %get3A_753] {strides = array<i32>} : memref<384x128xf32, #tpu.memory_space<vmem>>, vector<16xf32>,
      %mul3A_755 = arith.mulf %broadcast_in_dim3A_730, %get3A_754 : vector<16xf32>
      tpu.vector_store_idx %arg14[%add3A_751], %mul3A_755 {add = true} : memref<6144xf32, #tpu.memory_space<vmem>>[vector<16xi32>], vector<16xf32>,
      %get3A_756 = arith.index_cast %add3A_735 : i32 to index
      %get3A_757 = arith.constant 16 : index
      %get3A_758 = tpu.vector_load %arg10[%get3A_756, %get3A_757] {strides = array<i32>} : memref<384x128xf32, #tpu.memory_space<vmem>>, vector<16xf32>,
      %mul3A_759 = arith.mulf %broadcast_in_dim3A_733, %get3A_758 : vector<16xf32>
      tpu.vector_store_idx %arg15[%add3A_751], %mul3A_759 {add = true} : memref<6144xf32, #tpu.memory_space<vmem>>[vector<16xi32>], vector<16xf32>,
      %broadcast_in_dim3A_760 = arith.constant 32 : i32
      %broadcast_in_dim3A_761 = vector.broadcast %broadcast_in_dim3A_760 : i32 to vector<16xi32>
      %add3A_762 = arith.addi %iota3A, %broadcast_in_dim3A_761 : vector<16xi32>
      %add3A_763 = arith.addi %gather3A_727, %add3A_762 : vector<16xi32>
      %get3A_764 = arith.index_cast %add3A_735 : i32 to index
      %get3A_765 = arith.constant 32 : index
      %get3A_766 = tpu.vector_load %arg9[%get3A_764, %get3A_765] {strides = array<i32>} : memref<384x128xf32, #tpu.memory_space<vmem>>, vector<16xf32>,
      %mul3A_767 = arith.mulf %broadcast_in_dim3A_730, %get3A_766 : vector<16xf32>
      tpu.vector_store_idx %arg14[%add3A_763], %mul3A_767 {add = true} : memref<6144xf32, #tpu.memory_space<vmem>>[vector<16xi32>], vector<16xf32>,
      %get3A_768 = arith.index_cast %add3A_735 : i32 to index
      %get3A_769 = arith.constant 32 : index
      %get3A_770 = tpu.vector_load %arg10[%get3A_768, %get3A_769] {strides = array<i32>} : memref<384x128xf32, #tpu.memory_space<vmem>>, vector<16xf32>,
      %mul3A_771 = arith.mulf %broadcast_in_dim3A_733, %get3A_770 : vector<16xf32>
      tpu.vector_store_idx %arg15[%add3A_763], %mul3A_771 {add = true} : memref<6144xf32, #tpu.memory_space<vmem>>[vector<16xi32>], vector<16xf32>,
      %broadcast_in_dim3A_772 = arith.constant 48 : i32
      %broadcast_in_dim3A_773 = vector.broadcast %broadcast_in_dim3A_772 : i32 to vector<16xi32>
      %add3A_774 = arith.addi %iota3A, %broadcast_in_dim3A_773 : vector<16xi32>
      %add3A_775 = arith.addi %gather3A_727, %add3A_774 : vector<16xi32>
      %get3A_776 = arith.index_cast %add3A_735 : i32 to index
      %get3A_777 = arith.constant 48 : index
      %get3A_778 = tpu.vector_load %arg9[%get3A_776, %get3A_777] {strides = array<i32>} : memref<384x128xf32, #tpu.memory_space<vmem>>, vector<16xf32>,
      %mul3A_779 = arith.mulf %broadcast_in_dim3A_730, %get3A_778 : vector<16xf32>
      tpu.vector_store_idx %arg14[%add3A_775], %mul3A_779 {add = true} : memref<6144xf32, #tpu.memory_space<vmem>>[vector<16xi32>], vector<16xf32>,
      %get3A_780 = arith.index_cast %add3A_735 : i32 to index
      %get3A_781 = arith.constant 48 : index
      %get3A_782 = tpu.vector_load %arg10[%get3A_780, %get3A_781] {strides = array<i32>} : memref<384x128xf32, #tpu.memory_space<vmem>>, vector<16xf32>,
      %mul3A_783 = arith.mulf %broadcast_in_dim3A_733, %get3A_782 : vector<16xf32>
      tpu.vector_store_idx %arg15[%add3A_775], %mul3A_783 {add = true} : memref<6144xf32, #tpu.memory_space<vmem>>[vector<16xi32>], vector<16xf32>,
      %broadcast_in_dim3A_784 = arith.constant 64 : i32
      %broadcast_in_dim3A_785 = vector.broadcast %broadcast_in_dim3A_784 : i32 to vector<16xi32>
      %add3A_786 = arith.addi %iota3A, %broadcast_in_dim3A_785 : vector<16xi32>
      %add3A_787 = arith.addi %gather3A_727, %add3A_786 : vector<16xi32>
      %get3A_788 = arith.index_cast %add3A_735 : i32 to index
      %get3A_789 = arith.constant 64 : index
      %get3A_790 = tpu.vector_load %arg9[%get3A_788, %get3A_789] {strides = array<i32>} : memref<384x128xf32, #tpu.memory_space<vmem>>, vector<16xf32>,
      %mul3A_791 = arith.mulf %broadcast_in_dim3A_730, %get3A_790 : vector<16xf32>
      tpu.vector_store_idx %arg14[%add3A_787], %mul3A_791 {add = true} : memref<6144xf32, #tpu.memory_space<vmem>>[vector<16xi32>], vector<16xf32>,
      %get3A_792 = arith.index_cast %add3A_735 : i32 to index
      %get3A_793 = arith.constant 64 : index
      %get3A_794 = tpu.vector_load %arg10[%get3A_792, %get3A_793] {strides = array<i32>} : memref<384x128xf32, #tpu.memory_space<vmem>>, vector<16xf32>,
      %mul3A_795 = arith.mulf %broadcast_in_dim3A_733, %get3A_794 : vector<16xf32>
      tpu.vector_store_idx %arg15[%add3A_787], %mul3A_795 {add = true} : memref<6144xf32, #tpu.memory_space<vmem>>[vector<16xi32>], vector<16xf32>,
      %broadcast_in_dim3A_796 = arith.constant 80 : i32
      %broadcast_in_dim3A_797 = vector.broadcast %broadcast_in_dim3A_796 : i32 to vector<16xi32>
      %add3A_798 = arith.addi %iota3A, %broadcast_in_dim3A_797 : vector<16xi32>
      %add3A_799 = arith.addi %gather3A_727, %add3A_798 : vector<16xi32>
      %get3A_800 = arith.index_cast %add3A_735 : i32 to index
      %get3A_801 = arith.constant 80 : index
      %get3A_802 = tpu.vector_load %arg9[%get3A_800, %get3A_801] {strides = array<i32>} : memref<384x128xf32, #tpu.memory_space<vmem>>, vector<16xf32>,
      %mul3A_803 = arith.mulf %broadcast_in_dim3A_730, %get3A_802 : vector<16xf32>
      tpu.vector_store_idx %arg14[%add3A_799], %mul3A_803 {add = true} : memref<6144xf32, #tpu.memory_space<vmem>>[vector<16xi32>], vector<16xf32>,
      %get3A_804 = arith.index_cast %add3A_735 : i32 to index
      %get3A_805 = arith.constant 80 : index
      %get3A_806 = tpu.vector_load %arg10[%get3A_804, %get3A_805] {strides = array<i32>} : memref<384x128xf32, #tpu.memory_space<vmem>>, vector<16xf32>,
      %mul3A_807 = arith.mulf %broadcast_in_dim3A_733, %get3A_806 : vector<16xf32>
      tpu.vector_store_idx %arg15[%add3A_799], %mul3A_807 {add = true} : memref<6144xf32, #tpu.memory_space<vmem>>[vector<16xi32>], vector<16xf32>,
      %broadcast_in_dim3A_808 = arith.constant 96 : i32
      %broadcast_in_dim3A_809 = vector.broadcast %broadcast_in_dim3A_808 : i32 to vector<16xi32>
      %add3A_810 = arith.addi %iota3A, %broadcast_in_dim3A_809 : vector<16xi32>
      %add3A_811 = arith.addi %gather3A_727, %add3A_810 : vector<16xi32>
      %get3A_812 = arith.index_cast %add3A_735 : i32 to index
      %get3A_813 = arith.constant 96 : index
      %get3A_814 = tpu.vector_load %arg9[%get3A_812, %get3A_813] {strides = array<i32>} : memref<384x128xf32, #tpu.memory_space<vmem>>, vector<16xf32>,
      %mul3A_815 = arith.mulf %broadcast_in_dim3A_730, %get3A_814 : vector<16xf32>
      tpu.vector_store_idx %arg14[%add3A_811], %mul3A_815 {add = true} : memref<6144xf32, #tpu.memory_space<vmem>>[vector<16xi32>], vector<16xf32>,
      %get3A_816 = arith.index_cast %add3A_735 : i32 to index
      %get3A_817 = arith.constant 96 : index
      %get3A_818 = tpu.vector_load %arg10[%get3A_816, %get3A_817] {strides = array<i32>} : memref<384x128xf32, #tpu.memory_space<vmem>>, vector<16xf32>,
      %mul3A_819 = arith.mulf %broadcast_in_dim3A_733, %get3A_818 : vector<16xf32>
      tpu.vector_store_idx %arg15[%add3A_811], %mul3A_819 {add = true} : memref<6144xf32, #tpu.memory_space<vmem>>[vector<16xi32>], vector<16xf32>,
      %broadcast_in_dim3A_820 = arith.constant 112 : i32
      %broadcast_in_dim3A_821 = vector.broadcast %broadcast_in_dim3A_820 : i32 to vector<16xi32>
      %add3A_822 = arith.addi %iota3A, %broadcast_in_dim3A_821 : vector<16xi32>
      %add3A_823 = arith.addi %gather3A_727, %add3A_822 : vector<16xi32>
      %get3A_824 = arith.index_cast %add3A_735 : i32 to index
      %get3A_825 = arith.constant 112 : index
      %get3A_826 = tpu.vector_load %arg9[%get3A_824, %get3A_825] {strides = array<i32>} : memref<384x128xf32, #tpu.memory_space<vmem>>, vector<16xf32>,
      %mul3A_827 = arith.mulf %broadcast_in_dim3A_730, %get3A_826 : vector<16xf32>
      tpu.vector_store_idx %arg14[%add3A_823], %mul3A_827 {add = true} : memref<6144xf32, #tpu.memory_space<vmem>>[vector<16xi32>], vector<16xf32>,
      %get3A_828 = arith.index_cast %add3A_735 : i32 to index
      %get3A_829 = arith.constant 112 : index
      %get3A_830 = tpu.vector_load %arg10[%get3A_828, %get3A_829] {strides = array<i32>} : memref<384x128xf32, #tpu.memory_space<vmem>>, vector<16xf32>,
      %mul3A_831 = arith.mulf %broadcast_in_dim3A_733, %get3A_830 : vector<16xf32>
      tpu.vector_store_idx %arg15[%add3A_823], %mul3A_831 {add = true} : memref<6144xf32, #tpu.memory_space<vmem>>[vector<16xi32>], vector<16xf32>,
      %broadcast_in_dim3A_832 = arith.constant 7 : i32
      %broadcast_in_dim3A_833 = vector.broadcast %broadcast_in_dim3A_832 : i32 to vector<16x1xi32>
      %gather3A_834 = vector.shape_cast %broadcast_in_dim3A_833 : vector<16x1xi32> to vector<16xi32>
      %gather3A_835 = tpu.dynamic_gather %mul3A_78[%gather3A_834] in [0] : vector<16xi32>, vector<16xi32> -> vector<16xi32>
      %slice3A_836 = vector.extract_strided_slice %get3A_64 {offsets = [7], sizes = [1], strides = [1]} : vector<16xf32> to vector<1xf32>
      %squeeze3A_837 = vector.extract %slice3A_836[0] : f32 from vector<1xf32>
      %broadcast_in_dim3A_838 = vector.broadcast %squeeze3A_837 : f32 to vector<16xf32>
      %slice3A_839 = vector.extract_strided_slice %get3A_66 {offsets = [7], sizes = [1], strides = [1]} : vector<16xf32> to vector<1xf32>
      %squeeze3A_840 = vector.extract %slice3A_839[0] : f32 from vector<1xf32>
      %broadcast_in_dim3A_841 = vector.broadcast %squeeze3A_840 : f32 to vector<16xf32>
      %add3A_842 = arith.constant 7 : i32
      %add3A_843 = arith.addi %mul3A_61, %add3A_842 : i32
      %broadcast_in_dim3A_844 = arith.constant 0 : i32
      %broadcast_in_dim3A_845 = vector.broadcast %broadcast_in_dim3A_844 : i32 to vector<16xi32>
      %add3A_846 = arith.addi %iota3A, %broadcast_in_dim3A_845 : vector<16xi32>
      %add3A_847 = arith.addi %gather3A_835, %add3A_846 : vector<16xi32>
      %get3A_848 = arith.index_cast %add3A_843 : i32 to index
      %get3A_849 = arith.constant 0 : index
      %get3A_850 = tpu.vector_load %arg9[%get3A_848, %get3A_849] {strides = array<i32>} : memref<384x128xf32, #tpu.memory_space<vmem>>, vector<16xf32>,
      %mul3A_851 = arith.mulf %broadcast_in_dim3A_838, %get3A_850 : vector<16xf32>
      tpu.vector_store_idx %arg14[%add3A_847], %mul3A_851 {add = true} : memref<6144xf32, #tpu.memory_space<vmem>>[vector<16xi32>], vector<16xf32>,
      %get3A_852 = arith.index_cast %add3A_843 : i32 to index
      %get3A_853 = arith.constant 0 : index
      %get3A_854 = tpu.vector_load %arg10[%get3A_852, %get3A_853] {strides = array<i32>} : memref<384x128xf32, #tpu.memory_space<vmem>>, vector<16xf32>,
      %mul3A_855 = arith.mulf %broadcast_in_dim3A_841, %get3A_854 : vector<16xf32>
      tpu.vector_store_idx %arg15[%add3A_847], %mul3A_855 {add = true} : memref<6144xf32, #tpu.memory_space<vmem>>[vector<16xi32>], vector<16xf32>,
      %broadcast_in_dim3A_856 = arith.constant 16 : i32
      %broadcast_in_dim3A_857 = vector.broadcast %broadcast_in_dim3A_856 : i32 to vector<16xi32>
      %add3A_858 = arith.addi %iota3A, %broadcast_in_dim3A_857 : vector<16xi32>
      %add3A_859 = arith.addi %gather3A_835, %add3A_858 : vector<16xi32>
      %get3A_860 = arith.index_cast %add3A_843 : i32 to index
      %get3A_861 = arith.constant 16 : index
      %get3A_862 = tpu.vector_load %arg9[%get3A_860, %get3A_861] {strides = array<i32>} : memref<384x128xf32, #tpu.memory_space<vmem>>, vector<16xf32>,
      %mul3A_863 = arith.mulf %broadcast_in_dim3A_838, %get3A_862 : vector<16xf32>
      tpu.vector_store_idx %arg14[%add3A_859], %mul3A_863 {add = true} : memref<6144xf32, #tpu.memory_space<vmem>>[vector<16xi32>], vector<16xf32>,
      %get3A_864 = arith.index_cast %add3A_843 : i32 to index
      %get3A_865 = arith.constant 16 : index
      %get3A_866 = tpu.vector_load %arg10[%get3A_864, %get3A_865] {strides = array<i32>} : memref<384x128xf32, #tpu.memory_space<vmem>>, vector<16xf32>,
      %mul3A_867 = arith.mulf %broadcast_in_dim3A_841, %get3A_866 : vector<16xf32>
      tpu.vector_store_idx %arg15[%add3A_859], %mul3A_867 {add = true} : memref<6144xf32, #tpu.memory_space<vmem>>[vector<16xi32>], vector<16xf32>,
      %broadcast_in_dim3A_868 = arith.constant 32 : i32
      %broadcast_in_dim3A_869 = vector.broadcast %broadcast_in_dim3A_868 : i32 to vector<16xi32>
      %add3A_870 = arith.addi %iota3A, %broadcast_in_dim3A_869 : vector<16xi32>
      %add3A_871 = arith.addi %gather3A_835, %add3A_870 : vector<16xi32>
      %get3A_872 = arith.index_cast %add3A_843 : i32 to index
      %get3A_873 = arith.constant 32 : index
      %get3A_874 = tpu.vector_load %arg9[%get3A_872, %get3A_873] {strides = array<i32>} : memref<384x128xf32, #tpu.memory_space<vmem>>, vector<16xf32>,
      %mul3A_875 = arith.mulf %broadcast_in_dim3A_838, %get3A_874 : vector<16xf32>
      tpu.vector_store_idx %arg14[%add3A_871], %mul3A_875 {add = true} : memref<6144xf32, #tpu.memory_space<vmem>>[vector<16xi32>], vector<16xf32>,
      %get3A_876 = arith.index_cast %add3A_843 : i32 to index
      %get3A_877 = arith.constant 32 : index
      %get3A_878 = tpu.vector_load %arg10[%get3A_876, %get3A_877] {strides = array<i32>} : memref<384x128xf32, #tpu.memory_space<vmem>>, vector<16xf32>,
      %mul3A_879 = arith.mulf %broadcast_in_dim3A_841, %get3A_878 : vector<16xf32>
      tpu.vector_store_idx %arg15[%add3A_871], %mul3A_879 {add = true} : memref<6144xf32, #tpu.memory_space<vmem>>[vector<16xi32>], vector<16xf32>,
      %broadcast_in_dim3A_880 = arith.constant 48 : i32
      %broadcast_in_dim3A_881 = vector.broadcast %broadcast_in_dim3A_880 : i32 to vector<16xi32>
      %add3A_882 = arith.addi %iota3A, %broadcast_in_dim3A_881 : vector<16xi32>
      %add3A_883 = arith.addi %gather3A_835, %add3A_882 : vector<16xi32>
      %get3A_884 = arith.index_cast %add3A_843 : i32 to index
      %get3A_885 = arith.constant 48 : index
      %get3A_886 = tpu.vector_load %arg9[%get3A_884, %get3A_885] {strides = array<i32>} : memref<384x128xf32, #tpu.memory_space<vmem>>, vector<16xf32>,
      %mul3A_887 = arith.mulf %broadcast_in_dim3A_838, %get3A_886 : vector<16xf32>
      tpu.vector_store_idx %arg14[%add3A_883], %mul3A_887 {add = true} : memref<6144xf32, #tpu.memory_space<vmem>>[vector<16xi32>], vector<16xf32>,
      %get3A_888 = arith.index_cast %add3A_843 : i32 to index
      %get3A_889 = arith.constant 48 : index
      %get3A_890 = tpu.vector_load %arg10[%get3A_888, %get3A_889] {strides = array<i32>} : memref<384x128xf32, #tpu.memory_space<vmem>>, vector<16xf32>,
      %mul3A_891 = arith.mulf %broadcast_in_dim3A_841, %get3A_890 : vector<16xf32>
      tpu.vector_store_idx %arg15[%add3A_883], %mul3A_891 {add = true} : memref<6144xf32, #tpu.memory_space<vmem>>[vector<16xi32>], vector<16xf32>,
      %broadcast_in_dim3A_892 = arith.constant 64 : i32
      %broadcast_in_dim3A_893 = vector.broadcast %broadcast_in_dim3A_892 : i32 to vector<16xi32>
      %add3A_894 = arith.addi %iota3A, %broadcast_in_dim3A_893 : vector<16xi32>
      %add3A_895 = arith.addi %gather3A_835, %add3A_894 : vector<16xi32>
      %get3A_896 = arith.index_cast %add3A_843 : i32 to index
      %get3A_897 = arith.constant 64 : index
      %get3A_898 = tpu.vector_load %arg9[%get3A_896, %get3A_897] {strides = array<i32>} : memref<384x128xf32, #tpu.memory_space<vmem>>, vector<16xf32>,
      %mul3A_899 = arith.mulf %broadcast_in_dim3A_838, %get3A_898 : vector<16xf32>
      tpu.vector_store_idx %arg14[%add3A_895], %mul3A_899 {add = true} : memref<6144xf32, #tpu.memory_space<vmem>>[vector<16xi32>], vector<16xf32>,
      %get3A_900 = arith.index_cast %add3A_843 : i32 to index
      %get3A_901 = arith.constant 64 : index
      %get3A_902 = tpu.vector_load %arg10[%get3A_900, %get3A_901] {strides = array<i32>} : memref<384x128xf32, #tpu.memory_space<vmem>>, vector<16xf32>,
      %mul3A_903 = arith.mulf %broadcast_in_dim3A_841, %get3A_902 : vector<16xf32>
      tpu.vector_store_idx %arg15[%add3A_895], %mul3A_903 {add = true} : memref<6144xf32, #tpu.memory_space<vmem>>[vector<16xi32>], vector<16xf32>,
      %broadcast_in_dim3A_904 = arith.constant 80 : i32
      %broadcast_in_dim3A_905 = vector.broadcast %broadcast_in_dim3A_904 : i32 to vector<16xi32>
      %add3A_906 = arith.addi %iota3A, %broadcast_in_dim3A_905 : vector<16xi32>
      %add3A_907 = arith.addi %gather3A_835, %add3A_906 : vector<16xi32>
      %get3A_908 = arith.index_cast %add3A_843 : i32 to index
      %get3A_909 = arith.constant 80 : index
      %get3A_910 = tpu.vector_load %arg9[%get3A_908, %get3A_909] {strides = array<i32>} : memref<384x128xf32, #tpu.memory_space<vmem>>, vector<16xf32>,
      %mul3A_911 = arith.mulf %broadcast_in_dim3A_838, %get3A_910 : vector<16xf32>
      tpu.vector_store_idx %arg14[%add3A_907], %mul3A_911 {add = true} : memref<6144xf32, #tpu.memory_space<vmem>>[vector<16xi32>], vector<16xf32>,
      %get3A_912 = arith.index_cast %add3A_843 : i32 to index
      %get3A_913 = arith.constant 80 : index
      %get3A_914 = tpu.vector_load %arg10[%get3A_912, %get3A_913] {strides = array<i32>} : memref<384x128xf32, #tpu.memory_space<vmem>>, vector<16xf32>,
      %mul3A_915 = arith.mulf %broadcast_in_dim3A_841, %get3A_914 : vector<16xf32>
      tpu.vector_store_idx %arg15[%add3A_907], %mul3A_915 {add = true} : memref<6144xf32, #tpu.memory_space<vmem>>[vector<16xi32>], vector<16xf32>,
      %broadcast_in_dim3A_916 = arith.constant 96 : i32
      %broadcast_in_dim3A_917 = vector.broadcast %broadcast_in_dim3A_916 : i32 to vector<16xi32>
      %add3A_918 = arith.addi %iota3A, %broadcast_in_dim3A_917 : vector<16xi32>
      %add3A_919 = arith.addi %gather3A_835, %add3A_918 : vector<16xi32>
      %get3A_920 = arith.index_cast %add3A_843 : i32 to index
      %get3A_921 = arith.constant 96 : index
      %get3A_922 = tpu.vector_load %arg9[%get3A_920, %get3A_921] {strides = array<i32>} : memref<384x128xf32, #tpu.memory_space<vmem>>, vector<16xf32>,
      %mul3A_923 = arith.mulf %broadcast_in_dim3A_838, %get3A_922 : vector<16xf32>
      tpu.vector_store_idx %arg14[%add3A_919], %mul3A_923 {add = true} : memref<6144xf32, #tpu.memory_space<vmem>>[vector<16xi32>], vector<16xf32>,
      %get3A_924 = arith.index_cast %add3A_843 : i32 to index
      %get3A_925 = arith.constant 96 : index
      %get3A_926 = tpu.vector_load %arg10[%get3A_924, %get3A_925] {strides = array<i32>} : memref<384x128xf32, #tpu.memory_space<vmem>>, vector<16xf32>,
      %mul3A_927 = arith.mulf %broadcast_in_dim3A_841, %get3A_926 : vector<16xf32>
      tpu.vector_store_idx %arg15[%add3A_919], %mul3A_927 {add = true} : memref<6144xf32, #tpu.memory_space<vmem>>[vector<16xi32>], vector<16xf32>,
      %broadcast_in_dim3A_928 = arith.constant 112 : i32
      %broadcast_in_dim3A_929 = vector.broadcast %broadcast_in_dim3A_928 : i32 to vector<16xi32>
      %add3A_930 = arith.addi %iota3A, %broadcast_in_dim3A_929 : vector<16xi32>
      %add3A_931 = arith.addi %gather3A_835, %add3A_930 : vector<16xi32>
      %get3A_932 = arith.index_cast %add3A_843 : i32 to index
      %get3A_933 = arith.constant 112 : index
      %get3A_934 = tpu.vector_load %arg9[%get3A_932, %get3A_933] {strides = array<i32>} : memref<384x128xf32, #tpu.memory_space<vmem>>, vector<16xf32>,
      %mul3A_935 = arith.mulf %broadcast_in_dim3A_838, %get3A_934 : vector<16xf32>
      tpu.vector_store_idx %arg14[%add3A_931], %mul3A_935 {add = true} : memref<6144xf32, #tpu.memory_space<vmem>>[vector<16xi32>], vector<16xf32>,
      %get3A_936 = arith.index_cast %add3A_843 : i32 to index
      %get3A_937 = arith.constant 112 : index
      %get3A_938 = tpu.vector_load %arg10[%get3A_936, %get3A_937] {strides = array<i32>} : memref<384x128xf32, #tpu.memory_space<vmem>>, vector<16xf32>,
      %mul3A_939 = arith.mulf %broadcast_in_dim3A_841, %get3A_938 : vector<16xf32>
      tpu.vector_store_idx %arg15[%add3A_931], %mul3A_939 {add = true} : memref<6144xf32, #tpu.memory_space<vmem>>[vector<16xi32>], vector<16xf32>,
      %broadcast_in_dim3A_940 = arith.constant 8 : i32
      %broadcast_in_dim3A_941 = vector.broadcast %broadcast_in_dim3A_940 : i32 to vector<16x1xi32>
      %gather3A_942 = vector.shape_cast %broadcast_in_dim3A_941 : vector<16x1xi32> to vector<16xi32>
      %gather3A_943 = tpu.dynamic_gather %mul3A_78[%gather3A_942] in [0] : vector<16xi32>, vector<16xi32> -> vector<16xi32>
      %slice3A_944 = vector.extract_strided_slice %get3A_64 {offsets = [8], sizes = [1], strides = [1]} : vector<16xf32> to vector<1xf32>
      %squeeze3A_945 = vector.extract %slice3A_944[0] : f32 from vector<1xf32>
      %broadcast_in_dim3A_946 = vector.broadcast %squeeze3A_945 : f32 to vector<16xf32>
      %slice3A_947 = vector.extract_strided_slice %get3A_66 {offsets = [8], sizes = [1], strides = [1]} : vector<16xf32> to vector<1xf32>
      %squeeze3A_948 = vector.extract %slice3A_947[0] : f32 from vector<1xf32>
      %broadcast_in_dim3A_949 = vector.broadcast %squeeze3A_948 : f32 to vector<16xf32>
      %add3A_950 = arith.constant 8 : i32
      %add3A_951 = arith.addi %mul3A_61, %add3A_950 : i32
      %broadcast_in_dim3A_952 = arith.constant 0 : i32
      %broadcast_in_dim3A_953 = vector.broadcast %broadcast_in_dim3A_952 : i32 to vector<16xi32>
      %add3A_954 = arith.addi %iota3A, %broadcast_in_dim3A_953 : vector<16xi32>
      %add3A_955 = arith.addi %gather3A_943, %add3A_954 : vector<16xi32>
      %get3A_956 = arith.index_cast %add3A_951 : i32 to index
      %get3A_957 = arith.constant 0 : index
      %get3A_958 = tpu.vector_load %arg9[%get3A_956, %get3A_957] {strides = array<i32>} : memref<384x128xf32, #tpu.memory_space<vmem>>, vector<16xf32>,
      %mul3A_959 = arith.mulf %broadcast_in_dim3A_946, %get3A_958 : vector<16xf32>
      tpu.vector_store_idx %arg14[%add3A_955], %mul3A_959 {add = true} : memref<6144xf32, #tpu.memory_space<vmem>>[vector<16xi32>], vector<16xf32>,
      %get3A_960 = arith.index_cast %add3A_951 : i32 to index
      %get3A_961 = arith.constant 0 : index
      %get3A_962 = tpu.vector_load %arg10[%get3A_960, %get3A_961] {strides = array<i32>} : memref<384x128xf32, #tpu.memory_space<vmem>>, vector<16xf32>,
      %mul3A_963 = arith.mulf %broadcast_in_dim3A_949, %get3A_962 : vector<16xf32>
      tpu.vector_store_idx %arg15[%add3A_955], %mul3A_963 {add = true} : memref<6144xf32, #tpu.memory_space<vmem>>[vector<16xi32>], vector<16xf32>,
      %broadcast_in_dim3A_964 = arith.constant 16 : i32
      %broadcast_in_dim3A_965 = vector.broadcast %broadcast_in_dim3A_964 : i32 to vector<16xi32>
      %add3A_966 = arith.addi %iota3A, %broadcast_in_dim3A_965 : vector<16xi32>
      %add3A_967 = arith.addi %gather3A_943, %add3A_966 : vector<16xi32>
      %get3A_968 = arith.index_cast %add3A_951 : i32 to index
      %get3A_969 = arith.constant 16 : index
      %get3A_970 = tpu.vector_load %arg9[%get3A_968, %get3A_969] {strides = array<i32>} : memref<384x128xf32, #tpu.memory_space<vmem>>, vector<16xf32>,
      %mul3A_971 = arith.mulf %broadcast_in_dim3A_946, %get3A_970 : vector<16xf32>
      tpu.vector_store_idx %arg14[%add3A_967], %mul3A_971 {add = true} : memref<6144xf32, #tpu.memory_space<vmem>>[vector<16xi32>], vector<16xf32>,
      %get3A_972 = arith.index_cast %add3A_951 : i32 to index
      %get3A_973 = arith.constant 16 : index
      %get3A_974 = tpu.vector_load %arg10[%get3A_972, %get3A_973] {strides = array<i32>} : memref<384x128xf32, #tpu.memory_space<vmem>>, vector<16xf32>,
      %mul3A_975 = arith.mulf %broadcast_in_dim3A_949, %get3A_974 : vector<16xf32>
      tpu.vector_store_idx %arg15[%add3A_967], %mul3A_975 {add = true} : memref<6144xf32, #tpu.memory_space<vmem>>[vector<16xi32>], vector<16xf32>,
      %broadcast_in_dim3A_976 = arith.constant 32 : i32
      %broadcast_in_dim3A_977 = vector.broadcast %broadcast_in_dim3A_976 : i32 to vector<16xi32>
      %add3A_978 = arith.addi %iota3A, %broadcast_in_dim3A_977 : vector<16xi32>
      %add3A_979 = arith.addi %gather3A_943, %add3A_978 : vector<16xi32>
      %get3A_980 = arith.index_cast %add3A_951 : i32 to index
      %get3A_981 = arith.constant 32 : index
      %get3A_982 = tpu.vector_load %arg9[%get3A_980, %get3A_981] {strides = array<i32>} : memref<384x128xf32, #tpu.memory_space<vmem>>, vector<16xf32>,
      %mul3A_983 = arith.mulf %broadcast_in_dim3A_946, %get3A_982 : vector<16xf32>
      tpu.vector_store_idx %arg14[%add3A_979], %mul3A_983 {add = true} : memref<6144xf32, #tpu.memory_space<vmem>>[vector<16xi32>], vector<16xf32>,
      %get3A_984 = arith.index_cast %add3A_951 : i32 to index
      %get3A_985 = arith.constant 32 : index
      %get3A_986 = tpu.vector_load %arg10[%get3A_984, %get3A_985] {strides = array<i32>} : memref<384x128xf32, #tpu.memory_space<vmem>>, vector<16xf32>,
      %mul3A_987 = arith.mulf %broadcast_in_dim3A_949, %get3A_986 : vector<16xf32>
      tpu.vector_store_idx %arg15[%add3A_979], %mul3A_987 {add = true} : memref<6144xf32, #tpu.memory_space<vmem>>[vector<16xi32>], vector<16xf32>,
      %broadcast_in_dim3A_988 = arith.constant 48 : i32
      %broadcast_in_dim3A_989 = vector.broadcast %broadcast_in_dim3A_988 : i32 to vector<16xi32>
      %add3A_990 = arith.addi %iota3A, %broadcast_in_dim3A_989 : vector<16xi32>
      %add3A_991 = arith.addi %gather3A_943, %add3A_990 : vector<16xi32>
      %get3A_992 = arith.index_cast %add3A_951 : i32 to index
      %get3A_993 = arith.constant 48 : index
      %get3A_994 = tpu.vector_load %arg9[%get3A_992, %get3A_993] {strides = array<i32>} : memref<384x128xf32, #tpu.memory_space<vmem>>, vector<16xf32>,
      %mul3A_995 = arith.mulf %broadcast_in_dim3A_946, %get3A_994 : vector<16xf32>
      tpu.vector_store_idx %arg14[%add3A_991], %mul3A_995 {add = true} : memref<6144xf32, #tpu.memory_space<vmem>>[vector<16xi32>], vector<16xf32>,
      %get3A_996 = arith.index_cast %add3A_951 : i32 to index
      %get3A_997 = arith.constant 48 : index
      %get3A_998 = tpu.vector_load %arg10[%get3A_996, %get3A_997] {strides = array<i32>} : memref<384x128xf32, #tpu.memory_space<vmem>>, vector<16xf32>,
      %mul3A_999 = arith.mulf %broadcast_in_dim3A_949, %get3A_998 : vector<16xf32>
      tpu.vector_store_idx %arg15[%add3A_991], %mul3A_999 {add = true} : memref<6144xf32, #tpu.memory_space<vmem>>[vector<16xi32>], vector<16xf32>,
      %broadcast_in_dim3A_1000 = arith.constant 64 : i32
      %broadcast_in_dim3A_1001 = vector.broadcast %broadcast_in_dim3A_1000 : i32 to vector<16xi32>
      %add3A_1002 = arith.addi %iota3A, %broadcast_in_dim3A_1001 : vector<16xi32>
      %add3A_1003 = arith.addi %gather3A_943, %add3A_1002 : vector<16xi32>
      %get3A_1004 = arith.index_cast %add3A_951 : i32 to index
      %get3A_1005 = arith.constant 64 : index
      %get3A_1006 = tpu.vector_load %arg9[%get3A_1004, %get3A_1005] {strides = array<i32>} : memref<384x128xf32, #tpu.memory_space<vmem>>, vector<16xf32>,
      %mul3A_1007 = arith.mulf %broadcast_in_dim3A_946, %get3A_1006 : vector<16xf32>
      tpu.vector_store_idx %arg14[%add3A_1003], %mul3A_1007 {add = true} : memref<6144xf32, #tpu.memory_space<vmem>>[vector<16xi32>], vector<16xf32>,
      %get3A_1008 = arith.index_cast %add3A_951 : i32 to index
      %get3A_1009 = arith.constant 64 : index
      %get3A_1010 = tpu.vector_load %arg10[%get3A_1008, %get3A_1009] {strides = array<i32>} : memref<384x128xf32, #tpu.memory_space<vmem>>, vector<16xf32>,
      %mul3A_1011 = arith.mulf %broadcast_in_dim3A_949, %get3A_1010 : vector<16xf32>
      tpu.vector_store_idx %arg15[%add3A_1003], %mul3A_1011 {add = true} : memref<6144xf32, #tpu.memory_space<vmem>>[vector<16xi32>], vector<16xf32>,
      %broadcast_in_dim3A_1012 = arith.constant 80 : i32
      %broadcast_in_dim3A_1013 = vector.broadcast %broadcast_in_dim3A_1012 : i32 to vector<16xi32>
      %add3A_1014 = arith.addi %iota3A, %broadcast_in_dim3A_1013 : vector<16xi32>
      %add3A_1015 = arith.addi %gather3A_943, %add3A_1014 : vector<16xi32>
      %get3A_1016 = arith.index_cast %add3A_951 : i32 to index
      %get3A_1017 = arith.constant 80 : index
      %get3A_1018 = tpu.vector_load %arg9[%get3A_1016, %get3A_1017] {strides = array<i32>} : memref<384x128xf32, #tpu.memory_space<vmem>>, vector<16xf32>,
      %mul3A_1019 = arith.mulf %broadcast_in_dim3A_946, %get3A_1018 : vector<16xf32>
      tpu.vector_store_idx %arg14[%add3A_1015], %mul3A_1019 {add = true} : memref<6144xf32, #tpu.memory_space<vmem>>[vector<16xi32>], vector<16xf32>,
      %get3A_1020 = arith.index_cast %add3A_951 : i32 to index
      %get3A_1021 = arith.constant 80 : index
      %get3A_1022 = tpu.vector_load %arg10[%get3A_1020, %get3A_1021] {strides = array<i32>} : memref<384x128xf32, #tpu.memory_space<vmem>>, vector<16xf32>,
      %mul3A_1023 = arith.mulf %broadcast_in_dim3A_949, %get3A_1022 : vector<16xf32>
      tpu.vector_store_idx %arg15[%add3A_1015], %mul3A_1023 {add = true} : memref<6144xf32, #tpu.memory_space<vmem>>[vector<16xi32>], vector<16xf32>,
      %broadcast_in_dim3A_1024 = arith.constant 96 : i32
      %broadcast_in_dim3A_1025 = vector.broadcast %broadcast_in_dim3A_1024 : i32 to vector<16xi32>
      %add3A_1026 = arith.addi %iota3A, %broadcast_in_dim3A_1025 : vector<16xi32>
      %add3A_1027 = arith.addi %gather3A_943, %add3A_1026 : vector<16xi32>
      %get3A_1028 = arith.index_cast %add3A_951 : i32 to index
      %get3A_1029 = arith.constant 96 : index
      %get3A_1030 = tpu.vector_load %arg9[%get3A_1028, %get3A_1029] {strides = array<i32>} : memref<384x128xf32, #tpu.memory_space<vmem>>, vector<16xf32>,
      %mul3A_1031 = arith.mulf %broadcast_in_dim3A_946, %get3A_1030 : vector<16xf32>
      tpu.vector_store_idx %arg14[%add3A_1027], %mul3A_1031 {add = true} : memref<6144xf32, #tpu.memory_space<vmem>>[vector<16xi32>], vector<16xf32>,
      %get3A_1032 = arith.index_cast %add3A_951 : i32 to index
      %get3A_1033 = arith.constant 96 : index
      %get3A_1034 = tpu.vector_load %arg10[%get3A_1032, %get3A_1033] {strides = array<i32>} : memref<384x128xf32, #tpu.memory_space<vmem>>, vector<16xf32>,
      %mul3A_1035 = arith.mulf %broadcast_in_dim3A_949, %get3A_1034 : vector<16xf32>
      tpu.vector_store_idx %arg15[%add3A_1027], %mul3A_1035 {add = true} : memref<6144xf32, #tpu.memory_space<vmem>>[vector<16xi32>], vector<16xf32>,
      %broadcast_in_dim3A_1036 = arith.constant 112 : i32
      %broadcast_in_dim3A_1037 = vector.broadcast %broadcast_in_dim3A_1036 : i32 to vector<16xi32>
      %add3A_1038 = arith.addi %iota3A, %broadcast_in_dim3A_1037 : vector<16xi32>
      %add3A_1039 = arith.addi %gather3A_943, %add3A_1038 : vector<16xi32>
      %get3A_1040 = arith.index_cast %add3A_951 : i32 to index
      %get3A_1041 = arith.constant 112 : index
      %get3A_1042 = tpu.vector_load %arg9[%get3A_1040, %get3A_1041] {strides = array<i32>} : memref<384x128xf32, #tpu.memory_space<vmem>>, vector<16xf32>,
      %mul3A_1043 = arith.mulf %broadcast_in_dim3A_946, %get3A_1042 : vector<16xf32>
      tpu.vector_store_idx %arg14[%add3A_1039], %mul3A_1043 {add = true} : memref<6144xf32, #tpu.memory_space<vmem>>[vector<16xi32>], vector<16xf32>,
      %get3A_1044 = arith.index_cast %add3A_951 : i32 to index
      %get3A_1045 = arith.constant 112 : index
      %get3A_1046 = tpu.vector_load %arg10[%get3A_1044, %get3A_1045] {strides = array<i32>} : memref<384x128xf32, #tpu.memory_space<vmem>>, vector<16xf32>,
      %mul3A_1047 = arith.mulf %broadcast_in_dim3A_949, %get3A_1046 : vector<16xf32>
      tpu.vector_store_idx %arg15[%add3A_1039], %mul3A_1047 {add = true} : memref<6144xf32, #tpu.memory_space<vmem>>[vector<16xi32>], vector<16xf32>,
      %broadcast_in_dim3A_1048 = arith.constant 9 : i32
      %broadcast_in_dim3A_1049 = vector.broadcast %broadcast_in_dim3A_1048 : i32 to vector<16x1xi32>
      %gather3A_1050 = vector.shape_cast %broadcast_in_dim3A_1049 : vector<16x1xi32> to vector<16xi32>
      %gather3A_1051 = tpu.dynamic_gather %mul3A_78[%gather3A_1050] in [0] : vector<16xi32>, vector<16xi32> -> vector<16xi32>
      %slice3A_1052 = vector.extract_strided_slice %get3A_64 {offsets = [9], sizes = [1], strides = [1]} : vector<16xf32> to vector<1xf32>
      %squeeze3A_1053 = vector.extract %slice3A_1052[0] : f32 from vector<1xf32>
      %broadcast_in_dim3A_1054 = vector.broadcast %squeeze3A_1053 : f32 to vector<16xf32>
      %slice3A_1055 = vector.extract_strided_slice %get3A_66 {offsets = [9], sizes = [1], strides = [1]} : vector<16xf32> to vector<1xf32>
      %squeeze3A_1056 = vector.extract %slice3A_1055[0] : f32 from vector<1xf32>
      %broadcast_in_dim3A_1057 = vector.broadcast %squeeze3A_1056 : f32 to vector<16xf32>
      %add3A_1058 = arith.constant 9 : i32
      %add3A_1059 = arith.addi %mul3A_61, %add3A_1058 : i32
      %broadcast_in_dim3A_1060 = arith.constant 0 : i32
      %broadcast_in_dim3A_1061 = vector.broadcast %broadcast_in_dim3A_1060 : i32 to vector<16xi32>
      %add3A_1062 = arith.addi %iota3A, %broadcast_in_dim3A_1061 : vector<16xi32>
      %add3A_1063 = arith.addi %gather3A_1051, %add3A_1062 : vector<16xi32>
      %get3A_1064 = arith.index_cast %add3A_1059 : i32 to index
      %get3A_1065 = arith.constant 0 : index
      %get3A_1066 = tpu.vector_load %arg9[%get3A_1064, %get3A_1065] {strides = array<i32>} : memref<384x128xf32, #tpu.memory_space<vmem>>, vector<16xf32>,
      %mul3A_1067 = arith.mulf %broadcast_in_dim3A_1054, %get3A_1066 : vector<16xf32>
      tpu.vector_store_idx %arg14[%add3A_1063], %mul3A_1067 {add = true} : memref<6144xf32, #tpu.memory_space<vmem>>[vector<16xi32>], vector<16xf32>,
      %get3A_1068 = arith.index_cast %add3A_1059 : i32 to index
      %get3A_1069 = arith.constant 0 : index
      %get3A_1070 = tpu.vector_load %arg10[%get3A_1068, %get3A_1069] {strides = array<i32>} : memref<384x128xf32, #tpu.memory_space<vmem>>, vector<16xf32>,
      %mul3A_1071 = arith.mulf %broadcast_in_dim3A_1057, %get3A_1070 : vector<16xf32>
      tpu.vector_store_idx %arg15[%add3A_1063], %mul3A_1071 {add = true} : memref<6144xf32, #tpu.memory_space<vmem>>[vector<16xi32>], vector<16xf32>,
      %broadcast_in_dim3A_1072 = arith.constant 16 : i32
      %broadcast_in_dim3A_1073 = vector.broadcast %broadcast_in_dim3A_1072 : i32 to vector<16xi32>
      %add3A_1074 = arith.addi %iota3A, %broadcast_in_dim3A_1073 : vector<16xi32>
      %add3A_1075 = arith.addi %gather3A_1051, %add3A_1074 : vector<16xi32>
      %get3A_1076 = arith.index_cast %add3A_1059 : i32 to index
      %get3A_1077 = arith.constant 16 : index
      %get3A_1078 = tpu.vector_load %arg9[%get3A_1076, %get3A_1077] {strides = array<i32>} : memref<384x128xf32, #tpu.memory_space<vmem>>, vector<16xf32>,
      %mul3A_1079 = arith.mulf %broadcast_in_dim3A_1054, %get3A_1078 : vector<16xf32>
      tpu.vector_store_idx %arg14[%add3A_1075], %mul3A_1079 {add = true} : memref<6144xf32, #tpu.memory_space<vmem>>[vector<16xi32>], vector<16xf32>,
      %get3A_1080 = arith.index_cast %add3A_1059 : i32 to index
      %get3A_1081 = arith.constant 16 : index
      %get3A_1082 = tpu.vector_load %arg10[%get3A_1080, %get3A_1081] {strides = array<i32>} : memref<384x128xf32, #tpu.memory_space<vmem>>, vector<16xf32>,
      %mul3A_1083 = arith.mulf %broadcast_in_dim3A_1057, %get3A_1082 : vector<16xf32>
      tpu.vector_store_idx %arg15[%add3A_1075], %mul3A_1083 {add = true} : memref<6144xf32, #tpu.memory_space<vmem>>[vector<16xi32>], vector<16xf32>,
      %broadcast_in_dim3A_1084 = arith.constant 32 : i32
      %broadcast_in_dim3A_1085 = vector.broadcast %broadcast_in_dim3A_1084 : i32 to vector<16xi32>
      %add3A_1086 = arith.addi %iota3A, %broadcast_in_dim3A_1085 : vector<16xi32>
      %add3A_1087 = arith.addi %gather3A_1051, %add3A_1086 : vector<16xi32>
      %get3A_1088 = arith.index_cast %add3A_1059 : i32 to index
      %get3A_1089 = arith.constant 32 : index
      %get3A_1090 = tpu.vector_load %arg9[%get3A_1088, %get3A_1089] {strides = array<i32>} : memref<384x128xf32, #tpu.memory_space<vmem>>, vector<16xf32>,
      %mul3A_1091 = arith.mulf %broadcast_in_dim3A_1054, %get3A_1090 : vector<16xf32>
      tpu.vector_store_idx %arg14[%add3A_1087], %mul3A_1091 {add = true} : memref<6144xf32, #tpu.memory_space<vmem>>[vector<16xi32>], vector<16xf32>,
      %get3A_1092 = arith.index_cast %add3A_1059 : i32 to index
      %get3A_1093 = arith.constant 32 : index
      %get3A_1094 = tpu.vector_load %arg10[%get3A_1092, %get3A_1093] {strides = array<i32>} : memref<384x128xf32, #tpu.memory_space<vmem>>, vector<16xf32>,
      %mul3A_1095 = arith.mulf %broadcast_in_dim3A_1057, %get3A_1094 : vector<16xf32>
      tpu.vector_store_idx %arg15[%add3A_1087], %mul3A_1095 {add = true} : memref<6144xf32, #tpu.memory_space<vmem>>[vector<16xi32>], vector<16xf32>,
      %broadcast_in_dim3A_1096 = arith.constant 48 : i32
      %broadcast_in_dim3A_1097 = vector.broadcast %broadcast_in_dim3A_1096 : i32 to vector<16xi32>
      %add3A_1098 = arith.addi %iota3A, %broadcast_in_dim3A_1097 : vector<16xi32>
      %add3A_1099 = arith.addi %gather3A_1051, %add3A_1098 : vector<16xi32>
      %get3A_1100 = arith.index_cast %add3A_1059 : i32 to index
      %get3A_1101 = arith.constant 48 : index
      %get3A_1102 = tpu.vector_load %arg9[%get3A_1100, %get3A_1101] {strides = array<i32>} : memref<384x128xf32, #tpu.memory_space<vmem>>, vector<16xf32>,
      %mul3A_1103 = arith.mulf %broadcast_in_dim3A_1054, %get3A_1102 : vector<16xf32>
      tpu.vector_store_idx %arg14[%add3A_1099], %mul3A_1103 {add = true} : memref<6144xf32, #tpu.memory_space<vmem>>[vector<16xi32>], vector<16xf32>,
      %get3A_1104 = arith.index_cast %add3A_1059 : i32 to index
      %get3A_1105 = arith.constant 48 : index
      %get3A_1106 = tpu.vector_load %arg10[%get3A_1104, %get3A_1105] {strides = array<i32>} : memref<384x128xf32, #tpu.memory_space<vmem>>, vector<16xf32>,
      %mul3A_1107 = arith.mulf %broadcast_in_dim3A_1057, %get3A_1106 : vector<16xf32>
      tpu.vector_store_idx %arg15[%add3A_1099], %mul3A_1107 {add = true} : memref<6144xf32, #tpu.memory_space<vmem>>[vector<16xi32>], vector<16xf32>,
      %broadcast_in_dim3A_1108 = arith.constant 64 : i32
      %broadcast_in_dim3A_1109 = vector.broadcast %broadcast_in_dim3A_1108 : i32 to vector<16xi32>
      %add3A_1110 = arith.addi %iota3A, %broadcast_in_dim3A_1109 : vector<16xi32>
      %add3A_1111 = arith.addi %gather3A_1051, %add3A_1110 : vector<16xi32>
      %get3A_1112 = arith.index_cast %add3A_1059 : i32 to index
      %get3A_1113 = arith.constant 64 : index
      %get3A_1114 = tpu.vector_load %arg9[%get3A_1112, %get3A_1113] {strides = array<i32>} : memref<384x128xf32, #tpu.memory_space<vmem>>, vector<16xf32>,
      %mul3A_1115 = arith.mulf %broadcast_in_dim3A_1054, %get3A_1114 : vector<16xf32>
      tpu.vector_store_idx %arg14[%add3A_1111], %mul3A_1115 {add = true} : memref<6144xf32, #tpu.memory_space<vmem>>[vector<16xi32>], vector<16xf32>,
      %get3A_1116 = arith.index_cast %add3A_1059 : i32 to index
      %get3A_1117 = arith.constant 64 : index
      %get3A_1118 = tpu.vector_load %arg10[%get3A_1116, %get3A_1117] {strides = array<i32>} : memref<384x128xf32, #tpu.memory_space<vmem>>, vector<16xf32>,
      %mul3A_1119 = arith.mulf %broadcast_in_dim3A_1057, %get3A_1118 : vector<16xf32>
      tpu.vector_store_idx %arg15[%add3A_1111], %mul3A_1119 {add = true} : memref<6144xf32, #tpu.memory_space<vmem>>[vector<16xi32>], vector<16xf32>,
      %broadcast_in_dim3A_1120 = arith.constant 80 : i32
      %broadcast_in_dim3A_1121 = vector.broadcast %broadcast_in_dim3A_1120 : i32 to vector<16xi32>
      %add3A_1122 = arith.addi %iota3A, %broadcast_in_dim3A_1121 : vector<16xi32>
      %add3A_1123 = arith.addi %gather3A_1051, %add3A_1122 : vector<16xi32>
      %get3A_1124 = arith.index_cast %add3A_1059 : i32 to index
      %get3A_1125 = arith.constant 80 : index
      %get3A_1126 = tpu.vector_load %arg9[%get3A_1124, %get3A_1125] {strides = array<i32>} : memref<384x128xf32, #tpu.memory_space<vmem>>, vector<16xf32>,
      %mul3A_1127 = arith.mulf %broadcast_in_dim3A_1054, %get3A_1126 : vector<16xf32>
      tpu.vector_store_idx %arg14[%add3A_1123], %mul3A_1127 {add = true} : memref<6144xf32, #tpu.memory_space<vmem>>[vector<16xi32>], vector<16xf32>,
      %get3A_1128 = arith.index_cast %add3A_1059 : i32 to index
      %get3A_1129 = arith.constant 80 : index
      %get3A_1130 = tpu.vector_load %arg10[%get3A_1128, %get3A_1129] {strides = array<i32>} : memref<384x128xf32, #tpu.memory_space<vmem>>, vector<16xf32>,
      %mul3A_1131 = arith.mulf %broadcast_in_dim3A_1057, %get3A_1130 : vector<16xf32>
      tpu.vector_store_idx %arg15[%add3A_1123], %mul3A_1131 {add = true} : memref<6144xf32, #tpu.memory_space<vmem>>[vector<16xi32>], vector<16xf32>,
      %broadcast_in_dim3A_1132 = arith.constant 96 : i32
      %broadcast_in_dim3A_1133 = vector.broadcast %broadcast_in_dim3A_1132 : i32 to vector<16xi32>
      %add3A_1134 = arith.addi %iota3A, %broadcast_in_dim3A_1133 : vector<16xi32>
      %add3A_1135 = arith.addi %gather3A_1051, %add3A_1134 : vector<16xi32>
      %get3A_1136 = arith.index_cast %add3A_1059 : i32 to index
      %get3A_1137 = arith.constant 96 : index
      %get3A_1138 = tpu.vector_load %arg9[%get3A_1136, %get3A_1137] {strides = array<i32>} : memref<384x128xf32, #tpu.memory_space<vmem>>, vector<16xf32>,
      %mul3A_1139 = arith.mulf %broadcast_in_dim3A_1054, %get3A_1138 : vector<16xf32>
      tpu.vector_store_idx %arg14[%add3A_1135], %mul3A_1139 {add = true} : memref<6144xf32, #tpu.memory_space<vmem>>[vector<16xi32>], vector<16xf32>,
      %get3A_1140 = arith.index_cast %add3A_1059 : i32 to index
      %get3A_1141 = arith.constant 96 : index
      %get3A_1142 = tpu.vector_load %arg10[%get3A_1140, %get3A_1141] {strides = array<i32>} : memref<384x128xf32, #tpu.memory_space<vmem>>, vector<16xf32>,
      %mul3A_1143 = arith.mulf %broadcast_in_dim3A_1057, %get3A_1142 : vector<16xf32>
      tpu.vector_store_idx %arg15[%add3A_1135], %mul3A_1143 {add = true} : memref<6144xf32, #tpu.memory_space<vmem>>[vector<16xi32>], vector<16xf32>,
      %broadcast_in_dim3A_1144 = arith.constant 112 : i32
      %broadcast_in_dim3A_1145 = vector.broadcast %broadcast_in_dim3A_1144 : i32 to vector<16xi32>
      %add3A_1146 = arith.addi %iota3A, %broadcast_in_dim3A_1145 : vector<16xi32>
      %add3A_1147 = arith.addi %gather3A_1051, %add3A_1146 : vector<16xi32>
      %get3A_1148 = arith.index_cast %add3A_1059 : i32 to index
      %get3A_1149 = arith.constant 112 : index
      %get3A_1150 = tpu.vector_load %arg9[%get3A_1148, %get3A_1149] {strides = array<i32>} : memref<384x128xf32, #tpu.memory_space<vmem>>, vector<16xf32>,
      %mul3A_1151 = arith.mulf %broadcast_in_dim3A_1054, %get3A_1150 : vector<16xf32>
      tpu.vector_store_idx %arg14[%add3A_1147], %mul3A_1151 {add = true} : memref<6144xf32, #tpu.memory_space<vmem>>[vector<16xi32>], vector<16xf32>,
      %get3A_1152 = arith.index_cast %add3A_1059 : i32 to index
      %get3A_1153 = arith.constant 112 : index
      %get3A_1154 = tpu.vector_load %arg10[%get3A_1152, %get3A_1153] {strides = array<i32>} : memref<384x128xf32, #tpu.memory_space<vmem>>, vector<16xf32>,
      %mul3A_1155 = arith.mulf %broadcast_in_dim3A_1057, %get3A_1154 : vector<16xf32>
      tpu.vector_store_idx %arg15[%add3A_1147], %mul3A_1155 {add = true} : memref<6144xf32, #tpu.memory_space<vmem>>[vector<16xi32>], vector<16xf32>,
      %broadcast_in_dim3A_1156 = arith.constant 10 : i32
      %broadcast_in_dim3A_1157 = vector.broadcast %broadcast_in_dim3A_1156 : i32 to vector<16x1xi32>
      %gather3A_1158 = vector.shape_cast %broadcast_in_dim3A_1157 : vector<16x1xi32> to vector<16xi32>
      %gather3A_1159 = tpu.dynamic_gather %mul3A_78[%gather3A_1158] in [0] : vector<16xi32>, vector<16xi32> -> vector<16xi32>
      %slice3A_1160 = vector.extract_strided_slice %get3A_64 {offsets = [10], sizes = [1], strides = [1]} : vector<16xf32> to vector<1xf32>
      %squeeze3A_1161 = vector.extract %slice3A_1160[0] : f32 from vector<1xf32>
      %broadcast_in_dim3A_1162 = vector.broadcast %squeeze3A_1161 : f32 to vector<16xf32>
      %slice3A_1163 = vector.extract_strided_slice %get3A_66 {offsets = [10], sizes = [1], strides = [1]} : vector<16xf32> to vector<1xf32>
      %squeeze3A_1164 = vector.extract %slice3A_1163[0] : f32 from vector<1xf32>
      %broadcast_in_dim3A_1165 = vector.broadcast %squeeze3A_1164 : f32 to vector<16xf32>
      %add3A_1166 = arith.constant 10 : i32
      %add3A_1167 = arith.addi %mul3A_61, %add3A_1166 : i32
      %broadcast_in_dim3A_1168 = arith.constant 0 : i32
      %broadcast_in_dim3A_1169 = vector.broadcast %broadcast_in_dim3A_1168 : i32 to vector<16xi32>
      %add3A_1170 = arith.addi %iota3A, %broadcast_in_dim3A_1169 : vector<16xi32>
      %add3A_1171 = arith.addi %gather3A_1159, %add3A_1170 : vector<16xi32>
      %get3A_1172 = arith.index_cast %add3A_1167 : i32 to index
      %get3A_1173 = arith.constant 0 : index
      %get3A_1174 = tpu.vector_load %arg9[%get3A_1172, %get3A_1173] {strides = array<i32>} : memref<384x128xf32, #tpu.memory_space<vmem>>, vector<16xf32>,
      %mul3A_1175 = arith.mulf %broadcast_in_dim3A_1162, %get3A_1174 : vector<16xf32>
      tpu.vector_store_idx %arg14[%add3A_1171], %mul3A_1175 {add = true} : memref<6144xf32, #tpu.memory_space<vmem>>[vector<16xi32>], vector<16xf32>,
      %get3A_1176 = arith.index_cast %add3A_1167 : i32 to index
      %get3A_1177 = arith.constant 0 : index
      %get3A_1178 = tpu.vector_load %arg10[%get3A_1176, %get3A_1177] {strides = array<i32>} : memref<384x128xf32, #tpu.memory_space<vmem>>, vector<16xf32>,
      %mul3A_1179 = arith.mulf %broadcast_in_dim3A_1165, %get3A_1178 : vector<16xf32>
      tpu.vector_store_idx %arg15[%add3A_1171], %mul3A_1179 {add = true} : memref<6144xf32, #tpu.memory_space<vmem>>[vector<16xi32>], vector<16xf32>,
      %broadcast_in_dim3A_1180 = arith.constant 16 : i32
      %broadcast_in_dim3A_1181 = vector.broadcast %broadcast_in_dim3A_1180 : i32 to vector<16xi32>
      %add3A_1182 = arith.addi %iota3A, %broadcast_in_dim3A_1181 : vector<16xi32>
      %add3A_1183 = arith.addi %gather3A_1159, %add3A_1182 : vector<16xi32>
      %get3A_1184 = arith.index_cast %add3A_1167 : i32 to index
      %get3A_1185 = arith.constant 16 : index
      %get3A_1186 = tpu.vector_load %arg9[%get3A_1184, %get3A_1185] {strides = array<i32>} : memref<384x128xf32, #tpu.memory_space<vmem>>, vector<16xf32>,
      %mul3A_1187 = arith.mulf %broadcast_in_dim3A_1162, %get3A_1186 : vector<16xf32>
      tpu.vector_store_idx %arg14[%add3A_1183], %mul3A_1187 {add = true} : memref<6144xf32, #tpu.memory_space<vmem>>[vector<16xi32>], vector<16xf32>,
      %get3A_1188 = arith.index_cast %add3A_1167 : i32 to index
      %get3A_1189 = arith.constant 16 : index
      %get3A_1190 = tpu.vector_load %arg10[%get3A_1188, %get3A_1189] {strides = array<i32>} : memref<384x128xf32, #tpu.memory_space<vmem>>, vector<16xf32>,
      %mul3A_1191 = arith.mulf %broadcast_in_dim3A_1165, %get3A_1190 : vector<16xf32>
      tpu.vector_store_idx %arg15[%add3A_1183], %mul3A_1191 {add = true} : memref<6144xf32, #tpu.memory_space<vmem>>[vector<16xi32>], vector<16xf32>,
      %broadcast_in_dim3A_1192 = arith.constant 32 : i32
      %broadcast_in_dim3A_1193 = vector.broadcast %broadcast_in_dim3A_1192 : i32 to vector<16xi32>
      %add3A_1194 = arith.addi %iota3A, %broadcast_in_dim3A_1193 : vector<16xi32>
      %add3A_1195 = arith.addi %gather3A_1159, %add3A_1194 : vector<16xi32>
      %get3A_1196 = arith.index_cast %add3A_1167 : i32 to index
      %get3A_1197 = arith.constant 32 : index
      %get3A_1198 = tpu.vector_load %arg9[%get3A_1196, %get3A_1197] {strides = array<i32>} : memref<384x128xf32, #tpu.memory_space<vmem>>, vector<16xf32>,
      %mul3A_1199 = arith.mulf %broadcast_in_dim3A_1162, %get3A_1198 : vector<16xf32>
      tpu.vector_store_idx %arg14[%add3A_1195], %mul3A_1199 {add = true} : memref<6144xf32, #tpu.memory_space<vmem>>[vector<16xi32>], vector<16xf32>,
      %get3A_1200 = arith.index_cast %add3A_1167 : i32 to index
      %get3A_1201 = arith.constant 32 : index
      %get3A_1202 = tpu.vector_load %arg10[%get3A_1200, %get3A_1201] {strides = array<i32>} : memref<384x128xf32, #tpu.memory_space<vmem>>, vector<16xf32>,
      %mul3A_1203 = arith.mulf %broadcast_in_dim3A_1165, %get3A_1202 : vector<16xf32>
      tpu.vector_store_idx %arg15[%add3A_1195], %mul3A_1203 {add = true} : memref<6144xf32, #tpu.memory_space<vmem>>[vector<16xi32>], vector<16xf32>,
      %broadcast_in_dim3A_1204 = arith.constant 48 : i32
      %broadcast_in_dim3A_1205 = vector.broadcast %broadcast_in_dim3A_1204 : i32 to vector<16xi32>
      %add3A_1206 = arith.addi %iota3A, %broadcast_in_dim3A_1205 : vector<16xi32>
      %add3A_1207 = arith.addi %gather3A_1159, %add3A_1206 : vector<16xi32>
      %get3A_1208 = arith.index_cast %add3A_1167 : i32 to index
      %get3A_1209 = arith.constant 48 : index
      %get3A_1210 = tpu.vector_load %arg9[%get3A_1208, %get3A_1209] {strides = array<i32>} : memref<384x128xf32, #tpu.memory_space<vmem>>, vector<16xf32>,
      %mul3A_1211 = arith.mulf %broadcast_in_dim3A_1162, %get3A_1210 : vector<16xf32>
      tpu.vector_store_idx %arg14[%add3A_1207], %mul3A_1211 {add = true} : memref<6144xf32, #tpu.memory_space<vmem>>[vector<16xi32>], vector<16xf32>,
      %get3A_1212 = arith.index_cast %add3A_1167 : i32 to index
      %get3A_1213 = arith.constant 48 : index
      %get3A_1214 = tpu.vector_load %arg10[%get3A_1212, %get3A_1213] {strides = array<i32>} : memref<384x128xf32, #tpu.memory_space<vmem>>, vector<16xf32>,
      %mul3A_1215 = arith.mulf %broadcast_in_dim3A_1165, %get3A_1214 : vector<16xf32>
      tpu.vector_store_idx %arg15[%add3A_1207], %mul3A_1215 {add = true} : memref<6144xf32, #tpu.memory_space<vmem>>[vector<16xi32>], vector<16xf32>,
      %broadcast_in_dim3A_1216 = arith.constant 64 : i32
      %broadcast_in_dim3A_1217 = vector.broadcast %broadcast_in_dim3A_1216 : i32 to vector<16xi32>
      %add3A_1218 = arith.addi %iota3A, %broadcast_in_dim3A_1217 : vector<16xi32>
      %add3A_1219 = arith.addi %gather3A_1159, %add3A_1218 : vector<16xi32>
      %get3A_1220 = arith.index_cast %add3A_1167 : i32 to index
      %get3A_1221 = arith.constant 64 : index
      %get3A_1222 = tpu.vector_load %arg9[%get3A_1220, %get3A_1221] {strides = array<i32>} : memref<384x128xf32, #tpu.memory_space<vmem>>, vector<16xf32>,
      %mul3A_1223 = arith.mulf %broadcast_in_dim3A_1162, %get3A_1222 : vector<16xf32>
      tpu.vector_store_idx %arg14[%add3A_1219], %mul3A_1223 {add = true} : memref<6144xf32, #tpu.memory_space<vmem>>[vector<16xi32>], vector<16xf32>,
      %get3A_1224 = arith.index_cast %add3A_1167 : i32 to index
      %get3A_1225 = arith.constant 64 : index
      %get3A_1226 = tpu.vector_load %arg10[%get3A_1224, %get3A_1225] {strides = array<i32>} : memref<384x128xf32, #tpu.memory_space<vmem>>, vector<16xf32>,
      %mul3A_1227 = arith.mulf %broadcast_in_dim3A_1165, %get3A_1226 : vector<16xf32>
      tpu.vector_store_idx %arg15[%add3A_1219], %mul3A_1227 {add = true} : memref<6144xf32, #tpu.memory_space<vmem>>[vector<16xi32>], vector<16xf32>,
      %broadcast_in_dim3A_1228 = arith.constant 80 : i32
      %broadcast_in_dim3A_1229 = vector.broadcast %broadcast_in_dim3A_1228 : i32 to vector<16xi32>
      %add3A_1230 = arith.addi %iota3A, %broadcast_in_dim3A_1229 : vector<16xi32>
      %add3A_1231 = arith.addi %gather3A_1159, %add3A_1230 : vector<16xi32>
      %get3A_1232 = arith.index_cast %add3A_1167 : i32 to index
      %get3A_1233 = arith.constant 80 : index
      %get3A_1234 = tpu.vector_load %arg9[%get3A_1232, %get3A_1233] {strides = array<i32>} : memref<384x128xf32, #tpu.memory_space<vmem>>, vector<16xf32>,
      %mul3A_1235 = arith.mulf %broadcast_in_dim3A_1162, %get3A_1234 : vector<16xf32>
      tpu.vector_store_idx %arg14[%add3A_1231], %mul3A_1235 {add = true} : memref<6144xf32, #tpu.memory_space<vmem>>[vector<16xi32>], vector<16xf32>,
      %get3A_1236 = arith.index_cast %add3A_1167 : i32 to index
      %get3A_1237 = arith.constant 80 : index
      %get3A_1238 = tpu.vector_load %arg10[%get3A_1236, %get3A_1237] {strides = array<i32>} : memref<384x128xf32, #tpu.memory_space<vmem>>, vector<16xf32>,
      %mul3A_1239 = arith.mulf %broadcast_in_dim3A_1165, %get3A_1238 : vector<16xf32>
      tpu.vector_store_idx %arg15[%add3A_1231], %mul3A_1239 {add = true} : memref<6144xf32, #tpu.memory_space<vmem>>[vector<16xi32>], vector<16xf32>,
      %broadcast_in_dim3A_1240 = arith.constant 96 : i32
      %broadcast_in_dim3A_1241 = vector.broadcast %broadcast_in_dim3A_1240 : i32 to vector<16xi32>
      %add3A_1242 = arith.addi %iota3A, %broadcast_in_dim3A_1241 : vector<16xi32>
      %add3A_1243 = arith.addi %gather3A_1159, %add3A_1242 : vector<16xi32>
      %get3A_1244 = arith.index_cast %add3A_1167 : i32 to index
      %get3A_1245 = arith.constant 96 : index
      %get3A_1246 = tpu.vector_load %arg9[%get3A_1244, %get3A_1245] {strides = array<i32>} : memref<384x128xf32, #tpu.memory_space<vmem>>, vector<16xf32>,
      %mul3A_1247 = arith.mulf %broadcast_in_dim3A_1162, %get3A_1246 : vector<16xf32>
      tpu.vector_store_idx %arg14[%add3A_1243], %mul3A_1247 {add = true} : memref<6144xf32, #tpu.memory_space<vmem>>[vector<16xi32>], vector<16xf32>,
      %get3A_1248 = arith.index_cast %add3A_1167 : i32 to index
      %get3A_1249 = arith.constant 96 : index
      %get3A_1250 = tpu.vector_load %arg10[%get3A_1248, %get3A_1249] {strides = array<i32>} : memref<384x128xf32, #tpu.memory_space<vmem>>, vector<16xf32>,
      %mul3A_1251 = arith.mulf %broadcast_in_dim3A_1165, %get3A_1250 : vector<16xf32>
      tpu.vector_store_idx %arg15[%add3A_1243], %mul3A_1251 {add = true} : memref<6144xf32, #tpu.memory_space<vmem>>[vector<16xi32>], vector<16xf32>,
      %broadcast_in_dim3A_1252 = arith.constant 112 : i32
      %broadcast_in_dim3A_1253 = vector.broadcast %broadcast_in_dim3A_1252 : i32 to vector<16xi32>
      %add3A_1254 = arith.addi %iota3A, %broadcast_in_dim3A_1253 : vector<16xi32>
      %add3A_1255 = arith.addi %gather3A_1159, %add3A_1254 : vector<16xi32>
      %get3A_1256 = arith.index_cast %add3A_1167 : i32 to index
      %get3A_1257 = arith.constant 112 : index
      %get3A_1258 = tpu.vector_load %arg9[%get3A_1256, %get3A_1257] {strides = array<i32>} : memref<384x128xf32, #tpu.memory_space<vmem>>, vector<16xf32>,
      %mul3A_1259 = arith.mulf %broadcast_in_dim3A_1162, %get3A_1258 : vector<16xf32>
      tpu.vector_store_idx %arg14[%add3A_1255], %mul3A_1259 {add = true} : memref<6144xf32, #tpu.memory_space<vmem>>[vector<16xi32>], vector<16xf32>,
      %get3A_1260 = arith.index_cast %add3A_1167 : i32 to index
      %get3A_1261 = arith.constant 112 : index
      %get3A_1262 = tpu.vector_load %arg10[%get3A_1260, %get3A_1261] {strides = array<i32>} : memref<384x128xf32, #tpu.memory_space<vmem>>, vector<16xf32>,
      %mul3A_1263 = arith.mulf %broadcast_in_dim3A_1165, %get3A_1262 : vector<16xf32>
      tpu.vector_store_idx %arg15[%add3A_1255], %mul3A_1263 {add = true} : memref<6144xf32, #tpu.memory_space<vmem>>[vector<16xi32>], vector<16xf32>,
      %broadcast_in_dim3A_1264 = arith.constant 11 : i32
      %broadcast_in_dim3A_1265 = vector.broadcast %broadcast_in_dim3A_1264 : i32 to vector<16x1xi32>
      %gather3A_1266 = vector.shape_cast %broadcast_in_dim3A_1265 : vector<16x1xi32> to vector<16xi32>
      %gather3A_1267 = tpu.dynamic_gather %mul3A_78[%gather3A_1266] in [0] : vector<16xi32>, vector<16xi32> -> vector<16xi32>
      %slice3A_1268 = vector.extract_strided_slice %get3A_64 {offsets = [11], sizes = [1], strides = [1]} : vector<16xf32> to vector<1xf32>
      %squeeze3A_1269 = vector.extract %slice3A_1268[0] : f32 from vector<1xf32>
      %broadcast_in_dim3A_1270 = vector.broadcast %squeeze3A_1269 : f32 to vector<16xf32>
      %slice3A_1271 = vector.extract_strided_slice %get3A_66 {offsets = [11], sizes = [1], strides = [1]} : vector<16xf32> to vector<1xf32>
      %squeeze3A_1272 = vector.extract %slice3A_1271[0] : f32 from vector<1xf32>
      %broadcast_in_dim3A_1273 = vector.broadcast %squeeze3A_1272 : f32 to vector<16xf32>
      %add3A_1274 = arith.constant 11 : i32
      %add3A_1275 = arith.addi %mul3A_61, %add3A_1274 : i32
      %broadcast_in_dim3A_1276 = arith.constant 0 : i32
      %broadcast_in_dim3A_1277 = vector.broadcast %broadcast_in_dim3A_1276 : i32 to vector<16xi32>
      %add3A_1278 = arith.addi %iota3A, %broadcast_in_dim3A_1277 : vector<16xi32>
      %add3A_1279 = arith.addi %gather3A_1267, %add3A_1278 : vector<16xi32>
      %get3A_1280 = arith.index_cast %add3A_1275 : i32 to index
      %get3A_1281 = arith.constant 0 : index
      %get3A_1282 = tpu.vector_load %arg9[%get3A_1280, %get3A_1281] {strides = array<i32>} : memref<384x128xf32, #tpu.memory_space<vmem>>, vector<16xf32>,
      %mul3A_1283 = arith.mulf %broadcast_in_dim3A_1270, %get3A_1282 : vector<16xf32>
      tpu.vector_store_idx %arg14[%add3A_1279], %mul3A_1283 {add = true} : memref<6144xf32, #tpu.memory_space<vmem>>[vector<16xi32>], vector<16xf32>,
      %get3A_1284 = arith.index_cast %add3A_1275 : i32 to index
      %get3A_1285 = arith.constant 0 : index
      %get3A_1286 = tpu.vector_load %arg10[%get3A_1284, %get3A_1285] {strides = array<i32>} : memref<384x128xf32, #tpu.memory_space<vmem>>, vector<16xf32>,
      %mul3A_1287 = arith.mulf %broadcast_in_dim3A_1273, %get3A_1286 : vector<16xf32>
      tpu.vector_store_idx %arg15[%add3A_1279], %mul3A_1287 {add = true} : memref<6144xf32, #tpu.memory_space<vmem>>[vector<16xi32>], vector<16xf32>,
      %broadcast_in_dim3A_1288 = arith.constant 16 : i32
      %broadcast_in_dim3A_1289 = vector.broadcast %broadcast_in_dim3A_1288 : i32 to vector<16xi32>
      %add3A_1290 = arith.addi %iota3A, %broadcast_in_dim3A_1289 : vector<16xi32>
      %add3A_1291 = arith.addi %gather3A_1267, %add3A_1290 : vector<16xi32>
      %get3A_1292 = arith.index_cast %add3A_1275 : i32 to index
      %get3A_1293 = arith.constant 16 : index
      %get3A_1294 = tpu.vector_load %arg9[%get3A_1292, %get3A_1293] {strides = array<i32>} : memref<384x128xf32, #tpu.memory_space<vmem>>, vector<16xf32>,
      %mul3A_1295 = arith.mulf %broadcast_in_dim3A_1270, %get3A_1294 : vector<16xf32>
      tpu.vector_store_idx %arg14[%add3A_1291], %mul3A_1295 {add = true} : memref<6144xf32, #tpu.memory_space<vmem>>[vector<16xi32>], vector<16xf32>,
      %get3A_1296 = arith.index_cast %add3A_1275 : i32 to index
      %get3A_1297 = arith.constant 16 : index
      %get3A_1298 = tpu.vector_load %arg10[%get3A_1296, %get3A_1297] {strides = array<i32>} : memref<384x128xf32, #tpu.memory_space<vmem>>, vector<16xf32>,
      %mul3A_1299 = arith.mulf %broadcast_in_dim3A_1273, %get3A_1298 : vector<16xf32>
      tpu.vector_store_idx %arg15[%add3A_1291], %mul3A_1299 {add = true} : memref<6144xf32, #tpu.memory_space<vmem>>[vector<16xi32>], vector<16xf32>,
      %broadcast_in_dim3A_1300 = arith.constant 32 : i32
      %broadcast_in_dim3A_1301 = vector.broadcast %broadcast_in_dim3A_1300 : i32 to vector<16xi32>
      %add3A_1302 = arith.addi %iota3A, %broadcast_in_dim3A_1301 : vector<16xi32>
      %add3A_1303 = arith.addi %gather3A_1267, %add3A_1302 : vector<16xi32>
      %get3A_1304 = arith.index_cast %add3A_1275 : i32 to index
      %get3A_1305 = arith.constant 32 : index
      %get3A_1306 = tpu.vector_load %arg9[%get3A_1304, %get3A_1305] {strides = array<i32>} : memref<384x128xf32, #tpu.memory_space<vmem>>, vector<16xf32>,
      %mul3A_1307 = arith.mulf %broadcast_in_dim3A_1270, %get3A_1306 : vector<16xf32>
      tpu.vector_store_idx %arg14[%add3A_1303], %mul3A_1307 {add = true} : memref<6144xf32, #tpu.memory_space<vmem>>[vector<16xi32>], vector<16xf32>,
      %get3A_1308 = arith.index_cast %add3A_1275 : i32 to index
      %get3A_1309 = arith.constant 32 : index
      %get3A_1310 = tpu.vector_load %arg10[%get3A_1308, %get3A_1309] {strides = array<i32>} : memref<384x128xf32, #tpu.memory_space<vmem>>, vector<16xf32>,
      %mul3A_1311 = arith.mulf %broadcast_in_dim3A_1273, %get3A_1310 : vector<16xf32>
      tpu.vector_store_idx %arg15[%add3A_1303], %mul3A_1311 {add = true} : memref<6144xf32, #tpu.memory_space<vmem>>[vector<16xi32>], vector<16xf32>,
      %broadcast_in_dim3A_1312 = arith.constant 48 : i32
      %broadcast_in_dim3A_1313 = vector.broadcast %broadcast_in_dim3A_1312 : i32 to vector<16xi32>
      %add3A_1314 = arith.addi %iota3A, %broadcast_in_dim3A_1313 : vector<16xi32>
      %add3A_1315 = arith.addi %gather3A_1267, %add3A_1314 : vector<16xi32>
      %get3A_1316 = arith.index_cast %add3A_1275 : i32 to index
      %get3A_1317 = arith.constant 48 : index
      %get3A_1318 = tpu.vector_load %arg9[%get3A_1316, %get3A_1317] {strides = array<i32>} : memref<384x128xf32, #tpu.memory_space<vmem>>, vector<16xf32>,
      %mul3A_1319 = arith.mulf %broadcast_in_dim3A_1270, %get3A_1318 : vector<16xf32>
      tpu.vector_store_idx %arg14[%add3A_1315], %mul3A_1319 {add = true} : memref<6144xf32, #tpu.memory_space<vmem>>[vector<16xi32>], vector<16xf32>,
      %get3A_1320 = arith.index_cast %add3A_1275 : i32 to index
      %get3A_1321 = arith.constant 48 : index
      %get3A_1322 = tpu.vector_load %arg10[%get3A_1320, %get3A_1321] {strides = array<i32>} : memref<384x128xf32, #tpu.memory_space<vmem>>, vector<16xf32>,
      %mul3A_1323 = arith.mulf %broadcast_in_dim3A_1273, %get3A_1322 : vector<16xf32>
      tpu.vector_store_idx %arg15[%add3A_1315], %mul3A_1323 {add = true} : memref<6144xf32, #tpu.memory_space<vmem>>[vector<16xi32>], vector<16xf32>,
      %broadcast_in_dim3A_1324 = arith.constant 64 : i32
      %broadcast_in_dim3A_1325 = vector.broadcast %broadcast_in_dim3A_1324 : i32 to vector<16xi32>
      %add3A_1326 = arith.addi %iota3A, %broadcast_in_dim3A_1325 : vector<16xi32>
      %add3A_1327 = arith.addi %gather3A_1267, %add3A_1326 : vector<16xi32>
      %get3A_1328 = arith.index_cast %add3A_1275 : i32 to index
      %get3A_1329 = arith.constant 64 : index
      %get3A_1330 = tpu.vector_load %arg9[%get3A_1328, %get3A_1329] {strides = array<i32>} : memref<384x128xf32, #tpu.memory_space<vmem>>, vector<16xf32>,
      %mul3A_1331 = arith.mulf %broadcast_in_dim3A_1270, %get3A_1330 : vector<16xf32>
      tpu.vector_store_idx %arg14[%add3A_1327], %mul3A_1331 {add = true} : memref<6144xf32, #tpu.memory_space<vmem>>[vector<16xi32>], vector<16xf32>,
      %get3A_1332 = arith.index_cast %add3A_1275 : i32 to index
      %get3A_1333 = arith.constant 64 : index
      %get3A_1334 = tpu.vector_load %arg10[%get3A_1332, %get3A_1333] {strides = array<i32>} : memref<384x128xf32, #tpu.memory_space<vmem>>, vector<16xf32>,
      %mul3A_1335 = arith.mulf %broadcast_in_dim3A_1273, %get3A_1334 : vector<16xf32>
      tpu.vector_store_idx %arg15[%add3A_1327], %mul3A_1335 {add = true} : memref<6144xf32, #tpu.memory_space<vmem>>[vector<16xi32>], vector<16xf32>,
      %broadcast_in_dim3A_1336 = arith.constant 80 : i32
      %broadcast_in_dim3A_1337 = vector.broadcast %broadcast_in_dim3A_1336 : i32 to vector<16xi32>
      %add3A_1338 = arith.addi %iota3A, %broadcast_in_dim3A_1337 : vector<16xi32>
      %add3A_1339 = arith.addi %gather3A_1267, %add3A_1338 : vector<16xi32>
      %get3A_1340 = arith.index_cast %add3A_1275 : i32 to index
      %get3A_1341 = arith.constant 80 : index
      %get3A_1342 = tpu.vector_load %arg9[%get3A_1340, %get3A_1341] {strides = array<i32>} : memref<384x128xf32, #tpu.memory_space<vmem>>, vector<16xf32>,
      %mul3A_1343 = arith.mulf %broadcast_in_dim3A_1270, %get3A_1342 : vector<16xf32>
      tpu.vector_store_idx %arg14[%add3A_1339], %mul3A_1343 {add = true} : memref<6144xf32, #tpu.memory_space<vmem>>[vector<16xi32>], vector<16xf32>,
      %get3A_1344 = arith.index_cast %add3A_1275 : i32 to index
      %get3A_1345 = arith.constant 80 : index
      %get3A_1346 = tpu.vector_load %arg10[%get3A_1344, %get3A_1345] {strides = array<i32>} : memref<384x128xf32, #tpu.memory_space<vmem>>, vector<16xf32>,
      %mul3A_1347 = arith.mulf %broadcast_in_dim3A_1273, %get3A_1346 : vector<16xf32>
      tpu.vector_store_idx %arg15[%add3A_1339], %mul3A_1347 {add = true} : memref<6144xf32, #tpu.memory_space<vmem>>[vector<16xi32>], vector<16xf32>,
      %broadcast_in_dim3A_1348 = arith.constant 96 : i32
      %broadcast_in_dim3A_1349 = vector.broadcast %broadcast_in_dim3A_1348 : i32 to vector<16xi32>
      %add3A_1350 = arith.addi %iota3A, %broadcast_in_dim3A_1349 : vector<16xi32>
      %add3A_1351 = arith.addi %gather3A_1267, %add3A_1350 : vector<16xi32>
      %get3A_1352 = arith.index_cast %add3A_1275 : i32 to index
      %get3A_1353 = arith.constant 96 : index
      %get3A_1354 = tpu.vector_load %arg9[%get3A_1352, %get3A_1353] {strides = array<i32>} : memref<384x128xf32, #tpu.memory_space<vmem>>, vector<16xf32>,
      %mul3A_1355 = arith.mulf %broadcast_in_dim3A_1270, %get3A_1354 : vector<16xf32>
      tpu.vector_store_idx %arg14[%add3A_1351], %mul3A_1355 {add = true} : memref<6144xf32, #tpu.memory_space<vmem>>[vector<16xi32>], vector<16xf32>,
      %get3A_1356 = arith.index_cast %add3A_1275 : i32 to index
      %get3A_1357 = arith.constant 96 : index
      %get3A_1358 = tpu.vector_load %arg10[%get3A_1356, %get3A_1357] {strides = array<i32>} : memref<384x128xf32, #tpu.memory_space<vmem>>, vector<16xf32>,
      %mul3A_1359 = arith.mulf %broadcast_in_dim3A_1273, %get3A_1358 : vector<16xf32>
      tpu.vector_store_idx %arg15[%add3A_1351], %mul3A_1359 {add = true} : memref<6144xf32, #tpu.memory_space<vmem>>[vector<16xi32>], vector<16xf32>,
      %broadcast_in_dim3A_1360 = arith.constant 112 : i32
      %broadcast_in_dim3A_1361 = vector.broadcast %broadcast_in_dim3A_1360 : i32 to vector<16xi32>
      %add3A_1362 = arith.addi %iota3A, %broadcast_in_dim3A_1361 : vector<16xi32>
      %add3A_1363 = arith.addi %gather3A_1267, %add3A_1362 : vector<16xi32>
      %get3A_1364 = arith.index_cast %add3A_1275 : i32 to index
      %get3A_1365 = arith.constant 112 : index
      %get3A_1366 = tpu.vector_load %arg9[%get3A_1364, %get3A_1365] {strides = array<i32>} : memref<384x128xf32, #tpu.memory_space<vmem>>, vector<16xf32>,
      %mul3A_1367 = arith.mulf %broadcast_in_dim3A_1270, %get3A_1366 : vector<16xf32>
      tpu.vector_store_idx %arg14[%add3A_1363], %mul3A_1367 {add = true} : memref<6144xf32, #tpu.memory_space<vmem>>[vector<16xi32>], vector<16xf32>,
      %get3A_1368 = arith.index_cast %add3A_1275 : i32 to index
      %get3A_1369 = arith.constant 112 : index
      %get3A_1370 = tpu.vector_load %arg10[%get3A_1368, %get3A_1369] {strides = array<i32>} : memref<384x128xf32, #tpu.memory_space<vmem>>, vector<16xf32>,
      %mul3A_1371 = arith.mulf %broadcast_in_dim3A_1273, %get3A_1370 : vector<16xf32>
      tpu.vector_store_idx %arg15[%add3A_1363], %mul3A_1371 {add = true} : memref<6144xf32, #tpu.memory_space<vmem>>[vector<16xi32>], vector<16xf32>,
      %broadcast_in_dim3A_1372 = arith.constant 12 : i32
      %broadcast_in_dim3A_1373 = vector.broadcast %broadcast_in_dim3A_1372 : i32 to vector<16x1xi32>
      %gather3A_1374 = vector.shape_cast %broadcast_in_dim3A_1373 : vector<16x1xi32> to vector<16xi32>
      %gather3A_1375 = tpu.dynamic_gather %mul3A_78[%gather3A_1374] in [0] : vector<16xi32>, vector<16xi32> -> vector<16xi32>
      %slice3A_1376 = vector.extract_strided_slice %get3A_64 {offsets = [12], sizes = [1], strides = [1]} : vector<16xf32> to vector<1xf32>
      %squeeze3A_1377 = vector.extract %slice3A_1376[0] : f32 from vector<1xf32>
      %broadcast_in_dim3A_1378 = vector.broadcast %squeeze3A_1377 : f32 to vector<16xf32>
      %slice3A_1379 = vector.extract_strided_slice %get3A_66 {offsets = [12], sizes = [1], strides = [1]} : vector<16xf32> to vector<1xf32>
      %squeeze3A_1380 = vector.extract %slice3A_1379[0] : f32 from vector<1xf32>
      %broadcast_in_dim3A_1381 = vector.broadcast %squeeze3A_1380 : f32 to vector<16xf32>
      %add3A_1382 = arith.constant 12 : i32
      %add3A_1383 = arith.addi %mul3A_61, %add3A_1382 : i32
      %broadcast_in_dim3A_1384 = arith.constant 0 : i32
      %broadcast_in_dim3A_1385 = vector.broadcast %broadcast_in_dim3A_1384 : i32 to vector<16xi32>
      %add3A_1386 = arith.addi %iota3A, %broadcast_in_dim3A_1385 : vector<16xi32>
      %add3A_1387 = arith.addi %gather3A_1375, %add3A_1386 : vector<16xi32>
      %get3A_1388 = arith.index_cast %add3A_1383 : i32 to index
      %get3A_1389 = arith.constant 0 : index
      %get3A_1390 = tpu.vector_load %arg9[%get3A_1388, %get3A_1389] {strides = array<i32>} : memref<384x128xf32, #tpu.memory_space<vmem>>, vector<16xf32>,
      %mul3A_1391 = arith.mulf %broadcast_in_dim3A_1378, %get3A_1390 : vector<16xf32>
      tpu.vector_store_idx %arg14[%add3A_1387], %mul3A_1391 {add = true} : memref<6144xf32, #tpu.memory_space<vmem>>[vector<16xi32>], vector<16xf32>,
      %get3A_1392 = arith.index_cast %add3A_1383 : i32 to index
      %get3A_1393 = arith.constant 0 : index
      %get3A_1394 = tpu.vector_load %arg10[%get3A_1392, %get3A_1393] {strides = array<i32>} : memref<384x128xf32, #tpu.memory_space<vmem>>, vector<16xf32>,
      %mul3A_1395 = arith.mulf %broadcast_in_dim3A_1381, %get3A_1394 : vector<16xf32>
      tpu.vector_store_idx %arg15[%add3A_1387], %mul3A_1395 {add = true} : memref<6144xf32, #tpu.memory_space<vmem>>[vector<16xi32>], vector<16xf32>,
      %broadcast_in_dim3A_1396 = arith.constant 16 : i32
      %broadcast_in_dim3A_1397 = vector.broadcast %broadcast_in_dim3A_1396 : i32 to vector<16xi32>
      %add3A_1398 = arith.addi %iota3A, %broadcast_in_dim3A_1397 : vector<16xi32>
      %add3A_1399 = arith.addi %gather3A_1375, %add3A_1398 : vector<16xi32>
      %get3A_1400 = arith.index_cast %add3A_1383 : i32 to index
      %get3A_1401 = arith.constant 16 : index
      %get3A_1402 = tpu.vector_load %arg9[%get3A_1400, %get3A_1401] {strides = array<i32>} : memref<384x128xf32, #tpu.memory_space<vmem>>, vector<16xf32>,
      %mul3A_1403 = arith.mulf %broadcast_in_dim3A_1378, %get3A_1402 : vector<16xf32>
      tpu.vector_store_idx %arg14[%add3A_1399], %mul3A_1403 {add = true} : memref<6144xf32, #tpu.memory_space<vmem>>[vector<16xi32>], vector<16xf32>,
      %get3A_1404 = arith.index_cast %add3A_1383 : i32 to index
      %get3A_1405 = arith.constant 16 : index
      %get3A_1406 = tpu.vector_load %arg10[%get3A_1404, %get3A_1405] {strides = array<i32>} : memref<384x128xf32, #tpu.memory_space<vmem>>, vector<16xf32>,
      %mul3A_1407 = arith.mulf %broadcast_in_dim3A_1381, %get3A_1406 : vector<16xf32>
      tpu.vector_store_idx %arg15[%add3A_1399], %mul3A_1407 {add = true} : memref<6144xf32, #tpu.memory_space<vmem>>[vector<16xi32>], vector<16xf32>,
      %broadcast_in_dim3A_1408 = arith.constant 32 : i32
      %broadcast_in_dim3A_1409 = vector.broadcast %broadcast_in_dim3A_1408 : i32 to vector<16xi32>
      %add3A_1410 = arith.addi %iota3A, %broadcast_in_dim3A_1409 : vector<16xi32>
      %add3A_1411 = arith.addi %gather3A_1375, %add3A_1410 : vector<16xi32>
      %get3A_1412 = arith.index_cast %add3A_1383 : i32 to index
      %get3A_1413 = arith.constant 32 : index
      %get3A_1414 = tpu.vector_load %arg9[%get3A_1412, %get3A_1413] {strides = array<i32>} : memref<384x128xf32, #tpu.memory_space<vmem>>, vector<16xf32>,
      %mul3A_1415 = arith.mulf %broadcast_in_dim3A_1378, %get3A_1414 : vector<16xf32>
      tpu.vector_store_idx %arg14[%add3A_1411], %mul3A_1415 {add = true} : memref<6144xf32, #tpu.memory_space<vmem>>[vector<16xi32>], vector<16xf32>,
      %get3A_1416 = arith.index_cast %add3A_1383 : i32 to index
      %get3A_1417 = arith.constant 32 : index
      %get3A_1418 = tpu.vector_load %arg10[%get3A_1416, %get3A_1417] {strides = array<i32>} : memref<384x128xf32, #tpu.memory_space<vmem>>, vector<16xf32>,
      %mul3A_1419 = arith.mulf %broadcast_in_dim3A_1381, %get3A_1418 : vector<16xf32>
      tpu.vector_store_idx %arg15[%add3A_1411], %mul3A_1419 {add = true} : memref<6144xf32, #tpu.memory_space<vmem>>[vector<16xi32>], vector<16xf32>,
      %broadcast_in_dim3A_1420 = arith.constant 48 : i32
      %broadcast_in_dim3A_1421 = vector.broadcast %broadcast_in_dim3A_1420 : i32 to vector<16xi32>
      %add3A_1422 = arith.addi %iota3A, %broadcast_in_dim3A_1421 : vector<16xi32>
      %add3A_1423 = arith.addi %gather3A_1375, %add3A_1422 : vector<16xi32>
      %get3A_1424 = arith.index_cast %add3A_1383 : i32 to index
      %get3A_1425 = arith.constant 48 : index
      %get3A_1426 = tpu.vector_load %arg9[%get3A_1424, %get3A_1425] {strides = array<i32>} : memref<384x128xf32, #tpu.memory_space<vmem>>, vector<16xf32>,
      %mul3A_1427 = arith.mulf %broadcast_in_dim3A_1378, %get3A_1426 : vector<16xf32>
      tpu.vector_store_idx %arg14[%add3A_1423], %mul3A_1427 {add = true} : memref<6144xf32, #tpu.memory_space<vmem>>[vector<16xi32>], vector<16xf32>,
      %get3A_1428 = arith.index_cast %add3A_1383 : i32 to index
      %get3A_1429 = arith.constant 48 : index
      %get3A_1430 = tpu.vector_load %arg10[%get3A_1428, %get3A_1429] {strides = array<i32>} : memref<384x128xf32, #tpu.memory_space<vmem>>, vector<16xf32>,
      %mul3A_1431 = arith.mulf %broadcast_in_dim3A_1381, %get3A_1430 : vector<16xf32>
      tpu.vector_store_idx %arg15[%add3A_1423], %mul3A_1431 {add = true} : memref<6144xf32, #tpu.memory_space<vmem>>[vector<16xi32>], vector<16xf32>,
      %broadcast_in_dim3A_1432 = arith.constant 64 : i32
      %broadcast_in_dim3A_1433 = vector.broadcast %broadcast_in_dim3A_1432 : i32 to vector<16xi32>
      %add3A_1434 = arith.addi %iota3A, %broadcast_in_dim3A_1433 : vector<16xi32>
      %add3A_1435 = arith.addi %gather3A_1375, %add3A_1434 : vector<16xi32>
      %get3A_1436 = arith.index_cast %add3A_1383 : i32 to index
      %get3A_1437 = arith.constant 64 : index
      %get3A_1438 = tpu.vector_load %arg9[%get3A_1436, %get3A_1437] {strides = array<i32>} : memref<384x128xf32, #tpu.memory_space<vmem>>, vector<16xf32>,
      %mul3A_1439 = arith.mulf %broadcast_in_dim3A_1378, %get3A_1438 : vector<16xf32>
      tpu.vector_store_idx %arg14[%add3A_1435], %mul3A_1439 {add = true} : memref<6144xf32, #tpu.memory_space<vmem>>[vector<16xi32>], vector<16xf32>,
      %get3A_1440 = arith.index_cast %add3A_1383 : i32 to index
      %get3A_1441 = arith.constant 64 : index
      %get3A_1442 = tpu.vector_load %arg10[%get3A_1440, %get3A_1441] {strides = array<i32>} : memref<384x128xf32, #tpu.memory_space<vmem>>, vector<16xf32>,
      %mul3A_1443 = arith.mulf %broadcast_in_dim3A_1381, %get3A_1442 : vector<16xf32>
      tpu.vector_store_idx %arg15[%add3A_1435], %mul3A_1443 {add = true} : memref<6144xf32, #tpu.memory_space<vmem>>[vector<16xi32>], vector<16xf32>,
      %broadcast_in_dim3A_1444 = arith.constant 80 : i32
      %broadcast_in_dim3A_1445 = vector.broadcast %broadcast_in_dim3A_1444 : i32 to vector<16xi32>
      %add3A_1446 = arith.addi %iota3A, %broadcast_in_dim3A_1445 : vector<16xi32>
      %add3A_1447 = arith.addi %gather3A_1375, %add3A_1446 : vector<16xi32>
      %get3A_1448 = arith.index_cast %add3A_1383 : i32 to index
      %get3A_1449 = arith.constant 80 : index
      %get3A_1450 = tpu.vector_load %arg9[%get3A_1448, %get3A_1449] {strides = array<i32>} : memref<384x128xf32, #tpu.memory_space<vmem>>, vector<16xf32>,
      %mul3A_1451 = arith.mulf %broadcast_in_dim3A_1378, %get3A_1450 : vector<16xf32>
      tpu.vector_store_idx %arg14[%add3A_1447], %mul3A_1451 {add = true} : memref<6144xf32, #tpu.memory_space<vmem>>[vector<16xi32>], vector<16xf32>,
      %get3A_1452 = arith.index_cast %add3A_1383 : i32 to index
      %get3A_1453 = arith.constant 80 : index
      %get3A_1454 = tpu.vector_load %arg10[%get3A_1452, %get3A_1453] {strides = array<i32>} : memref<384x128xf32, #tpu.memory_space<vmem>>, vector<16xf32>,
      %mul3A_1455 = arith.mulf %broadcast_in_dim3A_1381, %get3A_1454 : vector<16xf32>
      tpu.vector_store_idx %arg15[%add3A_1447], %mul3A_1455 {add = true} : memref<6144xf32, #tpu.memory_space<vmem>>[vector<16xi32>], vector<16xf32>,
      %broadcast_in_dim3A_1456 = arith.constant 96 : i32
      %broadcast_in_dim3A_1457 = vector.broadcast %broadcast_in_dim3A_1456 : i32 to vector<16xi32>
      %add3A_1458 = arith.addi %iota3A, %broadcast_in_dim3A_1457 : vector<16xi32>
      %add3A_1459 = arith.addi %gather3A_1375, %add3A_1458 : vector<16xi32>
      %get3A_1460 = arith.index_cast %add3A_1383 : i32 to index
      %get3A_1461 = arith.constant 96 : index
      %get3A_1462 = tpu.vector_load %arg9[%get3A_1460, %get3A_1461] {strides = array<i32>} : memref<384x128xf32, #tpu.memory_space<vmem>>, vector<16xf32>,
      %mul3A_1463 = arith.mulf %broadcast_in_dim3A_1378, %get3A_1462 : vector<16xf32>
      tpu.vector_store_idx %arg14[%add3A_1459], %mul3A_1463 {add = true} : memref<6144xf32, #tpu.memory_space<vmem>>[vector<16xi32>], vector<16xf32>,
      %get3A_1464 = arith.index_cast %add3A_1383 : i32 to index
      %get3A_1465 = arith.constant 96 : index
      %get3A_1466 = tpu.vector_load %arg10[%get3A_1464, %get3A_1465] {strides = array<i32>} : memref<384x128xf32, #tpu.memory_space<vmem>>, vector<16xf32>,
      %mul3A_1467 = arith.mulf %broadcast_in_dim3A_1381, %get3A_1466 : vector<16xf32>
      tpu.vector_store_idx %arg15[%add3A_1459], %mul3A_1467 {add = true} : memref<6144xf32, #tpu.memory_space<vmem>>[vector<16xi32>], vector<16xf32>,
      %broadcast_in_dim3A_1468 = arith.constant 112 : i32
      %broadcast_in_dim3A_1469 = vector.broadcast %broadcast_in_dim3A_1468 : i32 to vector<16xi32>
      %add3A_1470 = arith.addi %iota3A, %broadcast_in_dim3A_1469 : vector<16xi32>
      %add3A_1471 = arith.addi %gather3A_1375, %add3A_1470 : vector<16xi32>
      %get3A_1472 = arith.index_cast %add3A_1383 : i32 to index
      %get3A_1473 = arith.constant 112 : index
      %get3A_1474 = tpu.vector_load %arg9[%get3A_1472, %get3A_1473] {strides = array<i32>} : memref<384x128xf32, #tpu.memory_space<vmem>>, vector<16xf32>,
      %mul3A_1475 = arith.mulf %broadcast_in_dim3A_1378, %get3A_1474 : vector<16xf32>
      tpu.vector_store_idx %arg14[%add3A_1471], %mul3A_1475 {add = true} : memref<6144xf32, #tpu.memory_space<vmem>>[vector<16xi32>], vector<16xf32>,
      %get3A_1476 = arith.index_cast %add3A_1383 : i32 to index
      %get3A_1477 = arith.constant 112 : index
      %get3A_1478 = tpu.vector_load %arg10[%get3A_1476, %get3A_1477] {strides = array<i32>} : memref<384x128xf32, #tpu.memory_space<vmem>>, vector<16xf32>,
      %mul3A_1479 = arith.mulf %broadcast_in_dim3A_1381, %get3A_1478 : vector<16xf32>
      tpu.vector_store_idx %arg15[%add3A_1471], %mul3A_1479 {add = true} : memref<6144xf32, #tpu.memory_space<vmem>>[vector<16xi32>], vector<16xf32>,
      %broadcast_in_dim3A_1480 = arith.constant 13 : i32
      %broadcast_in_dim3A_1481 = vector.broadcast %broadcast_in_dim3A_1480 : i32 to vector<16x1xi32>
      %gather3A_1482 = vector.shape_cast %broadcast_in_dim3A_1481 : vector<16x1xi32> to vector<16xi32>
      %gather3A_1483 = tpu.dynamic_gather %mul3A_78[%gather3A_1482] in [0] : vector<16xi32>, vector<16xi32> -> vector<16xi32>
      %slice3A_1484 = vector.extract_strided_slice %get3A_64 {offsets = [13], sizes = [1], strides = [1]} : vector<16xf32> to vector<1xf32>
      %squeeze3A_1485 = vector.extract %slice3A_1484[0] : f32 from vector<1xf32>
      %broadcast_in_dim3A_1486 = vector.broadcast %squeeze3A_1485 : f32 to vector<16xf32>
      %slice3A_1487 = vector.extract_strided_slice %get3A_66 {offsets = [13], sizes = [1], strides = [1]} : vector<16xf32> to vector<1xf32>
      %squeeze3A_1488 = vector.extract %slice3A_1487[0] : f32 from vector<1xf32>
      %broadcast_in_dim3A_1489 = vector.broadcast %squeeze3A_1488 : f32 to vector<16xf32>
      %add3A_1490 = arith.constant 13 : i32
      %add3A_1491 = arith.addi %mul3A_61, %add3A_1490 : i32
      %broadcast_in_dim3A_1492 = arith.constant 0 : i32
      %broadcast_in_dim3A_1493 = vector.broadcast %broadcast_in_dim3A_1492 : i32 to vector<16xi32>
      %add3A_1494 = arith.addi %iota3A, %broadcast_in_dim3A_1493 : vector<16xi32>
      %add3A_1495 = arith.addi %gather3A_1483, %add3A_1494 : vector<16xi32>
      %get3A_1496 = arith.index_cast %add3A_1491 : i32 to index
      %get3A_1497 = arith.constant 0 : index
      %get3A_1498 = tpu.vector_load %arg9[%get3A_1496, %get3A_1497] {strides = array<i32>} : memref<384x128xf32, #tpu.memory_space<vmem>>, vector<16xf32>,
      %mul3A_1499 = arith.mulf %broadcast_in_dim3A_1486, %get3A_1498 : vector<16xf32>
      tpu.vector_store_idx %arg14[%add3A_1495], %mul3A_1499 {add = true} : memref<6144xf32, #tpu.memory_space<vmem>>[vector<16xi32>], vector<16xf32>,
      %get3A_1500 = arith.index_cast %add3A_1491 : i32 to index
      %get3A_1501 = arith.constant 0 : index
      %get3A_1502 = tpu.vector_load %arg10[%get3A_1500, %get3A_1501] {strides = array<i32>} : memref<384x128xf32, #tpu.memory_space<vmem>>, vector<16xf32>,
      %mul3A_1503 = arith.mulf %broadcast_in_dim3A_1489, %get3A_1502 : vector<16xf32>
      tpu.vector_store_idx %arg15[%add3A_1495], %mul3A_1503 {add = true} : memref<6144xf32, #tpu.memory_space<vmem>>[vector<16xi32>], vector<16xf32>,
      %broadcast_in_dim3A_1504 = arith.constant 16 : i32
      %broadcast_in_dim3A_1505 = vector.broadcast %broadcast_in_dim3A_1504 : i32 to vector<16xi32>
      %add3A_1506 = arith.addi %iota3A, %broadcast_in_dim3A_1505 : vector<16xi32>
      %add3A_1507 = arith.addi %gather3A_1483, %add3A_1506 : vector<16xi32>
      %get3A_1508 = arith.index_cast %add3A_1491 : i32 to index
      %get3A_1509 = arith.constant 16 : index
      %get3A_1510 = tpu.vector_load %arg9[%get3A_1508, %get3A_1509] {strides = array<i32>} : memref<384x128xf32, #tpu.memory_space<vmem>>, vector<16xf32>,
      %mul3A_1511 = arith.mulf %broadcast_in_dim3A_1486, %get3A_1510 : vector<16xf32>
      tpu.vector_store_idx %arg14[%add3A_1507], %mul3A_1511 {add = true} : memref<6144xf32, #tpu.memory_space<vmem>>[vector<16xi32>], vector<16xf32>,
      %get3A_1512 = arith.index_cast %add3A_1491 : i32 to index
      %get3A_1513 = arith.constant 16 : index
      %get3A_1514 = tpu.vector_load %arg10[%get3A_1512, %get3A_1513] {strides = array<i32>} : memref<384x128xf32, #tpu.memory_space<vmem>>, vector<16xf32>,
      %mul3A_1515 = arith.mulf %broadcast_in_dim3A_1489, %get3A_1514 : vector<16xf32>
      tpu.vector_store_idx %arg15[%add3A_1507], %mul3A_1515 {add = true} : memref<6144xf32, #tpu.memory_space<vmem>>[vector<16xi32>], vector<16xf32>,
      %broadcast_in_dim3A_1516 = arith.constant 32 : i32
      %broadcast_in_dim3A_1517 = vector.broadcast %broadcast_in_dim3A_1516 : i32 to vector<16xi32>
      %add3A_1518 = arith.addi %iota3A, %broadcast_in_dim3A_1517 : vector<16xi32>
      %add3A_1519 = arith.addi %gather3A_1483, %add3A_1518 : vector<16xi32>
      %get3A_1520 = arith.index_cast %add3A_1491 : i32 to index
      %get3A_1521 = arith.constant 32 : index
      %get3A_1522 = tpu.vector_load %arg9[%get3A_1520, %get3A_1521] {strides = array<i32>} : memref<384x128xf32, #tpu.memory_space<vmem>>, vector<16xf32>,
      %mul3A_1523 = arith.mulf %broadcast_in_dim3A_1486, %get3A_1522 : vector<16xf32>
      tpu.vector_store_idx %arg14[%add3A_1519], %mul3A_1523 {add = true} : memref<6144xf32, #tpu.memory_space<vmem>>[vector<16xi32>], vector<16xf32>,
      %get3A_1524 = arith.index_cast %add3A_1491 : i32 to index
      %get3A_1525 = arith.constant 32 : index
      %get3A_1526 = tpu.vector_load %arg10[%get3A_1524, %get3A_1525] {strides = array<i32>} : memref<384x128xf32, #tpu.memory_space<vmem>>, vector<16xf32>,
      %mul3A_1527 = arith.mulf %broadcast_in_dim3A_1489, %get3A_1526 : vector<16xf32>
      tpu.vector_store_idx %arg15[%add3A_1519], %mul3A_1527 {add = true} : memref<6144xf32, #tpu.memory_space<vmem>>[vector<16xi32>], vector<16xf32>,
      %broadcast_in_dim3A_1528 = arith.constant 48 : i32
      %broadcast_in_dim3A_1529 = vector.broadcast %broadcast_in_dim3A_1528 : i32 to vector<16xi32>
      %add3A_1530 = arith.addi %iota3A, %broadcast_in_dim3A_1529 : vector<16xi32>
      %add3A_1531 = arith.addi %gather3A_1483, %add3A_1530 : vector<16xi32>
      %get3A_1532 = arith.index_cast %add3A_1491 : i32 to index
      %get3A_1533 = arith.constant 48 : index
      %get3A_1534 = tpu.vector_load %arg9[%get3A_1532, %get3A_1533] {strides = array<i32>} : memref<384x128xf32, #tpu.memory_space<vmem>>, vector<16xf32>,
      %mul3A_1535 = arith.mulf %broadcast_in_dim3A_1486, %get3A_1534 : vector<16xf32>
      tpu.vector_store_idx %arg14[%add3A_1531], %mul3A_1535 {add = true} : memref<6144xf32, #tpu.memory_space<vmem>>[vector<16xi32>], vector<16xf32>,
      %get3A_1536 = arith.index_cast %add3A_1491 : i32 to index
      %get3A_1537 = arith.constant 48 : index
      %get3A_1538 = tpu.vector_load %arg10[%get3A_1536, %get3A_1537] {strides = array<i32>} : memref<384x128xf32, #tpu.memory_space<vmem>>, vector<16xf32>,
      %mul3A_1539 = arith.mulf %broadcast_in_dim3A_1489, %get3A_1538 : vector<16xf32>
      tpu.vector_store_idx %arg15[%add3A_1531], %mul3A_1539 {add = true} : memref<6144xf32, #tpu.memory_space<vmem>>[vector<16xi32>], vector<16xf32>,
      %broadcast_in_dim3A_1540 = arith.constant 64 : i32
      %broadcast_in_dim3A_1541 = vector.broadcast %broadcast_in_dim3A_1540 : i32 to vector<16xi32>
      %add3A_1542 = arith.addi %iota3A, %broadcast_in_dim3A_1541 : vector<16xi32>
      %add3A_1543 = arith.addi %gather3A_1483, %add3A_1542 : vector<16xi32>
      %get3A_1544 = arith.index_cast %add3A_1491 : i32 to index
      %get3A_1545 = arith.constant 64 : index
      %get3A_1546 = tpu.vector_load %arg9[%get3A_1544, %get3A_1545] {strides = array<i32>} : memref<384x128xf32, #tpu.memory_space<vmem>>, vector<16xf32>,
      %mul3A_1547 = arith.mulf %broadcast_in_dim3A_1486, %get3A_1546 : vector<16xf32>
      tpu.vector_store_idx %arg14[%add3A_1543], %mul3A_1547 {add = true} : memref<6144xf32, #tpu.memory_space<vmem>>[vector<16xi32>], vector<16xf32>,
      %get3A_1548 = arith.index_cast %add3A_1491 : i32 to index
      %get3A_1549 = arith.constant 64 : index
      %get3A_1550 = tpu.vector_load %arg10[%get3A_1548, %get3A_1549] {strides = array<i32>} : memref<384x128xf32, #tpu.memory_space<vmem>>, vector<16xf32>,
      %mul3A_1551 = arith.mulf %broadcast_in_dim3A_1489, %get3A_1550 : vector<16xf32>
      tpu.vector_store_idx %arg15[%add3A_1543], %mul3A_1551 {add = true} : memref<6144xf32, #tpu.memory_space<vmem>>[vector<16xi32>], vector<16xf32>,
      %broadcast_in_dim3A_1552 = arith.constant 80 : i32
      %broadcast_in_dim3A_1553 = vector.broadcast %broadcast_in_dim3A_1552 : i32 to vector<16xi32>
      %add3A_1554 = arith.addi %iota3A, %broadcast_in_dim3A_1553 : vector<16xi32>
      %add3A_1555 = arith.addi %gather3A_1483, %add3A_1554 : vector<16xi32>
      %get3A_1556 = arith.index_cast %add3A_1491 : i32 to index
      %get3A_1557 = arith.constant 80 : index
      %get3A_1558 = tpu.vector_load %arg9[%get3A_1556, %get3A_1557] {strides = array<i32>} : memref<384x128xf32, #tpu.memory_space<vmem>>, vector<16xf32>,
      %mul3A_1559 = arith.mulf %broadcast_in_dim3A_1486, %get3A_1558 : vector<16xf32>
      tpu.vector_store_idx %arg14[%add3A_1555], %mul3A_1559 {add = true} : memref<6144xf32, #tpu.memory_space<vmem>>[vector<16xi32>], vector<16xf32>,
      %get3A_1560 = arith.index_cast %add3A_1491 : i32 to index
      %get3A_1561 = arith.constant 80 : index
      %get3A_1562 = tpu.vector_load %arg10[%get3A_1560, %get3A_1561] {strides = array<i32>} : memref<384x128xf32, #tpu.memory_space<vmem>>, vector<16xf32>,
      %mul3A_1563 = arith.mulf %broadcast_in_dim3A_1489, %get3A_1562 : vector<16xf32>
      tpu.vector_store_idx %arg15[%add3A_1555], %mul3A_1563 {add = true} : memref<6144xf32, #tpu.memory_space<vmem>>[vector<16xi32>], vector<16xf32>,
      %broadcast_in_dim3A_1564 = arith.constant 96 : i32
      %broadcast_in_dim3A_1565 = vector.broadcast %broadcast_in_dim3A_1564 : i32 to vector<16xi32>
      %add3A_1566 = arith.addi %iota3A, %broadcast_in_dim3A_1565 : vector<16xi32>
      %add3A_1567 = arith.addi %gather3A_1483, %add3A_1566 : vector<16xi32>
      %get3A_1568 = arith.index_cast %add3A_1491 : i32 to index
      %get3A_1569 = arith.constant 96 : index
      %get3A_1570 = tpu.vector_load %arg9[%get3A_1568, %get3A_1569] {strides = array<i32>} : memref<384x128xf32, #tpu.memory_space<vmem>>, vector<16xf32>,
      %mul3A_1571 = arith.mulf %broadcast_in_dim3A_1486, %get3A_1570 : vector<16xf32>
      tpu.vector_store_idx %arg14[%add3A_1567], %mul3A_1571 {add = true} : memref<6144xf32, #tpu.memory_space<vmem>>[vector<16xi32>], vector<16xf32>,
      %get3A_1572 = arith.index_cast %add3A_1491 : i32 to index
      %get3A_1573 = arith.constant 96 : index
      %get3A_1574 = tpu.vector_load %arg10[%get3A_1572, %get3A_1573] {strides = array<i32>} : memref<384x128xf32, #tpu.memory_space<vmem>>, vector<16xf32>,
      %mul3A_1575 = arith.mulf %broadcast_in_dim3A_1489, %get3A_1574 : vector<16xf32>
      tpu.vector_store_idx %arg15[%add3A_1567], %mul3A_1575 {add = true} : memref<6144xf32, #tpu.memory_space<vmem>>[vector<16xi32>], vector<16xf32>,
      %broadcast_in_dim3A_1576 = arith.constant 112 : i32
      %broadcast_in_dim3A_1577 = vector.broadcast %broadcast_in_dim3A_1576 : i32 to vector<16xi32>
      %add3A_1578 = arith.addi %iota3A, %broadcast_in_dim3A_1577 : vector<16xi32>
      %add3A_1579 = arith.addi %gather3A_1483, %add3A_1578 : vector<16xi32>
      %get3A_1580 = arith.index_cast %add3A_1491 : i32 to index
      %get3A_1581 = arith.constant 112 : index
      %get3A_1582 = tpu.vector_load %arg9[%get3A_1580, %get3A_1581] {strides = array<i32>} : memref<384x128xf32, #tpu.memory_space<vmem>>, vector<16xf32>,
      %mul3A_1583 = arith.mulf %broadcast_in_dim3A_1486, %get3A_1582 : vector<16xf32>
      tpu.vector_store_idx %arg14[%add3A_1579], %mul3A_1583 {add = true} : memref<6144xf32, #tpu.memory_space<vmem>>[vector<16xi32>], vector<16xf32>,
      %get3A_1584 = arith.index_cast %add3A_1491 : i32 to index
      %get3A_1585 = arith.constant 112 : index
      %get3A_1586 = tpu.vector_load %arg10[%get3A_1584, %get3A_1585] {strides = array<i32>} : memref<384x128xf32, #tpu.memory_space<vmem>>, vector<16xf32>,
      %mul3A_1587 = arith.mulf %broadcast_in_dim3A_1489, %get3A_1586 : vector<16xf32>
      tpu.vector_store_idx %arg15[%add3A_1579], %mul3A_1587 {add = true} : memref<6144xf32, #tpu.memory_space<vmem>>[vector<16xi32>], vector<16xf32>,
      %broadcast_in_dim3A_1588 = arith.constant 14 : i32
      %broadcast_in_dim3A_1589 = vector.broadcast %broadcast_in_dim3A_1588 : i32 to vector<16x1xi32>
      %gather3A_1590 = vector.shape_cast %broadcast_in_dim3A_1589 : vector<16x1xi32> to vector<16xi32>
      %gather3A_1591 = tpu.dynamic_gather %mul3A_78[%gather3A_1590] in [0] : vector<16xi32>, vector<16xi32> -> vector<16xi32>
      %slice3A_1592 = vector.extract_strided_slice %get3A_64 {offsets = [14], sizes = [1], strides = [1]} : vector<16xf32> to vector<1xf32>
      %squeeze3A_1593 = vector.extract %slice3A_1592[0] : f32 from vector<1xf32>
      %broadcast_in_dim3A_1594 = vector.broadcast %squeeze3A_1593 : f32 to vector<16xf32>
      %slice3A_1595 = vector.extract_strided_slice %get3A_66 {offsets = [14], sizes = [1], strides = [1]} : vector<16xf32> to vector<1xf32>
      %squeeze3A_1596 = vector.extract %slice3A_1595[0] : f32 from vector<1xf32>
      %broadcast_in_dim3A_1597 = vector.broadcast %squeeze3A_1596 : f32 to vector<16xf32>
      %add3A_1598 = arith.constant 14 : i32
      %add3A_1599 = arith.addi %mul3A_61, %add3A_1598 : i32
      %broadcast_in_dim3A_1600 = arith.constant 0 : i32
      %broadcast_in_dim3A_1601 = vector.broadcast %broadcast_in_dim3A_1600 : i32 to vector<16xi32>
      %add3A_1602 = arith.addi %iota3A, %broadcast_in_dim3A_1601 : vector<16xi32>
      %add3A_1603 = arith.addi %gather3A_1591, %add3A_1602 : vector<16xi32>
      %get3A_1604 = arith.index_cast %add3A_1599 : i32 to index
      %get3A_1605 = arith.constant 0 : index
      %get3A_1606 = tpu.vector_load %arg9[%get3A_1604, %get3A_1605] {strides = array<i32>} : memref<384x128xf32, #tpu.memory_space<vmem>>, vector<16xf32>,
      %mul3A_1607 = arith.mulf %broadcast_in_dim3A_1594, %get3A_1606 : vector<16xf32>
      tpu.vector_store_idx %arg14[%add3A_1603], %mul3A_1607 {add = true} : memref<6144xf32, #tpu.memory_space<vmem>>[vector<16xi32>], vector<16xf32>,
      %get3A_1608 = arith.index_cast %add3A_1599 : i32 to index
      %get3A_1609 = arith.constant 0 : index
      %get3A_1610 = tpu.vector_load %arg10[%get3A_1608, %get3A_1609] {strides = array<i32>} : memref<384x128xf32, #tpu.memory_space<vmem>>, vector<16xf32>,
      %mul3A_1611 = arith.mulf %broadcast_in_dim3A_1597, %get3A_1610 : vector<16xf32>
      tpu.vector_store_idx %arg15[%add3A_1603], %mul3A_1611 {add = true} : memref<6144xf32, #tpu.memory_space<vmem>>[vector<16xi32>], vector<16xf32>,
      %broadcast_in_dim3A_1612 = arith.constant 16 : i32
      %broadcast_in_dim3A_1613 = vector.broadcast %broadcast_in_dim3A_1612 : i32 to vector<16xi32>
      %add3A_1614 = arith.addi %iota3A, %broadcast_in_dim3A_1613 : vector<16xi32>
      %add3A_1615 = arith.addi %gather3A_1591, %add3A_1614 : vector<16xi32>
      %get3A_1616 = arith.index_cast %add3A_1599 : i32 to index
      %get3A_1617 = arith.constant 16 : index
      %get3A_1618 = tpu.vector_load %arg9[%get3A_1616, %get3A_1617] {strides = array<i32>} : memref<384x128xf32, #tpu.memory_space<vmem>>, vector<16xf32>,
      %mul3A_1619 = arith.mulf %broadcast_in_dim3A_1594, %get3A_1618 : vector<16xf32>
      tpu.vector_store_idx %arg14[%add3A_1615], %mul3A_1619 {add = true} : memref<6144xf32, #tpu.memory_space<vmem>>[vector<16xi32>], vector<16xf32>,
      %get3A_1620 = arith.index_cast %add3A_1599 : i32 to index
      %get3A_1621 = arith.constant 16 : index
      %get3A_1622 = tpu.vector_load %arg10[%get3A_1620, %get3A_1621] {strides = array<i32>} : memref<384x128xf32, #tpu.memory_space<vmem>>, vector<16xf32>,
      %mul3A_1623 = arith.mulf %broadcast_in_dim3A_1597, %get3A_1622 : vector<16xf32>
      tpu.vector_store_idx %arg15[%add3A_1615], %mul3A_1623 {add = true} : memref<6144xf32, #tpu.memory_space<vmem>>[vector<16xi32>], vector<16xf32>,
      %broadcast_in_dim3A_1624 = arith.constant 32 : i32
      %broadcast_in_dim3A_1625 = vector.broadcast %broadcast_in_dim3A_1624 : i32 to vector<16xi32>
      %add3A_1626 = arith.addi %iota3A, %broadcast_in_dim3A_1625 : vector<16xi32>
      %add3A_1627 = arith.addi %gather3A_1591, %add3A_1626 : vector<16xi32>
      %get3A_1628 = arith.index_cast %add3A_1599 : i32 to index
      %get3A_1629 = arith.constant 32 : index
      %get3A_1630 = tpu.vector_load %arg9[%get3A_1628, %get3A_1629] {strides = array<i32>} : memref<384x128xf32, #tpu.memory_space<vmem>>, vector<16xf32>,
      %mul3A_1631 = arith.mulf %broadcast_in_dim3A_1594, %get3A_1630 : vector<16xf32>
      tpu.vector_store_idx %arg14[%add3A_1627], %mul3A_1631 {add = true} : memref<6144xf32, #tpu.memory_space<vmem>>[vector<16xi32>], vector<16xf32>,
      %get3A_1632 = arith.index_cast %add3A_1599 : i32 to index
      %get3A_1633 = arith.constant 32 : index
      %get3A_1634 = tpu.vector_load %arg10[%get3A_1632, %get3A_1633] {strides = array<i32>} : memref<384x128xf32, #tpu.memory_space<vmem>>, vector<16xf32>,
      %mul3A_1635 = arith.mulf %broadcast_in_dim3A_1597, %get3A_1634 : vector<16xf32>
      tpu.vector_store_idx %arg15[%add3A_1627], %mul3A_1635 {add = true} : memref<6144xf32, #tpu.memory_space<vmem>>[vector<16xi32>], vector<16xf32>,
      %broadcast_in_dim3A_1636 = arith.constant 48 : i32
      %broadcast_in_dim3A_1637 = vector.broadcast %broadcast_in_dim3A_1636 : i32 to vector<16xi32>
      %add3A_1638 = arith.addi %iota3A, %broadcast_in_dim3A_1637 : vector<16xi32>
      %add3A_1639 = arith.addi %gather3A_1591, %add3A_1638 : vector<16xi32>
      %get3A_1640 = arith.index_cast %add3A_1599 : i32 to index
      %get3A_1641 = arith.constant 48 : index
      %get3A_1642 = tpu.vector_load %arg9[%get3A_1640, %get3A_1641] {strides = array<i32>} : memref<384x128xf32, #tpu.memory_space<vmem>>, vector<16xf32>,
      %mul3A_1643 = arith.mulf %broadcast_in_dim3A_1594, %get3A_1642 : vector<16xf32>
      tpu.vector_store_idx %arg14[%add3A_1639], %mul3A_1643 {add = true} : memref<6144xf32, #tpu.memory_space<vmem>>[vector<16xi32>], vector<16xf32>,
      %get3A_1644 = arith.index_cast %add3A_1599 : i32 to index
      %get3A_1645 = arith.constant 48 : index
      %get3A_1646 = tpu.vector_load %arg10[%get3A_1644, %get3A_1645] {strides = array<i32>} : memref<384x128xf32, #tpu.memory_space<vmem>>, vector<16xf32>,
      %mul3A_1647 = arith.mulf %broadcast_in_dim3A_1597, %get3A_1646 : vector<16xf32>
      tpu.vector_store_idx %arg15[%add3A_1639], %mul3A_1647 {add = true} : memref<6144xf32, #tpu.memory_space<vmem>>[vector<16xi32>], vector<16xf32>,
      %broadcast_in_dim3A_1648 = arith.constant 64 : i32
      %broadcast_in_dim3A_1649 = vector.broadcast %broadcast_in_dim3A_1648 : i32 to vector<16xi32>
      %add3A_1650 = arith.addi %iota3A, %broadcast_in_dim3A_1649 : vector<16xi32>
      %add3A_1651 = arith.addi %gather3A_1591, %add3A_1650 : vector<16xi32>
      %get3A_1652 = arith.index_cast %add3A_1599 : i32 to index
      %get3A_1653 = arith.constant 64 : index
      %get3A_1654 = tpu.vector_load %arg9[%get3A_1652, %get3A_1653] {strides = array<i32>} : memref<384x128xf32, #tpu.memory_space<vmem>>, vector<16xf32>,
      %mul3A_1655 = arith.mulf %broadcast_in_dim3A_1594, %get3A_1654 : vector<16xf32>
      tpu.vector_store_idx %arg14[%add3A_1651], %mul3A_1655 {add = true} : memref<6144xf32, #tpu.memory_space<vmem>>[vector<16xi32>], vector<16xf32>,
      %get3A_1656 = arith.index_cast %add3A_1599 : i32 to index
      %get3A_1657 = arith.constant 64 : index
      %get3A_1658 = tpu.vector_load %arg10[%get3A_1656, %get3A_1657] {strides = array<i32>} : memref<384x128xf32, #tpu.memory_space<vmem>>, vector<16xf32>,
      %mul3A_1659 = arith.mulf %broadcast_in_dim3A_1597, %get3A_1658 : vector<16xf32>
      tpu.vector_store_idx %arg15[%add3A_1651], %mul3A_1659 {add = true} : memref<6144xf32, #tpu.memory_space<vmem>>[vector<16xi32>], vector<16xf32>,
      %broadcast_in_dim3A_1660 = arith.constant 80 : i32
      %broadcast_in_dim3A_1661 = vector.broadcast %broadcast_in_dim3A_1660 : i32 to vector<16xi32>
      %add3A_1662 = arith.addi %iota3A, %broadcast_in_dim3A_1661 : vector<16xi32>
      %add3A_1663 = arith.addi %gather3A_1591, %add3A_1662 : vector<16xi32>
      %get3A_1664 = arith.index_cast %add3A_1599 : i32 to index
      %get3A_1665 = arith.constant 80 : index
      %get3A_1666 = tpu.vector_load %arg9[%get3A_1664, %get3A_1665] {strides = array<i32>} : memref<384x128xf32, #tpu.memory_space<vmem>>, vector<16xf32>,
      %mul3A_1667 = arith.mulf %broadcast_in_dim3A_1594, %get3A_1666 : vector<16xf32>
      tpu.vector_store_idx %arg14[%add3A_1663], %mul3A_1667 {add = true} : memref<6144xf32, #tpu.memory_space<vmem>>[vector<16xi32>], vector<16xf32>,
      %get3A_1668 = arith.index_cast %add3A_1599 : i32 to index
      %get3A_1669 = arith.constant 80 : index
      %get3A_1670 = tpu.vector_load %arg10[%get3A_1668, %get3A_1669] {strides = array<i32>} : memref<384x128xf32, #tpu.memory_space<vmem>>, vector<16xf32>,
      %mul3A_1671 = arith.mulf %broadcast_in_dim3A_1597, %get3A_1670 : vector<16xf32>
      tpu.vector_store_idx %arg15[%add3A_1663], %mul3A_1671 {add = true} : memref<6144xf32, #tpu.memory_space<vmem>>[vector<16xi32>], vector<16xf32>,
      %broadcast_in_dim3A_1672 = arith.constant 96 : i32
      %broadcast_in_dim3A_1673 = vector.broadcast %broadcast_in_dim3A_1672 : i32 to vector<16xi32>
      %add3A_1674 = arith.addi %iota3A, %broadcast_in_dim3A_1673 : vector<16xi32>
      %add3A_1675 = arith.addi %gather3A_1591, %add3A_1674 : vector<16xi32>
      %get3A_1676 = arith.index_cast %add3A_1599 : i32 to index
      %get3A_1677 = arith.constant 96 : index
      %get3A_1678 = tpu.vector_load %arg9[%get3A_1676, %get3A_1677] {strides = array<i32>} : memref<384x128xf32, #tpu.memory_space<vmem>>, vector<16xf32>,
      %mul3A_1679 = arith.mulf %broadcast_in_dim3A_1594, %get3A_1678 : vector<16xf32>
      tpu.vector_store_idx %arg14[%add3A_1675], %mul3A_1679 {add = true} : memref<6144xf32, #tpu.memory_space<vmem>>[vector<16xi32>], vector<16xf32>,
      %get3A_1680 = arith.index_cast %add3A_1599 : i32 to index
      %get3A_1681 = arith.constant 96 : index
      %get3A_1682 = tpu.vector_load %arg10[%get3A_1680, %get3A_1681] {strides = array<i32>} : memref<384x128xf32, #tpu.memory_space<vmem>>, vector<16xf32>,
      %mul3A_1683 = arith.mulf %broadcast_in_dim3A_1597, %get3A_1682 : vector<16xf32>
      tpu.vector_store_idx %arg15[%add3A_1675], %mul3A_1683 {add = true} : memref<6144xf32, #tpu.memory_space<vmem>>[vector<16xi32>], vector<16xf32>,
      %broadcast_in_dim3A_1684 = arith.constant 112 : i32
      %broadcast_in_dim3A_1685 = vector.broadcast %broadcast_in_dim3A_1684 : i32 to vector<16xi32>
      %add3A_1686 = arith.addi %iota3A, %broadcast_in_dim3A_1685 : vector<16xi32>
      %add3A_1687 = arith.addi %gather3A_1591, %add3A_1686 : vector<16xi32>
      %get3A_1688 = arith.index_cast %add3A_1599 : i32 to index
      %get3A_1689 = arith.constant 112 : index
      %get3A_1690 = tpu.vector_load %arg9[%get3A_1688, %get3A_1689] {strides = array<i32>} : memref<384x128xf32, #tpu.memory_space<vmem>>, vector<16xf32>,
      %mul3A_1691 = arith.mulf %broadcast_in_dim3A_1594, %get3A_1690 : vector<16xf32>
      tpu.vector_store_idx %arg14[%add3A_1687], %mul3A_1691 {add = true} : memref<6144xf32, #tpu.memory_space<vmem>>[vector<16xi32>], vector<16xf32>,
      %get3A_1692 = arith.index_cast %add3A_1599 : i32 to index
      %get3A_1693 = arith.constant 112 : index
      %get3A_1694 = tpu.vector_load %arg10[%get3A_1692, %get3A_1693] {strides = array<i32>} : memref<384x128xf32, #tpu.memory_space<vmem>>, vector<16xf32>,
      %mul3A_1695 = arith.mulf %broadcast_in_dim3A_1597, %get3A_1694 : vector<16xf32>
      tpu.vector_store_idx %arg15[%add3A_1687], %mul3A_1695 {add = true} : memref<6144xf32, #tpu.memory_space<vmem>>[vector<16xi32>], vector<16xf32>,
      %broadcast_in_dim3A_1696 = arith.constant 15 : i32
      %broadcast_in_dim3A_1697 = vector.broadcast %broadcast_in_dim3A_1696 : i32 to vector<16x1xi32>
      %gather3A_1698 = vector.shape_cast %broadcast_in_dim3A_1697 : vector<16x1xi32> to vector<16xi32>
      %gather3A_1699 = tpu.dynamic_gather %mul3A_78[%gather3A_1698] in [0] : vector<16xi32>, vector<16xi32> -> vector<16xi32>
      %slice3A_1700 = vector.extract_strided_slice %get3A_64 {offsets = [15], sizes = [1], strides = [1]} : vector<16xf32> to vector<1xf32>
      %squeeze3A_1701 = vector.extract %slice3A_1700[0] : f32 from vector<1xf32>
      %broadcast_in_dim3A_1702 = vector.broadcast %squeeze3A_1701 : f32 to vector<16xf32>
      %slice3A_1703 = vector.extract_strided_slice %get3A_66 {offsets = [15], sizes = [1], strides = [1]} : vector<16xf32> to vector<1xf32>
      %squeeze3A_1704 = vector.extract %slice3A_1703[0] : f32 from vector<1xf32>
      %broadcast_in_dim3A_1705 = vector.broadcast %squeeze3A_1704 : f32 to vector<16xf32>
      %add3A_1706 = arith.constant 15 : i32
      %add3A_1707 = arith.addi %mul3A_61, %add3A_1706 : i32
      %broadcast_in_dim3A_1708 = arith.constant 0 : i32
      %broadcast_in_dim3A_1709 = vector.broadcast %broadcast_in_dim3A_1708 : i32 to vector<16xi32>
      %add3A_1710 = arith.addi %iota3A, %broadcast_in_dim3A_1709 : vector<16xi32>
      %add3A_1711 = arith.addi %gather3A_1699, %add3A_1710 : vector<16xi32>
      %get3A_1712 = arith.index_cast %add3A_1707 : i32 to index
      %get3A_1713 = arith.constant 0 : index
      %get3A_1714 = tpu.vector_load %arg9[%get3A_1712, %get3A_1713] {strides = array<i32>} : memref<384x128xf32, #tpu.memory_space<vmem>>, vector<16xf32>,
      %mul3A_1715 = arith.mulf %broadcast_in_dim3A_1702, %get3A_1714 : vector<16xf32>
      tpu.vector_store_idx %arg14[%add3A_1711], %mul3A_1715 {add = true} : memref<6144xf32, #tpu.memory_space<vmem>>[vector<16xi32>], vector<16xf32>,
      %get3A_1716 = arith.index_cast %add3A_1707 : i32 to index
      %get3A_1717 = arith.constant 0 : index
      %get3A_1718 = tpu.vector_load %arg10[%get3A_1716, %get3A_1717] {strides = array<i32>} : memref<384x128xf32, #tpu.memory_space<vmem>>, vector<16xf32>,
      %mul3A_1719 = arith.mulf %broadcast_in_dim3A_1705, %get3A_1718 : vector<16xf32>
      tpu.vector_store_idx %arg15[%add3A_1711], %mul3A_1719 {add = true} : memref<6144xf32, #tpu.memory_space<vmem>>[vector<16xi32>], vector<16xf32>,
      %broadcast_in_dim3A_1720 = arith.constant 16 : i32
      %broadcast_in_dim3A_1721 = vector.broadcast %broadcast_in_dim3A_1720 : i32 to vector<16xi32>
      %add3A_1722 = arith.addi %iota3A, %broadcast_in_dim3A_1721 : vector<16xi32>
      %add3A_1723 = arith.addi %gather3A_1699, %add3A_1722 : vector<16xi32>
      %get3A_1724 = arith.index_cast %add3A_1707 : i32 to index
      %get3A_1725 = arith.constant 16 : index
      %get3A_1726 = tpu.vector_load %arg9[%get3A_1724, %get3A_1725] {strides = array<i32>} : memref<384x128xf32, #tpu.memory_space<vmem>>, vector<16xf32>,
      %mul3A_1727 = arith.mulf %broadcast_in_dim3A_1702, %get3A_1726 : vector<16xf32>
      tpu.vector_store_idx %arg14[%add3A_1723], %mul3A_1727 {add = true} : memref<6144xf32, #tpu.memory_space<vmem>>[vector<16xi32>], vector<16xf32>,
      %get3A_1728 = arith.index_cast %add3A_1707 : i32 to index
      %get3A_1729 = arith.constant 16 : index
      %get3A_1730 = tpu.vector_load %arg10[%get3A_1728, %get3A_1729] {strides = array<i32>} : memref<384x128xf32, #tpu.memory_space<vmem>>, vector<16xf32>,
      %mul3A_1731 = arith.mulf %broadcast_in_dim3A_1705, %get3A_1730 : vector<16xf32>
      tpu.vector_store_idx %arg15[%add3A_1723], %mul3A_1731 {add = true} : memref<6144xf32, #tpu.memory_space<vmem>>[vector<16xi32>], vector<16xf32>,
      %broadcast_in_dim3A_1732 = arith.constant 32 : i32
      %broadcast_in_dim3A_1733 = vector.broadcast %broadcast_in_dim3A_1732 : i32 to vector<16xi32>
      %add3A_1734 = arith.addi %iota3A, %broadcast_in_dim3A_1733 : vector<16xi32>
      %add3A_1735 = arith.addi %gather3A_1699, %add3A_1734 : vector<16xi32>
      %get3A_1736 = arith.index_cast %add3A_1707 : i32 to index
      %get3A_1737 = arith.constant 32 : index
      %get3A_1738 = tpu.vector_load %arg9[%get3A_1736, %get3A_1737] {strides = array<i32>} : memref<384x128xf32, #tpu.memory_space<vmem>>, vector<16xf32>,
      %mul3A_1739 = arith.mulf %broadcast_in_dim3A_1702, %get3A_1738 : vector<16xf32>
      tpu.vector_store_idx %arg14[%add3A_1735], %mul3A_1739 {add = true} : memref<6144xf32, #tpu.memory_space<vmem>>[vector<16xi32>], vector<16xf32>,
      %get3A_1740 = arith.index_cast %add3A_1707 : i32 to index
      %get3A_1741 = arith.constant 32 : index
      %get3A_1742 = tpu.vector_load %arg10[%get3A_1740, %get3A_1741] {strides = array<i32>} : memref<384x128xf32, #tpu.memory_space<vmem>>, vector<16xf32>,
      %mul3A_1743 = arith.mulf %broadcast_in_dim3A_1705, %get3A_1742 : vector<16xf32>
      tpu.vector_store_idx %arg15[%add3A_1735], %mul3A_1743 {add = true} : memref<6144xf32, #tpu.memory_space<vmem>>[vector<16xi32>], vector<16xf32>,
      %broadcast_in_dim3A_1744 = arith.constant 48 : i32
      %broadcast_in_dim3A_1745 = vector.broadcast %broadcast_in_dim3A_1744 : i32 to vector<16xi32>
      %add3A_1746 = arith.addi %iota3A, %broadcast_in_dim3A_1745 : vector<16xi32>
      %add3A_1747 = arith.addi %gather3A_1699, %add3A_1746 : vector<16xi32>
      %get3A_1748 = arith.index_cast %add3A_1707 : i32 to index
      %get3A_1749 = arith.constant 48 : index
      %get3A_1750 = tpu.vector_load %arg9[%get3A_1748, %get3A_1749] {strides = array<i32>} : memref<384x128xf32, #tpu.memory_space<vmem>>, vector<16xf32>,
      %mul3A_1751 = arith.mulf %broadcast_in_dim3A_1702, %get3A_1750 : vector<16xf32>
      tpu.vector_store_idx %arg14[%add3A_1747], %mul3A_1751 {add = true} : memref<6144xf32, #tpu.memory_space<vmem>>[vector<16xi32>], vector<16xf32>,
      %get3A_1752 = arith.index_cast %add3A_1707 : i32 to index
      %get3A_1753 = arith.constant 48 : index
      %get3A_1754 = tpu.vector_load %arg10[%get3A_1752, %get3A_1753] {strides = array<i32>} : memref<384x128xf32, #tpu.memory_space<vmem>>, vector<16xf32>,
      %mul3A_1755 = arith.mulf %broadcast_in_dim3A_1705, %get3A_1754 : vector<16xf32>
      tpu.vector_store_idx %arg15[%add3A_1747], %mul3A_1755 {add = true} : memref<6144xf32, #tpu.memory_space<vmem>>[vector<16xi32>], vector<16xf32>,
      %broadcast_in_dim3A_1756 = arith.constant 64 : i32
      %broadcast_in_dim3A_1757 = vector.broadcast %broadcast_in_dim3A_1756 : i32 to vector<16xi32>
      %add3A_1758 = arith.addi %iota3A, %broadcast_in_dim3A_1757 : vector<16xi32>
      %add3A_1759 = arith.addi %gather3A_1699, %add3A_1758 : vector<16xi32>
      %get3A_1760 = arith.index_cast %add3A_1707 : i32 to index
      %get3A_1761 = arith.constant 64 : index
      %get3A_1762 = tpu.vector_load %arg9[%get3A_1760, %get3A_1761] {strides = array<i32>} : memref<384x128xf32, #tpu.memory_space<vmem>>, vector<16xf32>,
      %mul3A_1763 = arith.mulf %broadcast_in_dim3A_1702, %get3A_1762 : vector<16xf32>
      tpu.vector_store_idx %arg14[%add3A_1759], %mul3A_1763 {add = true} : memref<6144xf32, #tpu.memory_space<vmem>>[vector<16xi32>], vector<16xf32>,
      %get3A_1764 = arith.index_cast %add3A_1707 : i32 to index
      %get3A_1765 = arith.constant 64 : index
      %get3A_1766 = tpu.vector_load %arg10[%get3A_1764, %get3A_1765] {strides = array<i32>} : memref<384x128xf32, #tpu.memory_space<vmem>>, vector<16xf32>,
      %mul3A_1767 = arith.mulf %broadcast_in_dim3A_1705, %get3A_1766 : vector<16xf32>
      tpu.vector_store_idx %arg15[%add3A_1759], %mul3A_1767 {add = true} : memref<6144xf32, #tpu.memory_space<vmem>>[vector<16xi32>], vector<16xf32>,
      %broadcast_in_dim3A_1768 = arith.constant 80 : i32
      %broadcast_in_dim3A_1769 = vector.broadcast %broadcast_in_dim3A_1768 : i32 to vector<16xi32>
      %add3A_1770 = arith.addi %iota3A, %broadcast_in_dim3A_1769 : vector<16xi32>
      %add3A_1771 = arith.addi %gather3A_1699, %add3A_1770 : vector<16xi32>
      %get3A_1772 = arith.index_cast %add3A_1707 : i32 to index
      %get3A_1773 = arith.constant 80 : index
      %get3A_1774 = tpu.vector_load %arg9[%get3A_1772, %get3A_1773] {strides = array<i32>} : memref<384x128xf32, #tpu.memory_space<vmem>>, vector<16xf32>,
      %mul3A_1775 = arith.mulf %broadcast_in_dim3A_1702, %get3A_1774 : vector<16xf32>
      tpu.vector_store_idx %arg14[%add3A_1771], %mul3A_1775 {add = true} : memref<6144xf32, #tpu.memory_space<vmem>>[vector<16xi32>], vector<16xf32>,
      %get3A_1776 = arith.index_cast %add3A_1707 : i32 to index
      %get3A_1777 = arith.constant 80 : index
      %get3A_1778 = tpu.vector_load %arg10[%get3A_1776, %get3A_1777] {strides = array<i32>} : memref<384x128xf32, #tpu.memory_space<vmem>>, vector<16xf32>,
      %mul3A_1779 = arith.mulf %broadcast_in_dim3A_1705, %get3A_1778 : vector<16xf32>
      tpu.vector_store_idx %arg15[%add3A_1771], %mul3A_1779 {add = true} : memref<6144xf32, #tpu.memory_space<vmem>>[vector<16xi32>], vector<16xf32>,
      %broadcast_in_dim3A_1780 = arith.constant 96 : i32
      %broadcast_in_dim3A_1781 = vector.broadcast %broadcast_in_dim3A_1780 : i32 to vector<16xi32>
      %add3A_1782 = arith.addi %iota3A, %broadcast_in_dim3A_1781 : vector<16xi32>
      %add3A_1783 = arith.addi %gather3A_1699, %add3A_1782 : vector<16xi32>
      %get3A_1784 = arith.index_cast %add3A_1707 : i32 to index
      %get3A_1785 = arith.constant 96 : index
      %get3A_1786 = tpu.vector_load %arg9[%get3A_1784, %get3A_1785] {strides = array<i32>} : memref<384x128xf32, #tpu.memory_space<vmem>>, vector<16xf32>,
      %mul3A_1787 = arith.mulf %broadcast_in_dim3A_1702, %get3A_1786 : vector<16xf32>
      tpu.vector_store_idx %arg14[%add3A_1783], %mul3A_1787 {add = true} : memref<6144xf32, #tpu.memory_space<vmem>>[vector<16xi32>], vector<16xf32>,
      %get3A_1788 = arith.index_cast %add3A_1707 : i32 to index
      %get3A_1789 = arith.constant 96 : index
      %get3A_1790 = tpu.vector_load %arg10[%get3A_1788, %get3A_1789] {strides = array<i32>} : memref<384x128xf32, #tpu.memory_space<vmem>>, vector<16xf32>,
      %mul3A_1791 = arith.mulf %broadcast_in_dim3A_1705, %get3A_1790 : vector<16xf32>
      tpu.vector_store_idx %arg15[%add3A_1783], %mul3A_1791 {add = true} : memref<6144xf32, #tpu.memory_space<vmem>>[vector<16xi32>], vector<16xf32>,
      %broadcast_in_dim3A_1792 = arith.constant 112 : i32
      %broadcast_in_dim3A_1793 = vector.broadcast %broadcast_in_dim3A_1792 : i32 to vector<16xi32>
      %add3A_1794 = arith.addi %iota3A, %broadcast_in_dim3A_1793 : vector<16xi32>
      %add3A_1795 = arith.addi %gather3A_1699, %add3A_1794 : vector<16xi32>
      %get3A_1796 = arith.index_cast %add3A_1707 : i32 to index
      %get3A_1797 = arith.constant 112 : index
      %get3A_1798 = tpu.vector_load %arg9[%get3A_1796, %get3A_1797] {strides = array<i32>} : memref<384x128xf32, #tpu.memory_space<vmem>>, vector<16xf32>,
      %mul3A_1799 = arith.mulf %broadcast_in_dim3A_1702, %get3A_1798 : vector<16xf32>
      tpu.vector_store_idx %arg14[%add3A_1795], %mul3A_1799 {add = true} : memref<6144xf32, #tpu.memory_space<vmem>>[vector<16xi32>], vector<16xf32>,
      %get3A_1800 = arith.index_cast %add3A_1707 : i32 to index
      %get3A_1801 = arith.constant 112 : index
      %get3A_1802 = tpu.vector_load %arg10[%get3A_1800, %get3A_1801] {strides = array<i32>} : memref<384x128xf32, #tpu.memory_space<vmem>>, vector<16xf32>,
      %mul3A_1803 = arith.mulf %broadcast_in_dim3A_1705, %get3A_1802 : vector<16xf32>
      tpu.vector_store_idx %arg15[%add3A_1795], %mul3A_1803 {add = true} : memref<6144xf32, #tpu.memory_space<vmem>>[vector<16xi32>], vector<16xf32>,
    }
    %scan3A_54 = arith.constant 24 : i32
    %mul3A_55 = arith.constant 6144 : i32
    %mul3A_56 = arith.muli %add3A, %mul3A_55 : i32
    "tpu.region"() ({
      %run_scoped3A = tpu.sem_alloc : memref<!tpu.dma_semaphore, #tpu.memory_space<semaphore_mem>>
      %dma_start3A_59 = tpu.memref_slice %arg7[%mul3A_56] : memref<196608xf32, #tpu.memory_space<hbm>> -> memref<6144xf32, #tpu.memory_space<hbm>>
      %dma_start3A_60 = tpu.memref_slice %arg7[%mul3A_56] : memref<196608xf32, #tpu.memory_space<hbm>> -> memref<6144xf32, #tpu.memory_space<hbm>>
      tpu.enqueue_dma source(%arg14 : memref<6144xf32, #tpu.memory_space<vmem>>) target(%dma_start3A_60 : memref<6144xf32, #tpu.memory_space<hbm>>) target_semaphore(%run_scoped3A : memref<!tpu.dma_semaphore, #tpu.memory_space<semaphore_mem>>)
      %dma_wait3A_61 = tpu.memref_slice %arg7[%mul3A_56] : memref<196608xf32, #tpu.memory_space<hbm>> -> memref<6144xf32, #tpu.memory_space<hbm>>
      %dma_wait3A_62 = tpu.memref_slice %arg7[%mul3A_56] : memref<196608xf32, #tpu.memory_space<hbm>> -> memref<6144xf32, #tpu.memory_space<hbm>>
      tpu.wait_dma2 semaphore(%run_scoped3A : memref<!tpu.dma_semaphore, #tpu.memory_space<semaphore_mem>>) src(%arg14 : memref<6144xf32, #tpu.memory_space<vmem>>) dst(%dma_wait3A_62 : memref<6144xf32, #tpu.memory_space<hbm>>)
      tpu.yield
    }) : () -> ()
    %mul3A_57 = arith.constant 6144 : i32
    %mul3A_58 = arith.muli %add3A, %mul3A_57 : i32
    "tpu.region"() ({
      %run_scoped3A = tpu.sem_alloc : memref<!tpu.dma_semaphore, #tpu.memory_space<semaphore_mem>>
      %dma_start3A_59 = tpu.memref_slice %arg8[%mul3A_58] : memref<196608xf32, #tpu.memory_space<hbm>> -> memref<6144xf32, #tpu.memory_space<hbm>>
      %dma_start3A_60 = tpu.memref_slice %arg8[%mul3A_58] : memref<196608xf32, #tpu.memory_space<hbm>> -> memref<6144xf32, #tpu.memory_space<hbm>>
      tpu.enqueue_dma source(%arg15 : memref<6144xf32, #tpu.memory_space<vmem>>) target(%dma_start3A_60 : memref<6144xf32, #tpu.memory_space<hbm>>) target_semaphore(%run_scoped3A : memref<!tpu.dma_semaphore, #tpu.memory_space<semaphore_mem>>)
      %dma_wait3A_61 = tpu.memref_slice %arg8[%mul3A_58] : memref<196608xf32, #tpu.memory_space<hbm>> -> memref<6144xf32, #tpu.memory_space<hbm>>
      %dma_wait3A_62 = tpu.memref_slice %arg8[%mul3A_58] : memref<196608xf32, #tpu.memory_space<hbm>> -> memref<6144xf32, #tpu.memory_space<hbm>>
      tpu.wait_dma2 semaphore(%run_scoped3A : memref<!tpu.dma_semaphore, #tpu.memory_space<semaphore_mem>>) src(%arg15 : memref<6144xf32, #tpu.memory_space<vmem>>) dst(%dma_wait3A_62 : memref<6144xf32, #tpu.memory_space<hbm>>)
      tpu.yield
    }) : () -> ()
    return
  }
}

module attributes {stable_mosaic.version = 14 : i64} {
  func.func @_norm_body(%arg0: memref<768x2048xf32, #tpu.memory_space<vmem>>, %arg1: memref<768x2048xf32, #tpu.memory_space<vmem>>, %arg2: memref<768x1xf32, #tpu.memory_space<vmem>>, %arg3: memref<768x1xf32, #tpu.memory_space<vmem>>, %arg4: memref<768x1xf32, #tpu.memory_space<vmem>>) attributes {dimension_semantics = [], scalar_prefetch = 0 : i64, scratch_operands = 0 : i64, tpu.core_type = #tpu.core_type<tc>} {
    %get3A = arith.constant 0 : index
    %get3A_0 = arith.constant 0 : index
    %get3A_1 = vector.load %arg0[%get3A, %get3A_0] : memref<768x2048xf32, #tpu.memory_space<vmem>>, vector<768x2048xf32>
    %get3A_2 = arith.constant 0 : index
    %get3A_3 = arith.constant 0 : index
    %get3A_4 = vector.load %arg1[%get3A_2, %get3A_3] : memref<768x2048xf32, #tpu.memory_space<vmem>>, vector<768x2048xf32>
    %mul3A = arith.mulf %get3A_1, %get3A_1 : vector<768x2048xf32>
    %reduce_sum3A = arith.constant dense<0.000000e+00> : vector<768xf32>
    %reduce_sum3A_5 = vector.multi_reduction <add>, %mul3A, %reduce_sum3A [1] : vector<768x2048xf32> to vector<768xf32>
    %broadcast_in_dim3A = vector.shape_cast %reduce_sum3A_5 : vector<768xf32> to vector<768x1xf32>
    %mul3A_6 = arith.mulf %get3A_4, %get3A_4 : vector<768x2048xf32>
    %reduce_sum3A_7 = arith.constant dense<0.000000e+00> : vector<768xf32>
    %reduce_sum3A_8 = vector.multi_reduction <add>, %mul3A_6, %reduce_sum3A_7 [1] : vector<768x2048xf32> to vector<768xf32>
    %broadcast_in_dim3A_9 = vector.shape_cast %reduce_sum3A_8 : vector<768xf32> to vector<768x1xf32>
    %mul3A_10 = arith.mulf %get3A_1, %get3A_4 : vector<768x2048xf32>
    %reduce_sum3A_11 = arith.constant dense<0.000000e+00> : vector<768xf32>
    %reduce_sum3A_12 = vector.multi_reduction <add>, %mul3A_10, %reduce_sum3A_11 [1] : vector<768x2048xf32> to vector<768xf32>
    %broadcast_in_dim3A_13 = vector.shape_cast %reduce_sum3A_12 : vector<768xf32> to vector<768x1xf32>
    %sqrt3A = math.sqrt %broadcast_in_dim3A : vector<768x1xf32>
    %max3A = arith.constant 9.99999993E-9 : f32
    %max3A_14 = vector.broadcast %max3A : f32 to vector<768x1xf32>
    %max3A_15 = arith.maximumf %sqrt3A, %max3A_14 : vector<768x1xf32>
    %div3A = arith.constant 1.000000e+00 : f32
    %div3A_16 = vector.broadcast %div3A : f32 to vector<768x1xf32>
    %div3A_17 = arith.divf %div3A_16, %max3A_15 : vector<768x1xf32>
    %sqrt3A_18 = math.sqrt %broadcast_in_dim3A_9 : vector<768x1xf32>
    %max3A_19 = arith.constant 9.99999993E-9 : f32
    %max3A_20 = vector.broadcast %max3A_19 : f32 to vector<768x1xf32>
    %max3A_21 = arith.maximumf %sqrt3A_18, %max3A_20 : vector<768x1xf32>
    %div3A_22 = arith.constant 1.000000e+00 : f32
    %div3A_23 = vector.broadcast %div3A_22 : f32 to vector<768x1xf32>
    %div3A_24 = arith.divf %div3A_23, %max3A_21 : vector<768x1xf32>
    %swap3A = arith.constant 0 : index
    %swap3A_25 = arith.constant 0 : index
    %swap3A_26 = vector.load %arg2[%swap3A, %swap3A_25] : memref<768x1xf32, #tpu.memory_space<vmem>>, vector<768x1xf32>
    tpu.vector_store %arg2[%swap3A, %swap3A_25], %div3A_17 {strides = array<i32>} : memref<768x1xf32, #tpu.memory_space<vmem>>, vector<768x1xf32>,
    %swap3A_27 = arith.constant 0 : index
    %swap3A_28 = arith.constant 0 : index
    %swap3A_29 = vector.load %arg3[%swap3A_27, %swap3A_28] : memref<768x1xf32, #tpu.memory_space<vmem>>, vector<768x1xf32>
    tpu.vector_store %arg3[%swap3A_27, %swap3A_28], %div3A_24 {strides = array<i32>} : memref<768x1xf32, #tpu.memory_space<vmem>>, vector<768x1xf32>,
    %mul3A_30 = arith.mulf %div3A_17, %div3A_24 : vector<768x1xf32>
    %mul3A_31 = arith.mulf %mul3A_30, %broadcast_in_dim3A_13 : vector<768x1xf32>
    %swap3A_32 = arith.constant 0 : index
    %swap3A_33 = arith.constant 0 : index
    %swap3A_34 = vector.load %arg4[%swap3A_32, %swap3A_33] : memref<768x1xf32, #tpu.memory_space<vmem>>, vector<768x1xf32>
    tpu.vector_store %arg4[%swap3A_32, %swap3A_33], %mul3A_31 {strides = array<i32>} : memref<768x1xf32, #tpu.memory_space<vmem>>, vector<768x1xf32>,
    return
  }
}

module attributes {stable_mosaic.version = 14 : i64} {
  func.func @_loss_body(%arg0: memref<1536x128xf32, #tpu.memory_space<vmem>>, %arg1: memref<1536x128xf32, #tpu.memory_space<vmem>>, %arg2: memref<768x1xf32, #tpu.memory_space<vmem>>, %arg3: memref<256x3xi32, #tpu.memory_space<vmem>>, %arg4: memref<3x256xi32, #tpu.memory_space<vmem>>, %arg5: memref<1x1xf32, #tpu.memory_space<vmem>>) attributes {dimension_semantics = [], scalar_prefetch = 0 : i64, scratch_operands = 0 : i64, tpu.core_type = #tpu.core_type<tc>} {
    %get3A = arith.constant 0 : index
    %get3A_0 = arith.constant 0 : index
    %get3A_1 = vector.load %arg0[%get3A, %get3A_0] : memref<1536x128xf32, #tpu.memory_space<vmem>>, vector<1536x128xf32>
    %get3A_2 = arith.constant 0 : index
    %get3A_3 = arith.constant 0 : index
    %get3A_4 = vector.load %arg1[%get3A_2, %get3A_3] : memref<1536x128xf32, #tpu.memory_space<vmem>>, vector<1536x128xf32>
    %slice3A = vector.extract_strided_slice %get3A_1 {offsets = [0, 0], sizes = [768, 128], strides = [1, 1]} : vector<1536x128xf32> to vector<768x128xf32>
    %add3A = arith.constant 0.000000e+00 : f32
    %add3A_5 = vector.broadcast %add3A : f32 to vector<768x128xf32>
    %add3A_6 = arith.addf %add3A_5, %slice3A : vector<768x128xf32>
    %slice3A_7 = vector.extract_strided_slice %get3A_1 {offsets = [768, 0], sizes = [768, 128], strides = [1, 1]} : vector<1536x128xf32> to vector<768x128xf32>
    %add3A_8 = arith.addf %add3A_6, %slice3A_7 : vector<768x128xf32>
    %slice3A_9 = vector.extract_strided_slice %get3A_4 {offsets = [0, 0], sizes = [768, 128], strides = [1, 1]} : vector<1536x128xf32> to vector<768x128xf32>
    %add3A_10 = arith.constant 0.000000e+00 : f32
    %add3A_11 = vector.broadcast %add3A_10 : f32 to vector<768x128xf32>
    %add3A_12 = arith.addf %add3A_11, %slice3A_9 : vector<768x128xf32>
    %slice3A_13 = vector.extract_strided_slice %get3A_4 {offsets = [768, 0], sizes = [768, 128], strides = [1, 1]} : vector<1536x128xf32> to vector<768x128xf32>
    %add3A_14 = arith.addf %add3A_12, %slice3A_13 : vector<768x128xf32>
    %mul3A = arith.mulf %add3A_8, %add3A_14 : vector<768x128xf32>
    %reduce_sum3A = arith.constant dense<0.000000e+00> : vector<768xf32>
    %reduce_sum3A_15 = vector.multi_reduction <add>, %mul3A, %reduce_sum3A [1] : vector<768x128xf32> to vector<768xf32>
    %broadcast_in_dim3A = vector.shape_cast %reduce_sum3A_15 : vector<768xf32> to vector<768x1xf32>
    %iota3A = tpu.iota {dimensions = array<i32: 0>} : vector<768x1xi32>
    %rem3A = arith.constant 48 : i32
    %rem3A_16 = vector.broadcast %rem3A : i32 to vector<768x1xi32>
    %rem3A_17 = arith.remsi %iota3A, %rem3A_16 : vector<768x1xi32>
    %jit3A = arith.constant 16 : i32
    %div3A = vector.broadcast %jit3A : i32 to vector<768x1xi32>
    %div3A_18 = arith.divsi %rem3A_17, %div3A : vector<768x1xi32>
    %sign3A = arith.constant 0 : i32
    %sign3A_19 = vector.broadcast %sign3A : i32 to vector<768x1xi32>
    %sign3A_20 = arith.cmpi sgt, %rem3A_17, %sign3A_19 : vector<768x1xi32>
    %sign3A_21 = arith.extui %sign3A_20 : vector<768x1xi1> to vector<768x1xi32>
    %sign3A_22 = arith.constant 0 : i32
    %sign3A_23 = vector.broadcast %sign3A_22 : i32 to vector<768x1xi32>
    %sign3A_24 = arith.cmpi slt, %rem3A_17, %sign3A_23 : vector<768x1xi32>
    %sign3A_25 = arith.extui %sign3A_24 : vector<768x1xi1> to vector<768x1xi32>
    %sign3A_26 = arith.subi %sign3A_21, %sign3A_25 : vector<768x1xi32>
    %sign3A_27 = arith.constant 0 : i32
    %sign3A_28 = arith.cmpi sgt, %jit3A, %sign3A_27 : i32
    %sign3A_29 = arith.extui %sign3A_28 : i1 to i32
    %sign3A_30 = arith.constant 0 : i32
    %sign3A_31 = arith.cmpi slt, %jit3A, %sign3A_30 : i32
    %sign3A_32 = arith.extui %sign3A_31 : i1 to i32
    %sign3A_33 = arith.subi %sign3A_29, %sign3A_32 : i32
    %ne3A = vector.broadcast %sign3A_33 : i32 to vector<768x1xi32>
    %ne3A_34 = arith.cmpi ne, %sign3A_26, %ne3A : vector<768x1xi32>
    %rem3A_35 = vector.broadcast %jit3A : i32 to vector<768x1xi32>
    %rem3A_36 = arith.remsi %rem3A_17, %rem3A_35 : vector<768x1xi32>
    %ne3A_37 = arith.constant 0 : i32
    %ne3A_38 = vector.broadcast %ne3A_37 : i32 to vector<768x1xi32>
    %ne3A_39 = arith.cmpi ne, %rem3A_36, %ne3A_38 : vector<768x1xi32>
    %and3A = arith.andi %ne3A_34, %ne3A_39 : vector<768x1xi1>
    %sub3A = arith.constant 1 : i32
    %sub3A_40 = vector.broadcast %sub3A : i32 to vector<768x1xi32>
    %sub3A_41 = arith.subi %div3A_18, %sub3A_40 : vector<768x1xi32>
    %select_n3A = arith.select %and3A, %sub3A_41, %div3A_18 : vector<768x1xi1>, vector<768x1xi32>
    %get3A_42 = arith.constant 0 : index
    %get3A_43 = arith.constant 0 : index
    %get3A_44 = vector.load %arg2[%get3A_42, %get3A_43] : memref<768x1xf32, #tpu.memory_space<vmem>>, vector<768x1xf32>
    %iota3A_45 = tpu.iota {dimensions = array<i32: 0>} : vector<768x1xi32>
    %jit3A_46 = arith.constant 256 : i32
    %div3A_47 = vector.broadcast %jit3A_46 : i32 to vector<768x1xi32>
    %div3A_48 = arith.divsi %iota3A_45, %div3A_47 : vector<768x1xi32>
    %sign3A_49 = arith.constant 0 : i32
    %sign3A_50 = vector.broadcast %sign3A_49 : i32 to vector<768x1xi32>
    %sign3A_51 = arith.cmpi sgt, %iota3A_45, %sign3A_50 : vector<768x1xi32>
    %sign3A_52 = arith.extui %sign3A_51 : vector<768x1xi1> to vector<768x1xi32>
    %sign3A_53 = arith.constant 0 : i32
    %sign3A_54 = vector.broadcast %sign3A_53 : i32 to vector<768x1xi32>
    %sign3A_55 = arith.cmpi slt, %iota3A_45, %sign3A_54 : vector<768x1xi32>
    %sign3A_56 = arith.extui %sign3A_55 : vector<768x1xi1> to vector<768x1xi32>
    %sign3A_57 = arith.subi %sign3A_52, %sign3A_56 : vector<768x1xi32>
    %sign3A_58 = arith.constant 0 : i32
    %sign3A_59 = arith.cmpi sgt, %jit3A_46, %sign3A_58 : i32
    %sign3A_60 = arith.extui %sign3A_59 : i1 to i32
    %sign3A_61 = arith.constant 0 : i32
    %sign3A_62 = arith.cmpi slt, %jit3A_46, %sign3A_61 : i32
    %sign3A_63 = arith.extui %sign3A_62 : i1 to i32
    %sign3A_64 = arith.subi %sign3A_60, %sign3A_63 : i32
    %ne3A_65 = vector.broadcast %sign3A_64 : i32 to vector<768x1xi32>
    %ne3A_66 = arith.cmpi ne, %sign3A_57, %ne3A_65 : vector<768x1xi32>
    %rem3A_67 = vector.broadcast %jit3A_46 : i32 to vector<768x1xi32>
    %rem3A_68 = arith.remsi %iota3A_45, %rem3A_67 : vector<768x1xi32>
    %ne3A_69 = arith.constant 0 : i32
    %ne3A_70 = vector.broadcast %ne3A_69 : i32 to vector<768x1xi32>
    %ne3A_71 = arith.cmpi ne, %rem3A_68, %ne3A_70 : vector<768x1xi32>
    %and3A_72 = arith.andi %ne3A_66, %ne3A_71 : vector<768x1xi1>
    %sub3A_73 = arith.constant 1 : i32
    %sub3A_74 = vector.broadcast %sub3A_73 : i32 to vector<768x1xi32>
    %sub3A_75 = arith.subi %div3A_48, %sub3A_74 : vector<768x1xi32>
    %select_n3A_76 = arith.select %and3A_72, %sub3A_75, %div3A_48 : vector<768x1xi1>, vector<768x1xi32>
    %eq3A = arith.constant 0 : i32
    %eq3A_77 = vector.broadcast %eq3A : i32 to vector<768x1xi32>
    %eq3A_78 = arith.cmpi eq, %select_n3A, %eq3A_77 : vector<768x1xi32>
    %jit3A_79 = arith.constant 0.000000e+00 : f32
    %broadcast_in_dim3A_80 = vector.broadcast %jit3A_79 : f32 to vector<768x1xf32>
    %select_n3A_81 = arith.select %eq3A_78, %broadcast_in_dim3A, %broadcast_in_dim3A_80 : vector<768x1xi1>, vector<768x1xf32>
    %reduce_sum3A_82 = vector.shape_cast %select_n3A_81 : vector<768x1xf32> to vector<1x768x1xf32>
    %reduce_sum3A_83 = arith.constant dense<0.000000e+00> : vector<1xf32>
    %reduce_sum3A_84 = vector.multi_reduction <add>, %reduce_sum3A_82, %reduce_sum3A_83 [1, 2] : vector<1x768x1xf32> to vector<1xf32>
    %reduce_sum3A_85 = vector.shape_cast %reduce_sum3A_84 : vector<1xf32> to vector<1x1x1xf32>
    %reduce_sum3A_86 = vector.extract %reduce_sum3A_85[0, 0, 0] : f32 from vector<1x1x1xf32>
    %eq3A_87 = arith.constant 0 : i32
    %eq3A_88 = vector.broadcast %eq3A_87 : i32 to vector<768x1xi32>
    %eq3A_89 = arith.cmpi eq, %select_n3A_76, %eq3A_88 : vector<768x1xi32>
    %jit3A_90 = arith.constant 0.000000e+00 : f32
    %broadcast_in_dim3A_91 = vector.broadcast %jit3A_90 : f32 to vector<768x1xf32>
    %select_n3A_92 = arith.select %eq3A_89, %get3A_44, %broadcast_in_dim3A_91 : vector<768x1xi1>, vector<768x1xf32>
    %reduce_sum3A_93 = vector.shape_cast %select_n3A_92 : vector<768x1xf32> to vector<1x768x1xf32>
    %reduce_sum3A_94 = arith.constant dense<0.000000e+00> : vector<1xf32>
    %reduce_sum3A_95 = vector.multi_reduction <add>, %reduce_sum3A_93, %reduce_sum3A_94 [1, 2] : vector<1x768x1xf32> to vector<1xf32>
    %reduce_sum3A_96 = vector.shape_cast %reduce_sum3A_95 : vector<1xf32> to vector<1x1x1xf32>
    %reduce_sum3A_97 = vector.extract %reduce_sum3A_96[0, 0, 0] : f32 from vector<1x1x1xf32>
    %get3A_98 = arith.constant 0 : index
    %get3A_99 = arith.constant 0 : index
    %get3A_100 = vector.load %arg3[%get3A_98, %get3A_99] : memref<256x3xi32, #tpu.memory_space<vmem>>, vector<256x1xi32>
    %get3A_101 = arith.constant 0 : index
    %get3A_102 = arith.constant 0 : index
    %get3A_103 = vector.load %arg4[%get3A_101, %get3A_102] : memref<3x256xi32, #tpu.memory_space<vmem>>, vector<1x256xi32>
    %eq3A_104 = vector.broadcast %get3A_100 : vector<256x1xi32> to vector<256x256xi32>
    %eq3A_105 = vector.broadcast %get3A_103 : vector<1x256xi32> to vector<256x256xi32>
    %eq3A_106 = arith.cmpi eq, %eq3A_104, %eq3A_105 : vector<256x256xi32>
    %convert_element_type3A = arith.extui %eq3A_106 : vector<256x256xi1> to vector<256x256xi32>
    %convert_element_type3A_107 = arith.sitofp %convert_element_type3A : vector<256x256xi32> to vector<256x256xf32>
    %reduce_sum3A_108 = vector.shape_cast %convert_element_type3A_107 : vector<256x256xf32> to vector<1x256x256xf32>
    %reduce_sum3A_109 = arith.constant dense<0.000000e+00> : vector<1xf32>
    %reduce_sum3A_110 = vector.multi_reduction <add>, %reduce_sum3A_108, %reduce_sum3A_109 [1, 2] : vector<1x256x256xf32> to vector<1xf32>
    %reduce_sum3A_111 = vector.shape_cast %reduce_sum3A_110 : vector<1xf32> to vector<1x1x1xf32>
    %reduce_sum3A_112 = vector.extract %reduce_sum3A_111[0, 0, 0] : f32 from vector<1x1x1xf32>
    %sub3A_113 = arith.constant 2.560000e+02 : f32
    %sub3A_114 = arith.subf %reduce_sum3A_112, %sub3A_113 : f32
    %mul3A_115 = arith.constant 5.000000e-01 : f32
    %mul3A_116 = arith.mulf %mul3A_115, %sub3A_114 : f32
    %max3A = arith.constant 1.000000e+00 : f32
    %max3A_117 = arith.maximumf %mul3A_116, %max3A : f32
    %sub3A_118 = arith.subf %reduce_sum3A_86, %reduce_sum3A_97 : f32
    %mul3A_119 = arith.constant -5.000000e-01 : f32
    %mul3A_120 = arith.mulf %mul3A_119, %sub3A_118 : f32
    %div3A_121 = arith.divf %mul3A_120, %max3A_117 : f32
    %add3A_122 = arith.constant 0.000000e+00 : f32
    %add3A_123 = arith.addf %add3A_122, %div3A_121 : f32
    %eq3A_124 = arith.constant 1 : i32
    %eq3A_125 = vector.broadcast %eq3A_124 : i32 to vector<768x1xi32>
    %eq3A_126 = arith.cmpi eq, %select_n3A, %eq3A_125 : vector<768x1xi32>
    %jit3A_127 = arith.constant 0.000000e+00 : f32
    %broadcast_in_dim3A_128 = vector.broadcast %jit3A_127 : f32 to vector<768x1xf32>
    %select_n3A_129 = arith.select %eq3A_126, %broadcast_in_dim3A, %broadcast_in_dim3A_128 : vector<768x1xi1>, vector<768x1xf32>
    %reduce_sum3A_130 = vector.shape_cast %select_n3A_129 : vector<768x1xf32> to vector<1x768x1xf32>
    %reduce_sum3A_131 = arith.constant dense<0.000000e+00> : vector<1xf32>
    %reduce_sum3A_132 = vector.multi_reduction <add>, %reduce_sum3A_130, %reduce_sum3A_131 [1, 2] : vector<1x768x1xf32> to vector<1xf32>
    %reduce_sum3A_133 = vector.shape_cast %reduce_sum3A_132 : vector<1xf32> to vector<1x1x1xf32>
    %reduce_sum3A_134 = vector.extract %reduce_sum3A_133[0, 0, 0] : f32 from vector<1x1x1xf32>
    %eq3A_135 = arith.constant 1 : i32
    %eq3A_136 = vector.broadcast %eq3A_135 : i32 to vector<768x1xi32>
    %eq3A_137 = arith.cmpi eq, %select_n3A_76, %eq3A_136 : vector<768x1xi32>
    %jit3A_138 = arith.constant 0.000000e+00 : f32
    %broadcast_in_dim3A_139 = vector.broadcast %jit3A_138 : f32 to vector<768x1xf32>
    %select_n3A_140 = arith.select %eq3A_137, %get3A_44, %broadcast_in_dim3A_139 : vector<768x1xi1>, vector<768x1xf32>
    %reduce_sum3A_141 = vector.shape_cast %select_n3A_140 : vector<768x1xf32> to vector<1x768x1xf32>
    %reduce_sum3A_142 = arith.constant dense<0.000000e+00> : vector<1xf32>
    %reduce_sum3A_143 = vector.multi_reduction <add>, %reduce_sum3A_141, %reduce_sum3A_142 [1, 2] : vector<1x768x1xf32> to vector<1xf32>
    %reduce_sum3A_144 = vector.shape_cast %reduce_sum3A_143 : vector<1xf32> to vector<1x1x1xf32>
    %reduce_sum3A_145 = vector.extract %reduce_sum3A_144[0, 0, 0] : f32 from vector<1x1x1xf32>
    %get3A_146 = arith.constant 0 : index
    %get3A_147 = arith.constant 1 : index
    %get3A_148 = vector.load %arg3[%get3A_146, %get3A_147] : memref<256x3xi32, #tpu.memory_space<vmem>>, vector<256x1xi32>
    %get3A_149 = arith.constant 1 : index
    %get3A_150 = arith.constant 0 : index
    %get3A_151 = vector.load %arg4[%get3A_149, %get3A_150] : memref<3x256xi32, #tpu.memory_space<vmem>>, vector<1x256xi32>
    %eq3A_152 = vector.broadcast %get3A_148 : vector<256x1xi32> to vector<256x256xi32>
    %eq3A_153 = vector.broadcast %get3A_151 : vector<1x256xi32> to vector<256x256xi32>
    %eq3A_154 = arith.cmpi eq, %eq3A_152, %eq3A_153 : vector<256x256xi32>
    %convert_element_type3A_155 = arith.extui %eq3A_154 : vector<256x256xi1> to vector<256x256xi32>
    %convert_element_type3A_156 = arith.sitofp %convert_element_type3A_155 : vector<256x256xi32> to vector<256x256xf32>
    %reduce_sum3A_157 = vector.shape_cast %convert_element_type3A_156 : vector<256x256xf32> to vector<1x256x256xf32>
    %reduce_sum3A_158 = arith.constant dense<0.000000e+00> : vector<1xf32>
    %reduce_sum3A_159 = vector.multi_reduction <add>, %reduce_sum3A_157, %reduce_sum3A_158 [1, 2] : vector<1x256x256xf32> to vector<1xf32>
    %reduce_sum3A_160 = vector.shape_cast %reduce_sum3A_159 : vector<1xf32> to vector<1x1x1xf32>
    %reduce_sum3A_161 = vector.extract %reduce_sum3A_160[0, 0, 0] : f32 from vector<1x1x1xf32>
    %sub3A_162 = arith.constant 2.560000e+02 : f32
    %sub3A_163 = arith.subf %reduce_sum3A_161, %sub3A_162 : f32
    %mul3A_164 = arith.constant 5.000000e-01 : f32
    %mul3A_165 = arith.mulf %mul3A_164, %sub3A_163 : f32
    %max3A_166 = arith.constant 1.000000e+00 : f32
    %max3A_167 = arith.maximumf %mul3A_165, %max3A_166 : f32
    %sub3A_168 = arith.subf %reduce_sum3A_134, %reduce_sum3A_145 : f32
    %mul3A_169 = arith.constant -5.000000e-01 : f32
    %mul3A_170 = arith.mulf %mul3A_169, %sub3A_168 : f32
    %div3A_171 = arith.divf %mul3A_170, %max3A_167 : f32
    %add3A_172 = arith.addf %add3A_123, %div3A_171 : f32
    %eq3A_173 = arith.constant 2 : i32
    %eq3A_174 = vector.broadcast %eq3A_173 : i32 to vector<768x1xi32>
    %eq3A_175 = arith.cmpi eq, %select_n3A, %eq3A_174 : vector<768x1xi32>
    %jit3A_176 = arith.constant 0.000000e+00 : f32
    %broadcast_in_dim3A_177 = vector.broadcast %jit3A_176 : f32 to vector<768x1xf32>
    %select_n3A_178 = arith.select %eq3A_175, %broadcast_in_dim3A, %broadcast_in_dim3A_177 : vector<768x1xi1>, vector<768x1xf32>
    %reduce_sum3A_179 = vector.shape_cast %select_n3A_178 : vector<768x1xf32> to vector<1x768x1xf32>
    %reduce_sum3A_180 = arith.constant dense<0.000000e+00> : vector<1xf32>
    %reduce_sum3A_181 = vector.multi_reduction <add>, %reduce_sum3A_179, %reduce_sum3A_180 [1, 2] : vector<1x768x1xf32> to vector<1xf32>
    %reduce_sum3A_182 = vector.shape_cast %reduce_sum3A_181 : vector<1xf32> to vector<1x1x1xf32>
    %reduce_sum3A_183 = vector.extract %reduce_sum3A_182[0, 0, 0] : f32 from vector<1x1x1xf32>
    %eq3A_184 = arith.constant 2 : i32
    %eq3A_185 = vector.broadcast %eq3A_184 : i32 to vector<768x1xi32>
    %eq3A_186 = arith.cmpi eq, %select_n3A_76, %eq3A_185 : vector<768x1xi32>
    %jit3A_187 = arith.constant 0.000000e+00 : f32
    %broadcast_in_dim3A_188 = vector.broadcast %jit3A_187 : f32 to vector<768x1xf32>
    %select_n3A_189 = arith.select %eq3A_186, %get3A_44, %broadcast_in_dim3A_188 : vector<768x1xi1>, vector<768x1xf32>
    %reduce_sum3A_190 = vector.shape_cast %select_n3A_189 : vector<768x1xf32> to vector<1x768x1xf32>
    %reduce_sum3A_191 = arith.constant dense<0.000000e+00> : vector<1xf32>
    %reduce_sum3A_192 = vector.multi_reduction <add>, %reduce_sum3A_190, %reduce_sum3A_191 [1, 2] : vector<1x768x1xf32> to vector<1xf32>
    %reduce_sum3A_193 = vector.shape_cast %reduce_sum3A_192 : vector<1xf32> to vector<1x1x1xf32>
    %reduce_sum3A_194 = vector.extract %reduce_sum3A_193[0, 0, 0] : f32 from vector<1x1x1xf32>
    %get3A_195 = arith.constant 0 : index
    %get3A_196 = arith.constant 2 : index
    %get3A_197 = vector.load %arg3[%get3A_195, %get3A_196] : memref<256x3xi32, #tpu.memory_space<vmem>>, vector<256x1xi32>
    %get3A_198 = arith.constant 2 : index
    %get3A_199 = arith.constant 0 : index
    %get3A_200 = vector.load %arg4[%get3A_198, %get3A_199] : memref<3x256xi32, #tpu.memory_space<vmem>>, vector<1x256xi32>
    %eq3A_201 = vector.broadcast %get3A_197 : vector<256x1xi32> to vector<256x256xi32>
    %eq3A_202 = vector.broadcast %get3A_200 : vector<1x256xi32> to vector<256x256xi32>
    %eq3A_203 = arith.cmpi eq, %eq3A_201, %eq3A_202 : vector<256x256xi32>
    %convert_element_type3A_204 = arith.extui %eq3A_203 : vector<256x256xi1> to vector<256x256xi32>
    %convert_element_type3A_205 = arith.sitofp %convert_element_type3A_204 : vector<256x256xi32> to vector<256x256xf32>
    %reduce_sum3A_206 = vector.shape_cast %convert_element_type3A_205 : vector<256x256xf32> to vector<1x256x256xf32>
    %reduce_sum3A_207 = arith.constant dense<0.000000e+00> : vector<1xf32>
    %reduce_sum3A_208 = vector.multi_reduction <add>, %reduce_sum3A_206, %reduce_sum3A_207 [1, 2] : vector<1x256x256xf32> to vector<1xf32>
    %reduce_sum3A_209 = vector.shape_cast %reduce_sum3A_208 : vector<1xf32> to vector<1x1x1xf32>
    %reduce_sum3A_210 = vector.extract %reduce_sum3A_209[0, 0, 0] : f32 from vector<1x1x1xf32>
    %sub3A_211 = arith.constant 2.560000e+02 : f32
    %sub3A_212 = arith.subf %reduce_sum3A_210, %sub3A_211 : f32
    %mul3A_213 = arith.constant 5.000000e-01 : f32
    %mul3A_214 = arith.mulf %mul3A_213, %sub3A_212 : f32
    %max3A_215 = arith.constant 1.000000e+00 : f32
    %max3A_216 = arith.maximumf %mul3A_214, %max3A_215 : f32
    %sub3A_217 = arith.subf %reduce_sum3A_183, %reduce_sum3A_194 : f32
    %mul3A_218 = arith.constant -5.000000e-01 : f32
    %mul3A_219 = arith.mulf %mul3A_218, %sub3A_217 : f32
    %div3A_220 = arith.divf %mul3A_219, %max3A_216 : f32
    %add3A_221 = arith.addf %add3A_172, %div3A_220 : f32
    %div3A_222 = arith.constant 3.000000e+00 : f32
    %div3A_223 = arith.divf %add3A_221, %div3A_222 : f32
    %broadcast_in_dim3A_224 = vector.broadcast %div3A_223 : f32 to vector<1x1xf32>
    %swap3A = arith.constant 0 : index
    %swap3A_225 = arith.constant 0 : index
    %swap3A_226 = vector.load %arg5[%swap3A, %swap3A_225] : memref<1x1xf32, #tpu.memory_space<vmem>>, vector<1x1xf32>
    tpu.vector_store %arg5[%swap3A, %swap3A_225], %broadcast_in_dim3A_224 {strides = array<i32>} : memref<1x1xf32, #tpu.memory_space<vmem>>, vector<1x1xf32>,
    return
  }
}

</mosaic_0001>

<sc_bundles>
// kernel: kernel.5.cloned.1.call-start
scs
__scs_entry_jumppad:
0x0: {  	(pc) =	sbr.rel $0x88, $3  }
0x1: {  	(tag) =	ssettag $0x0;
	lr =	simm.s32 $0x1  }
0x2: {  	[smem:$0x3F9E] =	sst lr;
	_ =	strace $0xD0000000  }
0x3: {  	_ = 	snop  }
0x4: {  	_ = 	snop  }
0x5: {  	_ = 	snop  }
0x6: {  	_ = 	snop  }
0x7: {  	_ = 	snop  }
__scs_overlays_trampoline_lowered:
0x8: {  	[smem:$0x3FAD] =	sst s0  }
0x9: {  	[smem:$0x3FAE] =	sst s1  }
0xa: {  	[smem:$0x3FAF] =	sst s2  }
0xb: {  	[smem:$0x3FB0] =	sst s3  }
0xc: {  	[smem:$0x3FB1] =	sst s4  }
0xd: {  	[smem:$0x3FB2] =	sst s5  }
0xe: {  	[smem:$0x3FB3] =	sst s6  }
0xf: {  	[smem:$0x3FB4] =	sst s7  }
0x10: {  	[smem:$0x3FB5] =	sst s8  }
0x11: {  	[smem:$0x3FB6] =	sst s9;
	s0 =	simm.s32 @!p0 $0x0  }
0x12: {  	s1 =	sld [smem:$0x3F9C];
	s0 =	simm.s32 @p0 $0x1  }
0x13: {  	[smem:$0x3FB7] =	sst s0;
	s0 =	simm.s32 @!p1 $0x0  }
0x14: {  	s2 =	sld [smem:$0x3F9B];
	s0 =	simm.s32 @p1 $0x1  }
0x15: {  	[smem:$0x3FB8] =	sst s0;
	s0 =	simm.s32 @!p2 $0x0  }
0x16: {  	s3 =	sld [smem:$0x3FDB];
	s0 =	simm.s32 @p2 $0x1  }
0x17: {  	s4 =	simm.s32 $0x1BF5;
	[smem:$0x3FBA] =	sst s0  }
0x18: {  	s0 =	sld [smem:$0x3F9D];
	_ =	swait.ge [sflag:s4], $0x0  }
0x19: {  	s7 =	sld [smem:$0x3F9E]  }
0x1a: {  	s8 =	sadd.s32 $0xFFFFE003, lr  }
0x1b: {  	s9 =	sadd.s32 $0xFFFFFEF7, lr;
	s5 =	simm.s32 $0xFFFFFFFF;
	p2 =	slt.u32 s8, $0xFFFFF086  }
0x1c: {  	p1 =	slt.u32 s9, $0xF7A;
	s5 =	simm.s32 @!p2 $0x0  }
0x1d: {  	s5 =	simm.s32 @p1 $0x1;
	p0 =	seq.s32 s7, s2  }
0x1e: {  	s7 =	smul.u32 @!p0 $0xF7A, s2;
	p2 =	seq.s32 @!p0 s5, $0x0  }
0x1f: {  	s9 =	smul.u32 $0xF7A, s1;
	s8 =	simm.s32 @!p0 $0x1BF5;
	p2 =	por !p2, p0  }
0x20: {  	[sflag:s8] =	ssyncset.s32 @!p0 $0xFFFFF086;
	s6 =	sadd.s32 @!p0 s3, s7;
	s7 =	simm.s32 @!p0 $0x108  }
0x21: {  	s3 =	sadd.s32 s3, s9;
	s6 =	sadd.s32 @!p0 $0x88, s6;
	s7 =	simm.s32 @p2 $0x1082  }
0x22: {  	[simem:s7], [sflag:s8] =	dma.local @!p0 [hbm:s6], $0xF7A  }
0x23: {  	s9 =	sor.u32 $0xD0000000, s2;
	s6 =	simm.s32 $0x108;
	_ =	swait.ge @!p0 [sflag:s8], $0x0  }
0x24: {  	s3 =	sadd.s32 $0x88, s3;
	s6 =	simm.s32 @!p1 $0x1082;
	[sflag:s4] =	ssyncset.s32 $0xFFFFF086  }
0x25: {  	[simem:s6], [sflag:s4] =	dma.local [hbm:s3], $0xF7A  }
0x26: {  	[smem:$0x3F9E] =	sst s1;
	(tag) =	ssettag s2;
	_ =	strace s9  }
0x27: {  	s1 =	sld [smem:$0x3FAE]  }
0x28: {  	s2 =	sld [smem:$0x3FAF]  }
0x29: {  	s4 =	sld [smem:$0x3FB1]  }
0x2a: {  	p0 =	seq.s32 s5, $0x0;
	s5 =	sld [smem:$0x3FB2]  }
0x2b: {  	s6 =	sld [smem:$0x3FB3]  }
0x2c: {  	s7 =	sld [smem:$0x3FB4]  }
0x2d: {  	s3 =	simm.s32 $0x108;
	s8 =	sld [smem:$0x3FB5]  }
0x2e: {  	s3 =	simm.s32 @!p0 $0x1082;
	s9 =	sld [smem:$0x3FB6]  }
0x2f: {  	lr =	sadd.s32 s0, s3;
	s0 =	sld [smem:$0x3FAD]  }
0x30: {  	s3 =	sld [smem:$0x3FB0]  }
0x31: {  	[smem:$0x3FB9] =	sst s10  }
0x32: {  	s10 =	sld [smem:$0x3FB7];
	_ =	sdelay $0x3  }
0x33: {  	p0 =	seq.s32 s10, $0x1;
	s10 =	sld [smem:$0x3FB9];
	_ =	sdelay $0x3  }
0x34: {  	[smem:$0x3FB9] =	sst s10  }
0x35: {  	s10 =	sld [smem:$0x3FB8];
	_ =	sdelay $0x3  }
0x36: {  	p1 =	seq.s32 s10, $0x1;
	s10 =	sld [smem:$0x3FB9];
	_ =	sdelay $0x3  }
0x37: {  	[smem:$0x3FB9] =	sst s10  }
0x38: {  	s10 =	sld [smem:$0x3FBA]  }
0x39: {  	_ = 	snop;
	(pc) =	sbr.ind lr, $3  }
0x3a: {  	_ = 	snop  }
0x3b: {  	_ = 	snop  }
0x3c: {  	p2 =	seq.s32 s10, $0x1;
	s10 =	sld [smem:$0x3FB9]  }
0x3d: {  	_ =	shalt  }
0x3e: {  	_ =	shalt  }
0x3f: {  	_ =	shalt  }
0x40: {  	_ =	shalt  }
0x41: {  	_ =	shalt  }
0x42: {  	_ =	shalt  }
0x43: {  	_ =	shalt  }
0x44: {  	_ =	shalt  }
0x45: {  	_ =	shalt  }
0x46: {  	_ =	shalt  }
0x47: {  	_ =	shalt  }
0x48: {  	_ =	shalt  }
0x49: {  	_ =	shalt  }
0x4a: {  	_ =	shalt  }
0x4b: {  	_ =	shalt  }
0x4c: {  	_ =	shalt  }
0x4d: {  	_ =	shalt  }
0x4e: {  	_ =	shalt  }
0x4f: {  	_ =	shalt  }
0x50: {  	_ =	shalt  }
0x51: {  	_ =	shalt  }
0x52: {  	_ =	shalt  }
0x53: {  	_ =	shalt  }
0x54: {  	_ =	shalt  }
0x55: {  	_ =	shalt  }
0x56: {  	_ =	shalt  }
0x57: {  	_ =	shalt  }
0x58: {  	_ =	shalt  }
0x59: {  	_ =	shalt  }
0x5a: {  	_ =	shalt  }
0x5b: {  	_ =	shalt  }
0x5c: {  	_ =	shalt  }
0x5d: {  	_ =	shalt  }
0x5e: {  	_ =	shalt  }
0x5f: {  	_ =	shalt  }
0x60: {  	_ =	shalt  }
0x61: {  	_ =	shalt  }
0x62: {  	_ =	shalt  }
0x63: {  	_ =	shalt  }
0x64: {  	_ =	shalt  }
0x65: {  	_ =	shalt  }
0x66: {  	_ =	shalt  }
0x67: {  	_ =	shalt  }
0x68: {  	_ =	shalt  }
0x69: {  	_ =	shalt  }
0x6a: {  	_ =	shalt  }
0x6b: {  	_ =	shalt  }
0x6c: {  	_ =	shalt  }
0x6d: {  	_ =	shalt  }
0x6e: {  	_ =	shalt  }
0x6f: {  	_ =	shalt  }
0x70: {  	_ =	shalt  }
0x71: {  	_ =	shalt  }
0x72: {  	_ =	shalt  }
0x73: {  	_ =	shalt  }
0x74: {  	_ =	shalt  }
0x75: {  	_ =	shalt  }
0x76: {  	_ =	shalt  }
0x77: {  	_ =	shalt  }
0x78: {  	_ =	shalt  }
0x79: {  	_ =	shalt  }
0x7a: {  	_ =	shalt  }
0x7b: {  	_ =	shalt  }
0x7c: {  	_ =	shalt  }
0x7d: {  	_ =	shalt  }
0x7e: {  	_ =	shalt  }
0x7f: {  	_ =	shalt  }
0x80: {  	_ =	shalt  }
0x81: {  	_ =	shalt  }
0x82: {  	_ =	shalt  }
0x83: {  	_ =	shalt  }
0x84: {  	_ =	shalt  }
0x85: {  	_ =	shalt  }
0x86: {  	_ =	shalt  }
0x87: {  	_ =	shalt  }
.Lfunc_end0:
.L_simem_size_0:
called_computation_lowered:
.L_overlay_start_0:
0x88: {  	s2 =	sld [smem:$0x3FD9]  }
0x89: {  	s3 =	sld [smem:$0x3FFE];
	_ =	sdelay $0x1  }
0x8a: {  	s1 =	srdreg.scid  }
0x8b: {  	s0 =	sand.u32 $0x1, s1  }
0x8c: {  	s17 =	sshll.u32 s0, $0xA;
	s2 =	sadd.s32 s3, s2  }
0x8d: {  	s2 =	sadd.s32 s2, s17  }
0x8e: {  	[smem:$0x3FC5] =	sst s2  }
0x8f: {  	_ = 	snop  }
0x90: {  	s2 =	sld [smem:$0x3FC9]  }
0x91: {  	s18 =	sld [smem:$0x3FC8]  }
0x92: {  	s4 =	sld [smem:$0x3FC7];
	(tm) =	ssettm $0x1  }
0x93: {  	s5 =	sld [smem:$0x3FFB];
	_ =	sdelay $0x3  }
0x94: {  	_ =	strace s5  }
0x95: {  	s5 =	sld [smem:$0x3FFC];
	_ =	sdelay $0x3  }
0x96: {  	_ =	strace s5  }
0x97: {  	s5 =	sld [smem:$0x3FFD];
	_ =	sdelay $0x3  }
0x98: {  	_ =	strace s5  }
0x99: {  	_ =	strace $0x8FFFFFFF  }
0x9a: {  	s19 =	sld [smem:$0x3FDB];
	_ =	sdelay $0x1  }
0x9b: {  	s6 =	simm.s32 $_scs_section_size  }
0x9c: {  	s7 =	simm.s32 $_size__tile_overlayer_lowered;
	s8 =	simm.s32 $_tile_overlayer_lowered  }
0x9d: {  	s22 =	simm.s32 $0x1BFF;
	s21 =	sshll.u32 s8, $0x1;
	s5 =	sadd.s32 s6, s19  }
0x9e: {  	s9 =	simm.s32 $0x0;
	s20 =	sshll.u32 s7, $0x1;
	s7 =	sadd.s32 s21, s5  }
0x9f: {  	[timem:s9], [sflag:s22] =	dma.local [hbm:s7], s20  }
0xa0: {  	_ =	swait.ge [sflag:s22], s20  }
0xa1: {  	s6 =	ssub.s32 $0x0, s20;
	[sflag:s22] =	ssyncset.done $0x0  }
0xa2: {  	[sflag:s22] =	ssyncadd.s32 s6;
	_ =	sdelay $0x1  }
0xa3: {  	s23 =	simm.s32 $0x1B8B  }
0xa4: {  	_ =	swait.ge [sflag:s23], $0x1  }
0xa5: {  	[sflag:s23] =	ssyncset.done $0x0  }
0xa6: {  	s25 =	simm.s32 $0x1B8E;
	s24 =	sld [smem:$0x3FFE];
	[sflag:s23] =	ssyncadd.s32 $0xFFFFFFFF  }
0xa7: {  	s26 =	simm.s32 $execute0_lowered;
	[smem:$0x3FD2] =	sst s25  }
0xa8: {  	s7 =	sshll.u32 s26, $0x1;
	_ =	strace $0x80000046;
	[dreg:$0x1] =	wrdreg $0xFFFFFFFF  }
0xa9: {  	s28 =	simm.s32 $_size_execute0_lowered;
	s5 =	sadd.s32 s5, s7;
	[dreg:$0x0] =	wrdreg $0x0  }
0xaa: {  	s7 =	sshll.u32 s28, $0x1;
	[dreg:$0x2] =	wrdreg s5  }
0xab: {  	[dreg:$0x3] =	wrdreg s7  }
0xac: {  	[dreg:$0x4] =	wrdreg $0xC0  }
0xad: {  	_ =	task [dreg:s9], $0x5FFFF  }
0xae: {  	[dreg:$0x1] =	wrdreg $0xFFFFFFFF  }
0xaf: {  	[dreg:$0x0] =	wrdreg $0x60  }
0xb0: {  	[dreg:$0x2] =	wrdreg s2  }
0xb1: {  	[dreg:$0x3] =	wrdreg s18  }
0xb2: {  	[dreg:$0x4] =	wrdreg s4  }
0xb3: {  	[dreg:$0x5] =	wrdreg s24  }
0xb4: {  	[dreg:$0x6] =	wrdreg $0x9  }
0xb5: {  	_ =	task.clear_ibuf [dreg:s9], $0x7FFFF;
	_ =	strace $0x90000046  }
0xb6: {  	s29 =	simm.s32 $0x9;
	_ =	strace $0x80000048  }
0xb7: {  	_ =	swait.ge [sflag:s29], $0x1  }
0xb8: {  	[sflag:s29] =	ssyncadd.s32 $0xFFFFFFFF  }
0xb9: {  	_ =	strace $0x90000048  }
0xba: {  	_ =	sfence  }
0xbb: {  	s30 =	sld [smem:$0x0];
	_ =	sdelay $0x2  }
0xbc: {  	s31 =	sshll.u32 s1, $0xD;
	s1 =	sshrl.u32 s1, $0x2  }
0xbd: {  	s3 =	sand.u32 $0x4000, s31;
	s1 =	sadd.s32 s1, s30  }
0xbe: {  	s0 =	sor.u32 s3, s0;
	s1 =	sshll.u32 s1, $0x11  }
0xbf: {  	s0 =	sor.u32 s1, s0  }
0xc0: {  	s0 =	sadd.s32 $0x8F2B, s0  }
0xc1: {  	[sflag:s0] =	ssyncadd.remote.s32 $0x1  }
0xc2: {  	_ =	sfence.sel $0xFFFF  }
0xc3: {  	[dreg:$0x0] =	wrdreg $0xFFFFFFFF;
	(pc) =	sbr.abs _section_cstart, $3  }
0xc4: {  	[dreg:$0x1] =	wrdreg $0xFFFFFFFF  }
0xc5: {  	_ =	task.clear_ibuf [dreg:s9], $0x2FFFF;
	_ =	strace $0x9FFFFFFF  }
0xc6: {  	(tm) =	ssettm $0x7FFFFFFF  }
0xc7: {  	_ =	shalt  }
tec
execute0_lowered:
.L_overlay_start_1:
0x0: {  	(tag) =	ssettag $0x1  }
0x1: {  	s4 =	rddreg [dreg:$0x0]  }
0x2: {  	s5 =	rddreg [dreg:$0x1]  }
0x3: {  	s6 =	rddreg [dreg:$0x2]  }
0x4: {  	s7 =	rddreg [dreg:$0x3]  }
0x5: {  	s0 =	rddreg [dreg:$0x4]  }
0x6: {  	s2 =	simm.s32 $0x0;
	s1 =	stileid.u32;
	s3 =	srdreg.scid  }
0x7: {  	s14 =	simm.s32 $0xC000;
	s15 =	simm.s32 $0x18000;
	s16 =	simm.s32 $0x3  }
0x8: {  	s17 =	simm.s32 $0x18180;
	s18 =	simm.s32 $0x18300;
	s19 =	simm.s32 $0x1  }
0x9: {  	s20 =	simm.s32 $0x2;
	s21 =	simm.s32 $0x18480;
	s22 =	simm.s32 $0x19C80  }
0xa: {  	s23 =	simm.s32 $0x0;
	s8 =	sshrl.u32 s1, $0x3;
	s9 =	sand.u32 $0x1, s3  }
0xb: {  	v0 =	vimm.f32 $0.0e+00;
	s10 =	sshll.u32 s1, $0x1;
	[smem:$0x7FF] =	sst s2;
	s3 =	smul.u32 $0x180, s8  }
0xc: {  	v1 =	vimm.s32 $0x7;
	v2 =	vimm.s32 $0x0;
	v3 =	vlaneseq.u32;
	s10 =	sor.u32 s9, s10;
	_ =	strace $0x80000047;
	s8 =	smul.u32 $0xC0000, s8  }
0xd: {  	v11 =	vimm.s32 $0x1;
	v12 =	vimm.s32 $0x2;
	v13 =	vimm.s32 $0x3;
	s9 =	ssub.s32 $0x2, s9;
	s11 =	sshll.u32 s10, $0xA;
	s10 =	smul.u32 $0x300, s10  }
0xe: {  	v14 =	vimm.s32 $0x4;
	v15 =	vimm.s32 $0x5;
	v16 =	vimm.s32 $0x6;
	s30 =	sshrl.u32 s9, $0x1;
	s12 =	sshrl.u32 s3, $0x3;
	s11 =	sand.u32 $0x3C00, s11  }
0xf: {  	v17 =	vimm.s32 $0x8;
	v18 =	vimm.s32 $0x9;
	v19 =	vimm.s32 $0xA;
	s31 =	ssub.s32 s9, s30;
	s13 =	sadd.s32 s12, s7;
	s8 =	sor.u32 s8, s11  }
0x10: {  	v20 =	vimm.s32 $0xB;
	v21 =	vimm.s32 $0xC;
	v22 =	vimm.s32 $0xD;
	s10 =	sadd.s32 s10, s7;
	s6 =	sadd.s32 s6, s12;
	s11 =	smax.u32 s31, $0x1  }
0x11: {  	v23 =	vimm.s32 $0xE;
	v24 =	vimm.s32 $0xF;
	v4 =	vor.u32 $0x10, v3;
	s12 =	simm.s32 $0x400;
	s8 =	sshrl.u32 s8, $0x3;
	s7 =	sadd.s32 $0xA00, s13  }
0x12: {  	v5 =	vor.u32 $0x20, v3;
	v6 =	vor.u32 $0x30, v3;
	v7 =	vor.u32 $0x40, v3;
	s9 =	sadd.s32 $0xE00, s10;
	s10 =	sadd.s32 $0x6E00, s10;
	s4 =	sadd.s32 s4, s8  }
0x13: {  	v8 =	vor.u32 $0x50, v3;
	v9 =	vor.u32 $0x60, v3;
	v10 =	vor.u32 $0x70, v3;
	s5 =	sadd.s32 s5, s8;
	s8 =	sadd.s32 $0xC00, s13;
	s13 =	simm.s32 $0x4000  }
.LBB2_1:
0x14: {  	[tilespmem:s2], [sflag:$0x1] =	stream.strided.gather [hbm4b:s4+s12], $0xC000, s13, s12, $0x38;
	[tilespmem:$0x1B480] =	vst v63  }
0x15: {  	_ = 	snop  }
0x16: {  	[tilespmem:s14], [sflag:$0x2] =	stream.strided.gather [hbm4b:s5+s12], $0xC000, s13, s12, $0x38;
	[tilespmem:$0x1B480] =	vst v63  }
0x17: {  	_ = 	snop  }
0x18: {  	[tilespmem:s15], [sflag:$0x3] =	stream.linear.gather [hbm4b:s6+s2], $0x180, $0x38;
	[tilespmem:$0x1B480] =	vst v63  }
0x19: {  	_ =	swait.ge [sflag:s16], $0x180  }
0x1a: {  	[sflag:s16] =	ssyncset.done $0x0  }
0x1b: {  	[sflag:s16] =	ssyncadd.s32 $0xFFFFFE80  }
0x1c: {  	[tilespmem:s17], [sflag:$0x3] =	stream.linear.gather [hbm4b:s7+s2], $0x180, $0x38;
	[tilespmem:$0x1B480] =	vst v63  }
0x1d: {  	_ =	swait.ge [sflag:s16], $0x180  }
0x1e: {  	[sflag:s16] =	ssyncset.done $0x0  }
0x1f: {  	[sflag:s16] =	ssyncadd.s32 $0xFFFFFE80  }
0x20: {  	[tilespmem:s18], [sflag:$0x3] =	stream.linear.gather [hbm4b:s8+s2], $0x180, $0x38;
	[tilespmem:$0x1B480] =	vst v63  }
0x21: {  	_ =	swait.ge [sflag:s16], $0x180  }
0x22: {  	[sflag:s16] =	ssyncset.done $0x0  }
0x23: {  	s24 =	simm.s32 $0x40;
	s25 =	simm.s32 $0x0;
	[sflag:s16] =	ssyncadd.s32 $0xFFFFFE80  }
.LBB2_2:
0x24: {  	p0 =	sne.s32 s24, $0x5FC0;
	[tilespmem:s25+$0x18480] =	vst v0;
	s26 =	smov.u32 s24;
	s24 =	sadd.s32 $0x40, s24  }
.Ltmp0:
0x25: {  	[tilespmem:s25+$0x19C80] =	vst v0;
	(pc) =	sbr.rel @p0 .LBB2_2-.Ltmp0, $2  }
0x26: {  	_ =	sdelay $0x2  }
0x27: {  	s25 =	sshra.s32 s26, $0x2  }
0x28: {  	[tilespmem:s25+$0x18480] =	vst v0  }
0x29: {  	[tilespmem:s25+$0x19C80] =	vst v0  }
0x2a: {  	_ =	swait.ge [sflag:s19], $0xC000  }
0x2b: {  	[sflag:s19] =	ssyncset.done $0x0  }
0x2c: {  	[sflag:s19] =	ssyncadd.s32 $0xFFFF4000  }
0x2d: {  	_ =	swait.ge [sflag:s20], $0xC000  }
0x2e: {  	[sflag:s20] =	ssyncset.done $0x0  }
0x2f: {  	s24 =	simm.s32 $0x0;
	[sflag:s20] =	ssyncadd.s32 $0xFFFF4000  }
.LBB2_4:
0x30: {  	s26 =	sshll.u32 s24, $0x4  }
0x31: {  	s25 =	sadd.s32 s3, s26  }
0x32: {  	v26 =	vld [tilespmem:s26+$0x18000];
	v25 =	vmov s25  }
0x33: {  	v25 =	vshrl.u32 v25, $0x8  }
0x34: {  	v25 =	vshll.u32 v25, $0x4  }
0x35: {  	v27 =	vbroadcast v25, $0x0;
	_ =	sdelay $0x1  }
0x36: {  	v25 =	vld [tilespmem:s26+$0x18180];
	v26 =	vadd.s32 v27, v26  }
0x37: {  	s31 =	sshll.u32 s24, $0xB;
	v27 =	vshll.u32 v26, $0x7  }
0x38: {  	v26 =	vld [tilespmem:s31+$0x0];
	v28 =	vperm.xlane v27, v2;
	_ =	sdelay $0x1  }
0x39: {  	v29 =	vadd.s32 v3, v28  }
0x3a: {  	v30 =	vbroadcast v25, $0x0;
	_ =	sdelay $0x1  }
0x3b: {  	v31 =	vmul.f32 v26, v30  }
0x3c: {  	v26 =	vld [tilespmem:s26+$0x18300]  }
0x3d: {  	[tilespmem:v29+s21+$0x0] =	vst.idx.add.f32.msk $0xffff, v31  }
0x3e: {  	v31 =	vld [tilespmem:s31+$0xC000];
	_ =	sdelay $0x2  }
0x3f: {  	v32 =	vbroadcast v26, $0x0;
	_ =	sdelay $0x1  }
0x40: {  	v31 =	vmul.f32 v31, v32;
	_ =	sdelay $0x1  }
0x41: {  	[tilespmem:v29+s22+$0x0] =	vst.idx.add.f32.msk $0xffff, v31  }
0x42: {  	v29 =	vld [tilespmem:s31+$0x10];
	_ =	sdelay $0x1  }
0x43: {  	v34 =	vadd.s32 v4, v28;
	_ =	sdelay $0x2  }
0x44: {  	v29 =	vmul.f32 v29, v30;
	_ =	sdelay $0x1  }
0x45: {  	[tilespmem:v34+s21+$0x0] =	vst.idx.add.f32.msk $0xffff, v29  }
0x46: {  	v29 =	vld [tilespmem:s31+$0xC010];
	_ =	sdelay $0x4  }
0x47: {  	v29 =	vmul.f32 v29, v32;
	_ =	sdelay $0x1  }
0x48: {  	[tilespmem:v34+s22+$0x0] =	vst.idx.add.f32.msk $0xffff, v29  }
0x49: {  	v29 =	vld [tilespmem:s31+$0x20];
	_ =	sdelay $0x1  }
0x4a: {  	v35 =	vadd.s32 v5, v28;
	_ =	sdelay $0x2  }
0x4b: {  	v29 =	vmul.f32 v29, v30;
	_ =	sdelay $0x1  }
0x4c: {  	[tilespmem:v35+s21+$0x0] =	vst.idx.add.f32.msk $0xffff, v29  }
0x4d: {  	v29 =	vld [tilespmem:s31+$0xC020];
	_ =	sdelay $0x4  }
0x4e: {  	v29 =	vmul.f32 v29, v32;
	_ =	sdelay $0x1  }
0x4f: {  	[tilespmem:v35+s22+$0x0] =	vst.idx.add.f32.msk $0xffff, v29  }
0x50: {  	v29 =	vld [tilespmem:s31+$0x30];
	_ =	sdelay $0x1  }
0x51: {  	v36 =	vadd.s32 v6, v28;
	_ =	sdelay $0x2  }
0x52: {  	v29 =	vmul.f32 v29, v30;
	_ =	sdelay $0x1  }
0x53: {  	[tilespmem:v36+s21+$0x0] =	vst.idx.add.f32.msk $0xffff, v29  }
0x54: {  	v29 =	vld [tilespmem:s31+$0xC030];
	_ =	sdelay $0x4  }
0x55: {  	v29 =	vmul.f32 v29, v32;
	_ =	sdelay $0x1  }
0x56: {  	[tilespmem:v36+s22+$0x0] =	vst.idx.add.f32.msk $0xffff, v29  }
0x57: {  	v29 =	vld [tilespmem:s31+$0x40];
	_ =	sdelay $0x1  }
0x58: {  	v37 =	vadd.s32 v7, v28;
	_ =	sdelay $0x2  }
0x59: {  	v29 =	vmul.f32 v29, v30;
	_ =	sdelay $0x1  }
0x5a: {  	[tilespmem:v37+s21+$0x0] =	vst.idx.add.f32.msk $0xffff, v29  }
0x5b: {  	v29 =	vld [tilespmem:s31+$0xC040];
	_ =	sdelay $0x4  }
0x5c: {  	v29 =	vmul.f32 v29, v32;
	_ =	sdelay $0x1  }
0x5d: {  	[tilespmem:v37+s22+$0x0] =	vst.idx.add.f32.msk $0xffff, v29  }
0x5e: {  	v29 =	vld [tilespmem:s31+$0x50];
	_ =	sdelay $0x1  }
0x5f: {  	v38 =	vadd.s32 v8, v28;
	_ =	sdelay $0x2  }
0x60: {  	v29 =	vmul.f32 v29, v30;
	_ =	sdelay $0x1  }
0x61: {  	[tilespmem:v38+s21+$0x0] =	vst.idx.add.f32.msk $0xffff, v29  }
0x62: {  	v29 =	vld [tilespmem:s31+$0xC050];
	_ =	sdelay $0x4  }
0x63: {  	v29 =	vmul.f32 v29, v32;
	_ =	sdelay $0x1  }
0x64: {  	[tilespmem:v38+s22+$0x0] =	vst.idx.add.f32.msk $0xffff, v29  }
0x65: {  	v29 =	vld [tilespmem:s31+$0x60];
	_ =	sdelay $0x1  }
0x66: {  	v39 =	vadd.s32 v9, v28;
	_ =	sdelay $0x2  }
0x67: {  	v29 =	vmul.f32 v29, v30;
	_ =	sdelay $0x1  }
0x68: {  	[tilespmem:v39+s21+$0x0] =	vst.idx.add.f32.msk $0xffff, v29  }
0x69: {  	v29 =	vld [tilespmem:s31+$0xC060];
	_ =	sdelay $0x4  }
0x6a: {  	v29 =	vmul.f32 v29, v32;
	_ =	sdelay $0x1  }
0x6b: {  	[tilespmem:v39+s22+$0x0] =	vst.idx.add.f32.msk $0xffff, v29  }
0x6c: {  	v29 =	vld [tilespmem:s31+$0x70];
	_ =	sdelay $0x1  }
0x6d: {  	v28 =	vadd.s32 v10, v28;
	_ =	sdelay $0x2  }
0x6e: {  	v29 =	vmul.f32 v29, v30;
	_ =	sdelay $0x1  }
0x6f: {  	[tilespmem:v28+s21+$0x0] =	vst.idx.add.f32.msk $0xffff, v29  }
0x70: {  	v29 =	vld [tilespmem:s31+$0xC070];
	_ =	sdelay $0x4  }
0x71: {  	v29 =	vmul.f32 v29, v32;
	_ =	sdelay $0x1  }
0x72: {  	[tilespmem:v28+s22+$0x0] =	vst.idx.add.f32.msk $0xffff, v29  }
0x73: {  	v40 =	vperm.xlane v27, v11;
	v29 =	vld [tilespmem:s31+$0x80];
	_ =	sdelay $0x1  }
0x74: {  	v41 =	vadd.s32 v3, v40  }
0x75: {  	v42 =	vbroadcast v25, $0x1;
	_ =	sdelay $0x1  }
0x76: {  	v29 =	vmul.f32 v29, v42;
	_ =	sdelay $0x1  }
0x77: {  	[tilespmem:v41+s21+$0x0] =	vst.idx.add.f32.msk $0xffff, v29  }
0x78: {  	v29 =	vld [tilespmem:s31+$0xC080];
	_ =	sdelay $0x2  }
0x79: {  	v43 =	vbroadcast v26, $0x1;
	_ =	sdelay $0x1  }
0x7a: {  	v29 =	vmul.f32 v29, v43;
	_ =	sdelay $0x1  }
0x7b: {  	[tilespmem:v41+s22+$0x0] =	vst.idx.add.f32.msk $0xffff, v29  }
0x7c: {  	v29 =	vld [tilespmem:s31+$0x90];
	_ =	sdelay $0x1  }
0x7d: {  	v44 =	vadd.s32 v4, v40;
	_ =	sdelay $0x2  }
0x7e: {  	v29 =	vmul.f32 v29, v42;
	_ =	sdelay $0x1  }
0x7f: {  	[tilespmem:v44+s21+$0x0] =	vst.idx.add.f32.msk $0xffff, v29  }
0x80: {  	v29 =	vld [tilespmem:s31+$0xC090];
	_ =	sdelay $0x4  }
0x81: {  	v29 =	vmul.f32 v29, v43;
	_ =	sdelay $0x1  }
0x82: {  	[tilespmem:v44+s22+$0x0] =	vst.idx.add.f32.msk $0xffff, v29  }
0x83: {  	v29 =	vld [tilespmem:s31+$0xA0];
	_ =	sdelay $0x1  }
0x84: {  	v45 =	vadd.s32 v5, v40;
	_ =	sdelay $0x2  }
0x85: {  	v29 =	vmul.f32 v29, v42;
	_ =	sdelay $0x1  }
0x86: {  	[tilespmem:v45+s21+$0x0] =	vst.idx.add.f32.msk $0xffff, v29  }
0x87: {  	v29 =	vld [tilespmem:s31+$0xC0A0];
	_ =	sdelay $0x4  }
0x88: {  	v29 =	vmul.f32 v29, v43;
	_ =	sdelay $0x1  }
0x89: {  	[tilespmem:v45+s22+$0x0] =	vst.idx.add.f32.msk $0xffff, v29  }
0x8a: {  	v29 =	vld [tilespmem:s31+$0xB0];
	_ =	sdelay $0x1  }
0x8b: {  	v46 =	vadd.s32 v6, v40;
	_ =	sdelay $0x2  }
0x8c: {  	v29 =	vmul.f32 v29, v42;
	_ =	sdelay $0x1  }
0x8d: {  	[tilespmem:v46+s21+$0x0] =	vst.idx.add.f32.msk $0xffff, v29  }
0x8e: {  	v29 =	vld [tilespmem:s31+$0xC0B0];
	_ =	sdelay $0x4  }
0x8f: {  	v29 =	vmul.f32 v29, v43;
	_ =	sdelay $0x1  }
0x90: {  	[tilespmem:v46+s22+$0x0] =	vst.idx.add.f32.msk $0xffff, v29  }
0x91: {  	v29 =	vld [tilespmem:s31+$0xC0];
	_ =	sdelay $0x1  }
0x92: {  	v47 =	vadd.s32 v7, v40;
	_ =	sdelay $0x2  }
0x93: {  	v29 =	vmul.f32 v29, v42;
	_ =	sdelay $0x1  }
0x94: {  	[tilespmem:v47+s21+$0x0] =	vst.idx.add.f32.msk $0xffff, v29  }
0x95: {  	v29 =	vld [tilespmem:s31+$0xC0C0];
	_ =	sdelay $0x4  }
0x96: {  	v29 =	vmul.f32 v29, v43;
	_ =	sdelay $0x1  }
0x97: {  	[tilespmem:v47+s22+$0x0] =	vst.idx.add.f32.msk $0xffff, v29  }
0x98: {  	v29 =	vld [tilespmem:s31+$0xD0];
	_ =	sdelay $0x1  }
0x99: {  	v48 =	vadd.s32 v8, v40;
	_ =	sdelay $0x2  }
0x9a: {  	v29 =	vmul.f32 v29, v42;
	_ =	sdelay $0x1  }
0x9b: {  	[tilespmem:v48+s21+$0x0] =	vst.idx.add.f32.msk $0xffff, v29  }
0x9c: {  	v29 =	vld [tilespmem:s31+$0xC0D0];
	_ =	sdelay $0x4  }
0x9d: {  	v29 =	vmul.f32 v29, v43;
	_ =	sdelay $0x1  }
0x9e: {  	[tilespmem:v48+s22+$0x0] =	vst.idx.add.f32.msk $0xffff, v29  }
0x9f: {  	v29 =	vld [tilespmem:s31+$0xE0];
	_ =	sdelay $0x1  }
0xa0: {  	v49 =	vadd.s32 v9, v40;
	_ =	sdelay $0x2  }
0xa1: {  	v29 =	vmul.f32 v29, v42;
	_ =	sdelay $0x1  }
0xa2: {  	[tilespmem:v49+s21+$0x0] =	vst.idx.add.f32.msk $0xffff, v29  }
0xa3: {  	v29 =	vld [tilespmem:s31+$0xC0E0];
	_ =	sdelay $0x4  }
0xa4: {  	v29 =	vmul.f32 v29, v43;
	_ =	sdelay $0x1  }
0xa5: {  	[tilespmem:v49+s22+$0x0] =	vst.idx.add.f32.msk $0xffff, v29  }
0xa6: {  	v29 =	vld [tilespmem:s31+$0xF0];
	_ =	sdelay $0x1  }
0xa7: {  	v28 =	vadd.s32 v10, v40;
	_ =	sdelay $0x2  }
0xa8: {  	v29 =	vmul.f32 v29, v42;
	_ =	sdelay $0x1  }
0xa9: {  	[tilespmem:v28+s21+$0x0] =	vst.idx.add.f32.msk $0xffff, v29  }
0xaa: {  	v29 =	vld [tilespmem:s31+$0xC0F0];
	_ =	sdelay $0x4  }
0xab: {  	v29 =	vmul.f32 v29, v43;
	_ =	sdelay $0x1  }
0xac: {  	[tilespmem:v28+s22+$0x0] =	vst.idx.add.f32.msk $0xffff, v29  }
0xad: {  	v50 =	vperm.xlane v27, v12;
	v29 =	vld [tilespmem:s31+$0x100];
	_ =	sdelay $0x1  }
0xae: {  	v51 =	vadd.s32 v3, v50  }
0xaf: {  	v52 =	vbroadcast v25, $0x2;
	_ =	sdelay $0x1  }
0xb0: {  	v29 =	vmul.f32 v29, v52;
	_ =	sdelay $0x1  }
0xb1: {  	[tilespmem:v51+s21+$0x0] =	vst.idx.add.f32.msk $0xffff, v29  }
0xb2: {  	v29 =	vld [tilespmem:s31+$0xC100];
	_ =	sdelay $0x2  }
0xb3: {  	v53 =	vbroadcast v26, $0x2;
	_ =	sdelay $0x1  }
0xb4: {  	v29 =	vmul.f32 v29, v53;
	_ =	sdelay $0x1  }
0xb5: {  	[tilespmem:v51+s22+$0x0] =	vst.idx.add.f32.msk $0xffff, v29  }
0xb6: {  	v29 =	vld [tilespmem:s31+$0x110];
	_ =	sdelay $0x1  }
0xb7: {  	v54 =	vadd.s32 v4, v50;
	_ =	sdelay $0x2  }
0xb8: {  	v29 =	vmul.f32 v29, v52;
	_ =	sdelay $0x1  }
0xb9: {  	[tilespmem:v54+s21+$0x0] =	vst.idx.add.f32.msk $0xffff, v29  }
0xba: {  	v29 =	vld [tilespmem:s31+$0xC110];
	_ =	sdelay $0x4  }
0xbb: {  	v29 =	vmul.f32 v29, v53;
	_ =	sdelay $0x1  }
0xbc: {  	[tilespmem:v54+s22+$0x0] =	vst.idx.add.f32.msk $0xffff, v29  }
0xbd: {  	v29 =	vld [tilespmem:s31+$0x120];
	_ =	sdelay $0x1  }
0xbe: {  	v55 =	vadd.s32 v5, v50;
	_ =	sdelay $0x2  }
0xbf: {  	v29 =	vmul.f32 v29, v52;
	_ =	sdelay $0x1  }
0xc0: {  	[tilespmem:v55+s21+$0x0] =	vst.idx.add.f32.msk $0xffff, v29  }
0xc1: {  	v29 =	vld [tilespmem:s31+$0xC120];
	_ =	sdelay $0x4  }
0xc2: {  	v29 =	vmul.f32 v29, v53;
	_ =	sdelay $0x1  }
0xc3: {  	[tilespmem:v55+s22+$0x0] =	vst.idx.add.f32.msk $0xffff, v29  }
0xc4: {  	v29 =	vld [tilespmem:s31+$0x130];
	_ =	sdelay $0x1  }
0xc5: {  	v56 =	vadd.s32 v6, v50;
	_ =	sdelay $0x2  }
0xc6: {  	v29 =	vmul.f32 v29, v52;
	_ =	sdelay $0x1  }
0xc7: {  	[tilespmem:v56+s21+$0x0] =	vst.idx.add.f32.msk $0xffff, v29  }
0xc8: {  	v29 =	vld [tilespmem:s31+$0xC130];
	_ =	sdelay $0x4  }
0xc9: {  	v29 =	vmul.f32 v29, v53;
	_ =	sdelay $0x1  }
0xca: {  	[tilespmem:v56+s22+$0x0] =	vst.idx.add.f32.msk $0xffff, v29  }
0xcb: {  	v29 =	vld [tilespmem:s31+$0x140];
	_ =	sdelay $0x1  }
0xcc: {  	v57 =	vadd.s32 v7, v50;
	_ =	sdelay $0x2  }
0xcd: {  	v29 =	vmul.f32 v29, v52;
	_ =	sdelay $0x1  }
0xce: {  	[tilespmem:v57+s21+$0x0] =	vst.idx.add.f32.msk $0xffff, v29  }
0xcf: {  	v29 =	vld [tilespmem:s31+$0xC140];
	_ =	sdelay $0x4  }
0xd0: {  	v29 =	vmul.f32 v29, v53;
	_ =	sdelay $0x1  }
0xd1: {  	[tilespmem:v57+s22+$0x0] =	vst.idx.add.f32.msk $0xffff, v29  }
0xd2: {  	v29 =	vld [tilespmem:s31+$0x150];
	_ =	sdelay $0x1  }
0xd3: {  	v58 =	vadd.s32 v8, v50;
	_ =	sdelay $0x2  }
0xd4: {  	v29 =	vmul.f32 v29, v52;
	_ =	sdelay $0x1  }
0xd5: {  	[tilespmem:v58+s21+$0x0] =	vst.idx.add.f32.msk $0xffff, v29  }
0xd6: {  	v29 =	vld [tilespmem:s31+$0xC150];
	_ =	sdelay $0x4  }
0xd7: {  	v29 =	vmul.f32 v29, v53;
	_ =	sdelay $0x1  }
0xd8: {  	[tilespmem:v58+s22+$0x0] =	vst.idx.add.f32.msk $0xffff, v29  }
0xd9: {  	v29 =	vld [tilespmem:s31+$0x160];
	_ =	sdelay $0x1  }
0xda: {  	v59 =	vadd.s32 v9, v50;
	_ =	sdelay $0x2  }
0xdb: {  	v29 =	vmul.f32 v29, v52;
	_ =	sdelay $0x1  }
0xdc: {  	[tilespmem:v59+s21+$0x0] =	vst.idx.add.f32.msk $0xffff, v29  }
0xdd: {  	v29 =	vld [tilespmem:s31+$0xC160];
	_ =	sdelay $0x4  }
0xde: {  	v29 =	vmul.f32 v29, v53;
	_ =	sdelay $0x1  }
0xdf: {  	[tilespmem:v59+s22+$0x0] =	vst.idx.add.f32.msk $0xffff, v29  }
0xe0: {  	v29 =	vld [tilespmem:s31+$0x170];
	_ =	sdelay $0x1  }
0xe1: {  	v28 =	vadd.s32 v10, v50;
	_ =	sdelay $0x2  }
0xe2: {  	v29 =	vmul.f32 v29, v52;
	_ =	sdelay $0x1  }
0xe3: {  	[tilespmem:v28+s21+$0x0] =	vst.idx.add.f32.msk $0xffff, v29  }
0xe4: {  	v29 =	vld [tilespmem:s31+$0xC170];
	_ =	sdelay $0x4  }
0xe5: {  	v29 =	vmul.f32 v29, v53;
	_ =	sdelay $0x1  }
0xe6: {  	[tilespmem:v28+s22+$0x0] =	vst.idx.add.f32.msk $0xffff, v29  }
0xe7: {  	v60 =	vperm.xlane v27, v13;
	v29 =	vld [tilespmem:s31+$0x180];
	_ =	sdelay $0x1  }
0xe8: {  	v61 =	vadd.s32 v3, v60  }
0xe9: {  	v62 =	vbroadcast v25, $0x3;
	_ =	sdelay $0x1  }
0xea: {  	v29 =	vmul.f32 v29, v62;
	_ =	sdelay $0x1  }
0xeb: {  	[tilespmem:v61+s21+$0x0] =	vst.idx.add.f32.msk $0xffff, v29  }
0xec: {  	v29 =	vld [tilespmem:s31+$0xC180];
	_ =	sdelay $0x2  }
0xed: {  	v63 =	vbroadcast v26, $0x3;
	_ =	sdelay $0x1  }
0xee: {  	v29 =	vmul.f32 v29, v63;
	_ =	sdelay $0x1  }
0xef: {  	[tilespmem:v61+s22+$0x0] =	vst.idx.add.f32.msk $0xffff, v29  }
0xf0: {  	v29 =	vld [tilespmem:s31+$0x190];
	_ =	sdelay $0x1  }
0xf1: {  	v34 =	vadd.s32 v4, v60;
	_ =	sdelay $0x2  }
0xf2: {  	v29 =	vmul.f32 v29, v62;
	_ =	sdelay $0x1  }
0xf3: {  	[tilespmem:v34+s21+$0x0] =	vst.idx.add.f32.msk $0xffff, v29  }
0xf4: {  	v29 =	vld [tilespmem:s31+$0xC190];
	_ =	sdelay $0x4  }
0xf5: {  	v29 =	vmul.f32 v29, v63;
	_ =	sdelay $0x1  }
0xf6: {  	[tilespmem:v34+s22+$0x0] =	vst.idx.add.f32.msk $0xffff, v29  }
0xf7: {  	v29 =	vld [tilespmem:s31+$0x1A0];
	_ =	sdelay $0x1  }
0xf8: {  	v35 =	vadd.s32 v5, v60;
	_ =	sdelay $0x2  }
0xf9: {  	v29 =	vmul.f32 v29, v62;
	_ =	sdelay $0x1  }
0xfa: {  	[tilespmem:v35+s21+$0x0] =	vst.idx.add.f32.msk $0xffff, v29  }
0xfb: {  	v29 =	vld [tilespmem:s31+$0xC1A0];
	_ =	sdelay $0x4  }
0xfc: {  	v29 =	vmul.f32 v29, v63;
	_ =	sdelay $0x1  }
0xfd: {  	[tilespmem:v35+s22+$0x0] =	vst.idx.add.f32.msk $0xffff, v29  }
0xfe: {  	v29 =	vld [tilespmem:s31+$0x1B0];
	_ =	sdelay $0x1  }
0xff: {  	v36 =	vadd.s32 v6, v60;
	_ =	sdelay $0x2  }
0x100: {  	v29 =	vmul.f32 v29, v62;
	_ =	sdelay $0x1  }
0x101: {  	[tilespmem:v36+s21+$0x0] =	vst.idx.add.f32.msk $0xffff, v29  }
0x102: {  	v29 =	vld [tilespmem:s31+$0xC1B0];
	_ =	sdelay $0x4  }
0x103: {  	v29 =	vmul.f32 v29, v63;
	_ =	sdelay $0x1  }
0x104: {  	[tilespmem:v36+s22+$0x0] =	vst.idx.add.f32.msk $0xffff, v29  }
0x105: {  	v29 =	vld [tilespmem:s31+$0x1C0];
	_ =	sdelay $0x1  }
0x106: {  	v37 =	vadd.s32 v7, v60;
	_ =	sdelay $0x2  }
0x107: {  	v29 =	vmul.f32 v29, v62;
	_ =	sdelay $0x1  }
0x108: {  	[tilespmem:v37+s21+$0x0] =	vst.idx.add.f32.msk $0xffff, v29  }
0x109: {  	v29 =	vld [tilespmem:s31+$0xC1C0];
	_ =	sdelay $0x4  }
0x10a: {  	v29 =	vmul.f32 v29, v63;
	_ =	sdelay $0x1  }
0x10b: {  	[tilespmem:v37+s22+$0x0] =	vst.idx.add.f32.msk $0xffff, v29  }
0x10c: {  	v29 =	vld [tilespmem:s31+$0x1D0];
	_ =	sdelay $0x1  }
0x10d: {  	v38 =	vadd.s32 v8, v60;
	_ =	sdelay $0x2  }
0x10e: {  	v29 =	vmul.f32 v29, v62;
	_ =	sdelay $0x1  }
0x10f: {  	[tilespmem:v38+s21+$0x0] =	vst.idx.add.f32.msk $0xffff, v29  }
0x110: {  	v29 =	vld [tilespmem:s31+$0xC1D0];
	_ =	sdelay $0x4  }
0x111: {  	v29 =	vmul.f32 v29, v63;
	_ =	sdelay $0x1  }
0x112: {  	[tilespmem:v38+s22+$0x0] =	vst.idx.add.f32.msk $0xffff, v29  }
0x113: {  	v29 =	vld [tilespmem:s31+$0x1E0];
	_ =	sdelay $0x1  }
0x114: {  	v39 =	vadd.s32 v9, v60;
	_ =	sdelay $0x2  }
0x115: {  	v29 =	vmul.f32 v29, v62;
	_ =	sdelay $0x1  }
0x116: {  	[tilespmem:v39+s21+$0x0] =	vst.idx.add.f32.msk $0xffff, v29  }
0x117: {  	v29 =	vld [tilespmem:s31+$0xC1E0];
	_ =	sdelay $0x4  }
0x118: {  	v29 =	vmul.f32 v29, v63;
	_ =	sdelay $0x1  }
0x119: {  	[tilespmem:v39+s22+$0x0] =	vst.idx.add.f32.msk $0xffff, v29  }
0x11a: {  	v29 =	vld [tilespmem:s31+$0x1F0];
	_ =	sdelay $0x1  }
0x11b: {  	v28 =	vadd.s32 v10, v60;
	_ =	sdelay $0x2  }
0x11c: {  	v29 =	vmul.f32 v29, v62;
	_ =	sdelay $0x1  }
0x11d: {  	[tilespmem:v28+s21+$0x0] =	vst.idx.add.f32.msk $0xffff, v29  }
0x11e: {  	v29 =	vld [tilespmem:s31+$0xC1F0];
	_ =	sdelay $0x4  }
0x11f: {  	v29 =	vmul.f32 v29, v63;
	_ =	sdelay $0x1  }
0x120: {  	[tilespmem:v28+s22+$0x0] =	vst.idx.add.f32.msk $0xffff, v29  }
0x121: {  	v40 =	vperm.xlane v27, v14;
	v29 =	vld [tilespmem:s31+$0x200];
	_ =	sdelay $0x1  }
0x122: {  	v41 =	vadd.s32 v3, v40  }
0x123: {  	v42 =	vbroadcast v25, $0x4;
	_ =	sdelay $0x1  }
0x124: {  	v29 =	vmul.f32 v29, v42;
	_ =	sdelay $0x1  }
0x125: {  	[tilespmem:v41+s21+$0x0] =	vst.idx.add.f32.msk $0xffff, v29  }
0x126: {  	v29 =	vld [tilespmem:s31+$0xC200];
	_ =	sdelay $0x2  }
0x127: {  	v43 =	vbroadcast v26, $0x4;
	_ =	sdelay $0x1  }
0x128: {  	v29 =	vmul.f32 v29, v43;
	_ =	sdelay $0x1  }
0x129: {  	[tilespmem:v41+s22+$0x0] =	vst.idx.add.f32.msk $0xffff, v29  }
0x12a: {  	v29 =	vld [tilespmem:s31+$0x210];
	_ =	sdelay $0x1  }
0x12b: {  	v44 =	vadd.s32 v4, v40;
	_ =	sdelay $0x2  }
0x12c: {  	v29 =	vmul.f32 v29, v42;
	_ =	sdelay $0x1  }
0x12d: {  	[tilespmem:v44+s21+$0x0] =	vst.idx.add.f32.msk $0xffff, v29  }
0x12e: {  	v29 =	vld [tilespmem:s31+$0xC210];
	_ =	sdelay $0x4  }
0x12f: {  	v29 =	vmul.f32 v29, v43;
	_ =	sdelay $0x1  }
0x130: {  	[tilespmem:v44+s22+$0x0] =	vst.idx.add.f32.msk $0xffff, v29  }
0x131: {  	v29 =	vld [tilespmem:s31+$0x220];
	_ =	sdelay $0x1  }
0x132: {  	v45 =	vadd.s32 v5, v40;
	_ =	sdelay $0x2  }
0x133: {  	v29 =	vmul.f32 v29, v42;
	_ =	sdelay $0x1  }
0x134: {  	[tilespmem:v45+s21+$0x0] =	vst.idx.add.f32.msk $0xffff, v29  }
0x135: {  	v29 =	vld [tilespmem:s31+$0xC220];
	_ =	sdelay $0x4  }
0x136: {  	v29 =	vmul.f32 v29, v43;
	_ =	sdelay $0x1  }
0x137: {  	[tilespmem:v45+s22+$0x0] =	vst.idx.add.f32.msk $0xffff, v29  }
0x138: {  	v29 =	vld [tilespmem:s31+$0x230];
	_ =	sdelay $0x1  }
0x139: {  	v46 =	vadd.s32 v6, v40;
	_ =	sdelay $0x2  }
0x13a: {  	v29 =	vmul.f32 v29, v42;
	_ =	sdelay $0x1  }
0x13b: {  	[tilespmem:v46+s21+$0x0] =	vst.idx.add.f32.msk $0xffff, v29  }
0x13c: {  	v29 =	vld [tilespmem:s31+$0xC230];
	_ =	sdelay $0x4  }
0x13d: {  	v29 =	vmul.f32 v29, v43;
	_ =	sdelay $0x1  }
0x13e: {  	[tilespmem:v46+s22+$0x0] =	vst.idx.add.f32.msk $0xffff, v29  }
0x13f: {  	v29 =	vld [tilespmem:s31+$0x240];
	_ =	sdelay $0x1  }
0x140: {  	v47 =	vadd.s32 v7, v40;
	_ =	sdelay $0x2  }
0x141: {  	v29 =	vmul.f32 v29, v42;
	_ =	sdelay $0x1  }
0x142: {  	[tilespmem:v47+s21+$0x0] =	vst.idx.add.f32.msk $0xffff, v29  }
0x143: {  	v29 =	vld [tilespmem:s31+$0xC240];
	_ =	sdelay $0x4  }
0x144: {  	v29 =	vmul.f32 v29, v43;
	_ =	sdelay $0x1  }
0x145: {  	[tilespmem:v47+s22+$0x0] =	vst.idx.add.f32.msk $0xffff, v29  }
0x146: {  	v29 =	vld [tilespmem:s31+$0x250];
	_ =	sdelay $0x1  }
0x147: {  	v48 =	vadd.s32 v8, v40;
	_ =	sdelay $0x2  }
0x148: {  	v29 =	vmul.f32 v29, v42;
	_ =	sdelay $0x1  }
0x149: {  	[tilespmem:v48+s21+$0x0] =	vst.idx.add.f32.msk $0xffff, v29  }
0x14a: {  	v29 =	vld [tilespmem:s31+$0xC250];
	_ =	sdelay $0x4  }
0x14b: {  	v29 =	vmul.f32 v29, v43;
	_ =	sdelay $0x1  }
0x14c: {  	[tilespmem:v48+s22+$0x0] =	vst.idx.add.f32.msk $0xffff, v29  }
0x14d: {  	v29 =	vld [tilespmem:s31+$0x260];
	_ =	sdelay $0x1  }
0x14e: {  	v49 =	vadd.s32 v9, v40;
	_ =	sdelay $0x2  }
0x14f: {  	v29 =	vmul.f32 v29, v42;
	_ =	sdelay $0x1  }
0x150: {  	[tilespmem:v49+s21+$0x0] =	vst.idx.add.f32.msk $0xffff, v29  }
0x151: {  	v29 =	vld [tilespmem:s31+$0xC260];
	_ =	sdelay $0x4  }
0x152: {  	v29 =	vmul.f32 v29, v43;
	_ =	sdelay $0x1  }
0x153: {  	[tilespmem:v49+s22+$0x0] =	vst.idx.add.f32.msk $0xffff, v29  }
0x154: {  	v29 =	vld [tilespmem:s31+$0x270];
	_ =	sdelay $0x1  }
0x155: {  	v28 =	vadd.s32 v10, v40;
	_ =	sdelay $0x2  }
0x156: {  	v29 =	vmul.f32 v29, v42;
	_ =	sdelay $0x1  }
0x157: {  	[tilespmem:v28+s21+$0x0] =	vst.idx.add.f32.msk $0xffff, v29  }
0x158: {  	v29 =	vld [tilespmem:s31+$0xC270];
	_ =	sdelay $0x4  }
0x159: {  	v29 =	vmul.f32 v29, v43;
	_ =	sdelay $0x1  }
0x15a: {  	[tilespmem:v28+s22+$0x0] =	vst.idx.add.f32.msk $0xffff, v29  }
0x15b: {  	v50 =	vperm.xlane v27, v15;
	v29 =	vld [tilespmem:s31+$0x280];
	_ =	sdelay $0x1  }
0x15c: {  	v51 =	vadd.s32 v3, v50  }
0x15d: {  	v52 =	vbroadcast v25, $0x5;
	_ =	sdelay $0x1  }
0x15e: {  	v29 =	vmul.f32 v29, v52;
	_ =	sdelay $0x1  }
0x15f: {  	[tilespmem:v51+s21+$0x0] =	vst.idx.add.f32.msk $0xffff, v29  }
0x160: {  	v29 =	vld [tilespmem:s31+$0xC280];
	_ =	sdelay $0x2  }
0x161: {  	v53 =	vbroadcast v26, $0x5;
	_ =	sdelay $0x1  }
0x162: {  	v29 =	vmul.f32 v29, v53;
	_ =	sdelay $0x1  }
0x163: {  	[tilespmem:v51+s22+$0x0] =	vst.idx.add.f32.msk $0xffff, v29  }
0x164: {  	v29 =	vld [tilespmem:s31+$0x290];
	_ =	sdelay $0x1  }
0x165: {  	v54 =	vadd.s32 v4, v50;
	_ =	sdelay $0x2  }
0x166: {  	v29 =	vmul.f32 v29, v52;
	_ =	sdelay $0x1  }
0x167: {  	[tilespmem:v54+s21+$0x0] =	vst.idx.add.f32.msk $0xffff, v29  }
0x168: {  	v29 =	vld [tilespmem:s31+$0xC290];
	_ =	sdelay $0x4  }
0x169: {  	v29 =	vmul.f32 v29, v53;
	_ =	sdelay $0x1  }
0x16a: {  	[tilespmem:v54+s22+$0x0] =	vst.idx.add.f32.msk $0xffff, v29  }
0x16b: {  	v29 =	vld [tilespmem:s31+$0x2A0];
	_ =	sdelay $0x1  }
0x16c: {  	v55 =	vadd.s32 v5, v50;
	_ =	sdelay $0x2  }
0x16d: {  	v29 =	vmul.f32 v29, v52;
	_ =	sdelay $0x1  }
0x16e: {  	[tilespmem:v55+s21+$0x0] =	vst.idx.add.f32.msk $0xffff, v29  }
0x16f: {  	v29 =	vld [tilespmem:s31+$0xC2A0];
	_ =	sdelay $0x4  }
0x170: {  	v29 =	vmul.f32 v29, v53;
	_ =	sdelay $0x1  }
0x171: {  	[tilespmem:v55+s22+$0x0] =	vst.idx.add.f32.msk $0xffff, v29  }
0x172: {  	v29 =	vld [tilespmem:s31+$0x2B0];
	_ =	sdelay $0x1  }
0x173: {  	v56 =	vadd.s32 v6, v50;
	_ =	sdelay $0x2  }
0x174: {  	v29 =	vmul.f32 v29, v52;
	_ =	sdelay $0x1  }
0x175: {  	[tilespmem:v56+s21+$0x0] =	vst.idx.add.f32.msk $0xffff, v29  }
0x176: {  	v29 =	vld [tilespmem:s31+$0xC2B0];
	_ =	sdelay $0x4  }
0x177: {  	v29 =	vmul.f32 v29, v53;
	_ =	sdelay $0x1  }
0x178: {  	[tilespmem:v56+s22+$0x0] =	vst.idx.add.f32.msk $0xffff, v29  }
0x179: {  	v29 =	vld [tilespmem:s31+$0x2C0];
	_ =	sdelay $0x1  }
0x17a: {  	v57 =	vadd.s32 v7, v50;
	_ =	sdelay $0x2  }
0x17b: {  	v29 =	vmul.f32 v29, v52;
	_ =	sdelay $0x1  }
0x17c: {  	[tilespmem:v57+s21+$0x0] =	vst.idx.add.f32.msk $0xffff, v29  }
0x17d: {  	v29 =	vld [tilespmem:s31+$0xC2C0];
	_ =	sdelay $0x4  }
0x17e: {  	v29 =	vmul.f32 v29, v53;
	_ =	sdelay $0x1  }
0x17f: {  	[tilespmem:v57+s22+$0x0] =	vst.idx.add.f32.msk $0xffff, v29  }
0x180: {  	v29 =	vld [tilespmem:s31+$0x2D0];
	_ =	sdelay $0x1  }
0x181: {  	v58 =	vadd.s32 v8, v50;
	_ =	sdelay $0x2  }
0x182: {  	v29 =	vmul.f32 v29, v52;
	_ =	sdelay $0x1  }
0x183: {  	[tilespmem:v58+s21+$0x0] =	vst.idx.add.f32.msk $0xffff, v29  }
0x184: {  	v29 =	vld [tilespmem:s31+$0xC2D0];
	_ =	sdelay $0x4  }
0x185: {  	v29 =	vmul.f32 v29, v53;
	_ =	sdelay $0x1  }
0x186: {  	[tilespmem:v58+s22+$0x0] =	vst.idx.add.f32.msk $0xffff, v29  }
0x187: {  	v29 =	vld [tilespmem:s31+$0x2E0];
	_ =	sdelay $0x1  }
0x188: {  	v59 =	vadd.s32 v9, v50;
	_ =	sdelay $0x2  }
0x189: {  	v29 =	vmul.f32 v29, v52;
	_ =	sdelay $0x1  }
0x18a: {  	[tilespmem:v59+s21+$0x0] =	vst.idx.add.f32.msk $0xffff, v29  }
0x18b: {  	v29 =	vld [tilespmem:s31+$0xC2E0];
	_ =	sdelay $0x4  }
0x18c: {  	v29 =	vmul.f32 v29, v53;
	_ =	sdelay $0x1  }
0x18d: {  	[tilespmem:v59+s22+$0x0] =	vst.idx.add.f32.msk $0xffff, v29  }
0x18e: {  	v29 =	vld [tilespmem:s31+$0x2F0];
	_ =	sdelay $0x1  }
0x18f: {  	v28 =	vadd.s32 v10, v50;
	_ =	sdelay $0x2  }
0x190: {  	v29 =	vmul.f32 v29, v52;
	_ =	sdelay $0x1  }
0x191: {  	[tilespmem:v28+s21+$0x0] =	vst.idx.add.f32.msk $0xffff, v29  }
0x192: {  	v29 =	vld [tilespmem:s31+$0xC2F0];
	_ =	sdelay $0x4  }
0x193: {  	v29 =	vmul.f32 v29, v53;
	_ =	sdelay $0x1  }
0x194: {  	[tilespmem:v28+s22+$0x0] =	vst.idx.add.f32.msk $0xffff, v29  }
0x195: {  	v60 =	vperm.xlane v27, v16;
	v29 =	vld [tilespmem:s31+$0x300];
	_ =	sdelay $0x1  }
0x196: {  	v61 =	vadd.s32 v3, v60  }
0x197: {  	v62 =	vbroadcast v25, $0x6;
	_ =	sdelay $0x1  }
0x198: {  	v29 =	vmul.f32 v29, v62;
	_ =	sdelay $0x1  }
0x199: {  	[tilespmem:v61+s21+$0x0] =	vst.idx.add.f32.msk $0xffff, v29  }
0x19a: {  	v29 =	vld [tilespmem:s31+$0xC300];
	_ =	sdelay $0x2  }
0x19b: {  	v63 =	vbroadcast v26, $0x6;
	_ =	sdelay $0x1  }
0x19c: {  	v29 =	vmul.f32 v29, v63;
	_ =	sdelay $0x1  }
0x19d: {  	[tilespmem:v61+s22+$0x0] =	vst.idx.add.f32.msk $0xffff, v29  }
0x19e: {  	v29 =	vld [tilespmem:s31+$0x310];
	_ =	sdelay $0x1  }
0x19f: {  	v33 =	vadd.s32 v4, v60;
	_ =	sdelay $0x2  }
0x1a0: {  	v29 =	vmul.f32 v29, v62;
	_ =	sdelay $0x1  }
0x1a1: {  	[tilespmem:v33+s21+$0x0] =	vst.idx.add.f32.msk $0xffff, v29  }
0x1a2: {  	v29 =	vld [tilespmem:s31+$0xC310];
	_ =	sdelay $0x4  }
0x1a3: {  	v29 =	vmul.f32 v29, v63;
	_ =	sdelay $0x1  }
0x1a4: {  	[tilespmem:v33+s22+$0x0] =	vst.idx.add.f32.msk $0xffff, v29  }
0x1a5: {  	v29 =	vld [tilespmem:s31+$0x320];
	_ =	sdelay $0x1  }
0x1a6: {  	v34 =	vadd.s32 v5, v60;
	_ =	sdelay $0x2  }
0x1a7: {  	v29 =	vmul.f32 v29, v62;
	_ =	sdelay $0x1  }
0x1a8: {  	[tilespmem:v34+s21+$0x0] =	vst.idx.add.f32.msk $0xffff, v29  }
0x1a9: {  	v29 =	vld [tilespmem:s31+$0xC320];
	_ =	sdelay $0x4  }
0x1aa: {  	v29 =	vmul.f32 v29, v63;
	_ =	sdelay $0x1  }
0x1ab: {  	[tilespmem:v34+s22+$0x0] =	vst.idx.add.f32.msk $0xffff, v29  }
0x1ac: {  	v29 =	vld [tilespmem:s31+$0x330];
	_ =	sdelay $0x1  }
0x1ad: {  	v35 =	vadd.s32 v6, v60;
	_ =	sdelay $0x2  }
0x1ae: {  	v29 =	vmul.f32 v29, v62;
	_ =	sdelay $0x1  }
0x1af: {  	[tilespmem:v35+s21+$0x0] =	vst.idx.add.f32.msk $0xffff, v29  }
0x1b0: {  	v29 =	vld [tilespmem:s31+$0xC330];
	_ =	sdelay $0x4  }
0x1b1: {  	v29 =	vmul.f32 v29, v63;
	_ =	sdelay $0x1  }
0x1b2: {  	[tilespmem:v35+s22+$0x0] =	vst.idx.add.f32.msk $0xffff, v29  }
0x1b3: {  	v29 =	vld [tilespmem:s31+$0x340];
	_ =	sdelay $0x1  }
0x1b4: {  	v36 =	vadd.s32 v7, v60;
	_ =	sdelay $0x2  }
0x1b5: {  	v29 =	vmul.f32 v29, v62;
	_ =	sdelay $0x1  }
0x1b6: {  	[tilespmem:v36+s21+$0x0] =	vst.idx.add.f32.msk $0xffff, v29  }
0x1b7: {  	v29 =	vld [tilespmem:s31+$0xC340];
	_ =	sdelay $0x4  }
0x1b8: {  	v29 =	vmul.f32 v29, v63;
	_ =	sdelay $0x1  }
0x1b9: {  	[tilespmem:v36+s22+$0x0] =	vst.idx.add.f32.msk $0xffff, v29  }
0x1ba: {  	v29 =	vld [tilespmem:s31+$0x350];
	_ =	sdelay $0x1  }
0x1bb: {  	v37 =	vadd.s32 v8, v60;
	_ =	sdelay $0x2  }
0x1bc: {  	v29 =	vmul.f32 v29, v62;
	_ =	sdelay $0x1  }
0x1bd: {  	[tilespmem:v37+s21+$0x0] =	vst.idx.add.f32.msk $0xffff, v29  }
0x1be: {  	v29 =	vld [tilespmem:s31+$0xC350];
	_ =	sdelay $0x4  }
0x1bf: {  	v29 =	vmul.f32 v29, v63;
	_ =	sdelay $0x1  }
0x1c0: {  	[tilespmem:v37+s22+$0x0] =	vst.idx.add.f32.msk $0xffff, v29  }
0x1c1: {  	v29 =	vld [tilespmem:s31+$0x360];
	_ =	sdelay $0x1  }
0x1c2: {  	v38 =	vadd.s32 v9, v60;
	_ =	sdelay $0x2  }
0x1c3: {  	v29 =	vmul.f32 v29, v62;
	_ =	sdelay $0x1  }
0x1c4: {  	[tilespmem:v38+s21+$0x0] =	vst.idx.add.f32.msk $0xffff, v29  }
0x1c5: {  	v29 =	vld [tilespmem:s31+$0xC360];
	_ =	sdelay $0x4  }
0x1c6: {  	v29 =	vmul.f32 v29, v63;
	_ =	sdelay $0x1  }
0x1c7: {  	[tilespmem:v38+s22+$0x0] =	vst.idx.add.f32.msk $0xffff, v29  }
0x1c8: {  	v29 =	vld [tilespmem:s31+$0x370];
	_ =	sdelay $0x1  }
0x1c9: {  	v28 =	vadd.s32 v10, v60;
	_ =	sdelay $0x2  }
0x1ca: {  	v29 =	vmul.f32 v29, v62;
	_ =	sdelay $0x1  }
0x1cb: {  	[tilespmem:v28+s21+$0x0] =	vst.idx.add.f32.msk $0xffff, v29  }
0x1cc: {  	v29 =	vld [tilespmem:s31+$0xC370];
	_ =	sdelay $0x4  }
0x1cd: {  	v29 =	vmul.f32 v29, v63;
	_ =	sdelay $0x1  }
0x1ce: {  	[tilespmem:v28+s22+$0x0] =	vst.idx.add.f32.msk $0xffff, v29  }
0x1cf: {  	v39 =	vperm.xlane v27, v1;
	v29 =	vld [tilespmem:s31+$0x380];
	_ =	sdelay $0x1  }
0x1d0: {  	v40 =	vadd.s32 v3, v39  }
0x1d1: {  	v41 =	vbroadcast v25, $0x7;
	_ =	sdelay $0x1  }
0x1d2: {  	v29 =	vmul.f32 v29, v41;
	_ =	sdelay $0x1  }
0x1d3: {  	[tilespmem:v40+s21+$0x0] =	vst.idx.add.f32.msk $0xffff, v29  }
0x1d4: {  	v29 =	vld [tilespmem:s31+$0xC380];
	_ =	sdelay $0x2  }
0x1d5: {  	v42 =	vbroadcast v26, $0x7;
	_ =	sdelay $0x1  }
0x1d6: {  	v29 =	vmul.f32 v29, v42;
	_ =	sdelay $0x1  }
0x1d7: {  	[tilespmem:v40+s22+$0x0] =	vst.idx.add.f32.msk $0xffff, v29  }
0x1d8: {  	v29 =	vld [tilespmem:s31+$0x390];
	_ =	sdelay $0x1  }
0x1d9: {  	v43 =	vadd.s32 v4, v39;
	_ =	sdelay $0x2  }
0x1da: {  	v29 =	vmul.f32 v29, v41;
	_ =	sdelay $0x1  }
0x1db: {  	[tilespmem:v43+s21+$0x0] =	vst.idx.add.f32.msk $0xffff, v29  }
0x1dc: {  	v29 =	vld [tilespmem:s31+$0xC390];
	_ =	sdelay $0x4  }
0x1dd: {  	v29 =	vmul.f32 v29, v42;
	_ =	sdelay $0x1  }
0x1de: {  	[tilespmem:v43+s22+$0x0] =	vst.idx.add.f32.msk $0xffff, v29  }
0x1df: {  	v29 =	vld [tilespmem:s31+$0x3A0];
	_ =	sdelay $0x1  }
0x1e0: {  	v44 =	vadd.s32 v5, v39;
	_ =	sdelay $0x2  }
0x1e1: {  	v29 =	vmul.f32 v29, v41;
	_ =	sdelay $0x1  }
0x1e2: {  	[tilespmem:v44+s21+$0x0] =	vst.idx.add.f32.msk $0xffff, v29  }
0x1e3: {  	v29 =	vld [tilespmem:s31+$0xC3A0];
	_ =	sdelay $0x4  }
0x1e4: {  	v29 =	vmul.f32 v29, v42;
	_ =	sdelay $0x1  }
0x1e5: {  	[tilespmem:v44+s22+$0x0] =	vst.idx.add.f32.msk $0xffff, v29  }
0x1e6: {  	v29 =	vld [tilespmem:s31+$0x3B0];
	_ =	sdelay $0x1  }
0x1e7: {  	v45 =	vadd.s32 v6, v39;
	_ =	sdelay $0x2  }
0x1e8: {  	v29 =	vmul.f32 v29, v41;
	_ =	sdelay $0x1  }
0x1e9: {  	[tilespmem:v45+s21+$0x0] =	vst.idx.add.f32.msk $0xffff, v29  }
0x1ea: {  	v29 =	vld [tilespmem:s31+$0xC3B0];
	_ =	sdelay $0x4  }
0x1eb: {  	v29 =	vmul.f32 v29, v42;
	_ =	sdelay $0x1  }
0x1ec: {  	[tilespmem:v45+s22+$0x0] =	vst.idx.add.f32.msk $0xffff, v29  }
0x1ed: {  	v29 =	vld [tilespmem:s31+$0x3C0];
	_ =	sdelay $0x1  }
0x1ee: {  	v46 =	vadd.s32 v7, v39;
	_ =	sdelay $0x2  }
0x1ef: {  	v29 =	vmul.f32 v29, v41;
	_ =	sdelay $0x1  }
0x1f0: {  	[tilespmem:v46+s21+$0x0] =	vst.idx.add.f32.msk $0xffff, v29  }
0x1f1: {  	v29 =	vld [tilespmem:s31+$0xC3C0];
	_ =	sdelay $0x4  }
0x1f2: {  	v29 =	vmul.f32 v29, v42;
	_ =	sdelay $0x1  }
0x1f3: {  	[tilespmem:v46+s22+$0x0] =	vst.idx.add.f32.msk $0xffff, v29  }
0x1f4: {  	v29 =	vld [tilespmem:s31+$0x3D0];
	_ =	sdelay $0x1  }
0x1f5: {  	v47 =	vadd.s32 v8, v39;
	_ =	sdelay $0x2  }
0x1f6: {  	v29 =	vmul.f32 v29, v41;
	_ =	sdelay $0x1  }
0x1f7: {  	[tilespmem:v47+s21+$0x0] =	vst.idx.add.f32.msk $0xffff, v29  }
0x1f8: {  	v29 =	vld [tilespmem:s31+$0xC3D0];
	_ =	sdelay $0x4  }
0x1f9: {  	v29 =	vmul.f32 v29, v42;
	_ =	sdelay $0x1  }
0x1fa: {  	[tilespmem:v47+s22+$0x0] =	vst.idx.add.f32.msk $0xffff, v29  }
0x1fb: {  	v29 =	vld [tilespmem:s31+$0x3E0];
	_ =	sdelay $0x1  }
0x1fc: {  	v48 =	vadd.s32 v9, v39;
	_ =	sdelay $0x2  }
0x1fd: {  	v29 =	vmul.f32 v29, v41;
	_ =	sdelay $0x1  }
0x1fe: {  	[tilespmem:v48+s21+$0x0] =	vst.idx.add.f32.msk $0xffff, v29  }
0x1ff: {  	v29 =	vld [tilespmem:s31+$0xC3E0];
	_ =	sdelay $0x4  }
0x200: {  	v29 =	vmul.f32 v29, v42;
	_ =	sdelay $0x1  }
0x201: {  	[tilespmem:v48+s22+$0x0] =	vst.idx.add.f32.msk $0xffff, v29  }
0x202: {  	v29 =	vld [tilespmem:s31+$0x3F0];
	_ =	sdelay $0x1  }
0x203: {  	v28 =	vadd.s32 v10, v39;
	_ =	sdelay $0x2  }
0x204: {  	v29 =	vmul.f32 v29, v41;
	_ =	sdelay $0x1  }
0x205: {  	[tilespmem:v28+s21+$0x0] =	vst.idx.add.f32.msk $0xffff, v29  }
0x206: {  	v29 =	vld [tilespmem:s31+$0xC3F0];
	_ =	sdelay $0x4  }
0x207: {  	v29 =	vmul.f32 v29, v42;
	_ =	sdelay $0x1  }
0x208: {  	[tilespmem:v28+s22+$0x0] =	vst.idx.add.f32.msk $0xffff, v29  }
0x209: {  	v49 =	vperm.xlane v27, v17;
	v29 =	vld [tilespmem:s31+$0x400];
	_ =	sdelay $0x1  }
0x20a: {  	v50 =	vadd.s32 v3, v49  }
0x20b: {  	v51 =	vbroadcast v25, $0x8;
	_ =	sdelay $0x1  }
0x20c: {  	v29 =	vmul.f32 v29, v51;
	_ =	sdelay $0x1  }
0x20d: {  	[tilespmem:v50+s21+$0x0] =	vst.idx.add.f32.msk $0xffff, v29  }
0x20e: {  	v29 =	vld [tilespmem:s31+$0xC400];
	_ =	sdelay $0x2  }
0x20f: {  	v52 =	vbroadcast v26, $0x8;
	_ =	sdelay $0x1  }
0x210: {  	v29 =	vmul.f32 v29, v52;
	_ =	sdelay $0x1  }
0x211: {  	[tilespmem:v50+s22+$0x0] =	vst.idx.add.f32.msk $0xffff, v29  }
0x212: {  	v29 =	vld [tilespmem:s31+$0x410];
	_ =	sdelay $0x1  }
0x213: {  	v53 =	vadd.s32 v4, v49;
	_ =	sdelay $0x2  }
0x214: {  	v29 =	vmul.f32 v29, v51;
	_ =	sdelay $0x1  }
0x215: {  	[tilespmem:v53+s21+$0x0] =	vst.idx.add.f32.msk $0xffff, v29  }
0x216: {  	v29 =	vld [tilespmem:s31+$0xC410];
	_ =	sdelay $0x4  }
0x217: {  	v29 =	vmul.f32 v29, v52;
	_ =	sdelay $0x1  }
0x218: {  	[tilespmem:v53+s22+$0x0] =	vst.idx.add.f32.msk $0xffff, v29  }
0x219: {  	v29 =	vld [tilespmem:s31+$0x420];
	_ =	sdelay $0x1  }
0x21a: {  	v54 =	vadd.s32 v5, v49;
	_ =	sdelay $0x2  }
0x21b: {  	v29 =	vmul.f32 v29, v51;
	_ =	sdelay $0x1  }
0x21c: {  	[tilespmem:v54+s21+$0x0] =	vst.idx.add.f32.msk $0xffff, v29  }
0x21d: {  	v29 =	vld [tilespmem:s31+$0xC420];
	_ =	sdelay $0x4  }
0x21e: {  	v29 =	vmul.f32 v29, v52;
	_ =	sdelay $0x1  }
0x21f: {  	[tilespmem:v54+s22+$0x0] =	vst.idx.add.f32.msk $0xffff, v29  }
0x220: {  	v29 =	vld [tilespmem:s31+$0x430];
	_ =	sdelay $0x1  }
0x221: {  	v55 =	vadd.s32 v6, v49;
	_ =	sdelay $0x2  }
0x222: {  	v29 =	vmul.f32 v29, v51;
	_ =	sdelay $0x1  }
0x223: {  	[tilespmem:v55+s21+$0x0] =	vst.idx.add.f32.msk $0xffff, v29  }
0x224: {  	v29 =	vld [tilespmem:s31+$0xC430];
	_ =	sdelay $0x4  }
0x225: {  	v29 =	vmul.f32 v29, v52;
	_ =	sdelay $0x1  }
0x226: {  	[tilespmem:v55+s22+$0x0] =	vst.idx.add.f32.msk $0xffff, v29  }
0x227: {  	v29 =	vld [tilespmem:s31+$0x440];
	_ =	sdelay $0x1  }
0x228: {  	v56 =	vadd.s32 v7, v49;
	_ =	sdelay $0x2  }
0x229: {  	v29 =	vmul.f32 v29, v51;
	_ =	sdelay $0x1  }
0x22a: {  	[tilespmem:v56+s21+$0x0] =	vst.idx.add.f32.msk $0xffff, v29  }
0x22b: {  	v29 =	vld [tilespmem:s31+$0xC440];
	_ =	sdelay $0x4  }
0x22c: {  	v29 =	vmul.f32 v29, v52;
	_ =	sdelay $0x1  }
0x22d: {  	[tilespmem:v56+s22+$0x0] =	vst.idx.add.f32.msk $0xffff, v29  }
0x22e: {  	v29 =	vld [tilespmem:s31+$0x450];
	_ =	sdelay $0x1  }
0x22f: {  	v57 =	vadd.s32 v8, v49;
	_ =	sdelay $0x2  }
0x230: {  	v29 =	vmul.f32 v29, v51;
	_ =	sdelay $0x1  }
0x231: {  	[tilespmem:v57+s21+$0x0] =	vst.idx.add.f32.msk $0xffff, v29  }
0x232: {  	v29 =	vld [tilespmem:s31+$0xC450];
	_ =	sdelay $0x4  }
0x233: {  	v29 =	vmul.f32 v29, v52;
	_ =	sdelay $0x1  }
0x234: {  	[tilespmem:v57+s22+$0x0] =	vst.idx.add.f32.msk $0xffff, v29  }
0x235: {  	v29 =	vld [tilespmem:s31+$0x460];
	_ =	sdelay $0x1  }
0x236: {  	v58 =	vadd.s32 v9, v49;
	_ =	sdelay $0x2  }
0x237: {  	v29 =	vmul.f32 v29, v51;
	_ =	sdelay $0x1  }
0x238: {  	[tilespmem:v58+s21+$0x0] =	vst.idx.add.f32.msk $0xffff, v29  }
0x239: {  	v29 =	vld [tilespmem:s31+$0xC460];
	_ =	sdelay $0x4  }
0x23a: {  	v29 =	vmul.f32 v29, v52;
	_ =	sdelay $0x1  }
0x23b: {  	[tilespmem:v58+s22+$0x0] =	vst.idx.add.f32.msk $0xffff, v29  }
0x23c: {  	v29 =	vld [tilespmem:s31+$0x470];
	_ =	sdelay $0x1  }
0x23d: {  	v28 =	vadd.s32 v10, v49;
	_ =	sdelay $0x2  }
0x23e: {  	v29 =	vmul.f32 v29, v51;
	_ =	sdelay $0x1  }
0x23f: {  	[tilespmem:v28+s21+$0x0] =	vst.idx.add.f32.msk $0xffff, v29  }
0x240: {  	v29 =	vld [tilespmem:s31+$0xC470];
	_ =	sdelay $0x4  }
0x241: {  	v29 =	vmul.f32 v29, v52;
	_ =	sdelay $0x1  }
0x242: {  	[tilespmem:v28+s22+$0x0] =	vst.idx.add.f32.msk $0xffff, v29  }
0x243: {  	v59 =	vperm.xlane v27, v18;
	v29 =	vld [tilespmem:s31+$0x480];
	_ =	sdelay $0x1  }
0x244: {  	v60 =	vadd.s32 v3, v59  }
0x245: {  	v61 =	vbroadcast v25, $0x9;
	_ =	sdelay $0x1  }
0x246: {  	v29 =	vmul.f32 v29, v61;
	_ =	sdelay $0x1  }
0x247: {  	[tilespmem:v60+s21+$0x0] =	vst.idx.add.f32.msk $0xffff, v29  }
0x248: {  	v29 =	vld [tilespmem:s31+$0xC480];
	_ =	sdelay $0x2  }
0x249: {  	v62 =	vbroadcast v26, $0x9;
	_ =	sdelay $0x1  }
0x24a: {  	v29 =	vmul.f32 v29, v62;
	_ =	sdelay $0x1  }
0x24b: {  	[tilespmem:v60+s22+$0x0] =	vst.idx.add.f32.msk $0xffff, v29  }
0x24c: {  	v29 =	vld [tilespmem:s31+$0x490];
	_ =	sdelay $0x1  }
0x24d: {  	v63 =	vadd.s32 v4, v59;
	_ =	sdelay $0x2  }
0x24e: {  	v29 =	vmul.f32 v29, v61;
	_ =	sdelay $0x1  }
0x24f: {  	[tilespmem:v63+s21+$0x0] =	vst.idx.add.f32.msk $0xffff, v29  }
0x250: {  	v29 =	vld [tilespmem:s31+$0xC490];
	_ =	sdelay $0x4  }
0x251: {  	v29 =	vmul.f32 v29, v62;
	_ =	sdelay $0x1  }
0x252: {  	[tilespmem:v63+s22+$0x0] =	vst.idx.add.f32.msk $0xffff, v29  }
0x253: {  	v29 =	vld [tilespmem:s31+$0x4A0];
	_ =	sdelay $0x1  }
0x254: {  	v33 =	vadd.s32 v5, v59;
	_ =	sdelay $0x2  }
0x255: {  	v29 =	vmul.f32 v29, v61;
	_ =	sdelay $0x1  }
0x256: {  	[tilespmem:v33+s21+$0x0] =	vst.idx.add.f32.msk $0xffff, v29  }
0x257: {  	v29 =	vld [tilespmem:s31+$0xC4A0];
	_ =	sdelay $0x4  }
0x258: {  	v29 =	vmul.f32 v29, v62;
	_ =	sdelay $0x1  }
0x259: {  	[tilespmem:v33+s22+$0x0] =	vst.idx.add.f32.msk $0xffff, v29  }
0x25a: {  	v29 =	vld [tilespmem:s31+$0x4B0];
	_ =	sdelay $0x1  }
0x25b: {  	v34 =	vadd.s32 v6, v59;
	_ =	sdelay $0x2  }
0x25c: {  	v29 =	vmul.f32 v29, v61;
	_ =	sdelay $0x1  }
0x25d: {  	[tilespmem:v34+s21+$0x0] =	vst.idx.add.f32.msk $0xffff, v29  }
0x25e: {  	v29 =	vld [tilespmem:s31+$0xC4B0];
	_ =	sdelay $0x4  }
0x25f: {  	v29 =	vmul.f32 v29, v62;
	_ =	sdelay $0x1  }
0x260: {  	[tilespmem:v34+s22+$0x0] =	vst.idx.add.f32.msk $0xffff, v29  }
0x261: {  	v29 =	vld [tilespmem:s31+$0x4C0];
	_ =	sdelay $0x1  }
0x262: {  	v35 =	vadd.s32 v7, v59;
	_ =	sdelay $0x2  }
0x263: {  	v29 =	vmul.f32 v29, v61;
	_ =	sdelay $0x1  }
0x264: {  	[tilespmem:v35+s21+$0x0] =	vst.idx.add.f32.msk $0xffff, v29  }
0x265: {  	v29 =	vld [tilespmem:s31+$0xC4C0];
	_ =	sdelay $0x4  }
0x266: {  	v29 =	vmul.f32 v29, v62;
	_ =	sdelay $0x1  }
0x267: {  	[tilespmem:v35+s22+$0x0] =	vst.idx.add.f32.msk $0xffff, v29  }
0x268: {  	v29 =	vld [tilespmem:s31+$0x4D0];
	_ =	sdelay $0x1  }
0x269: {  	v36 =	vadd.s32 v8, v59;
	_ =	sdelay $0x2  }
0x26a: {  	v29 =	vmul.f32 v29, v61;
	_ =	sdelay $0x1  }
0x26b: {  	[tilespmem:v36+s21+$0x0] =	vst.idx.add.f32.msk $0xffff, v29  }
0x26c: {  	v29 =	vld [tilespmem:s31+$0xC4D0];
	_ =	sdelay $0x4  }
0x26d: {  	v29 =	vmul.f32 v29, v62;
	_ =	sdelay $0x1  }
0x26e: {  	[tilespmem:v36+s22+$0x0] =	vst.idx.add.f32.msk $0xffff, v29  }
0x26f: {  	v29 =	vld [tilespmem:s31+$0x4E0];
	_ =	sdelay $0x1  }
0x270: {  	v37 =	vadd.s32 v9, v59;
	_ =	sdelay $0x2  }
0x271: {  	v29 =	vmul.f32 v29, v61;
	_ =	sdelay $0x1  }
0x272: {  	[tilespmem:v37+s21+$0x0] =	vst.idx.add.f32.msk $0xffff, v29  }
0x273: {  	v29 =	vld [tilespmem:s31+$0xC4E0];
	_ =	sdelay $0x4  }
0x274: {  	v29 =	vmul.f32 v29, v62;
	_ =	sdelay $0x1  }
0x275: {  	[tilespmem:v37+s22+$0x0] =	vst.idx.add.f32.msk $0xffff, v29  }
0x276: {  	v29 =	vld [tilespmem:s31+$0x4F0];
	_ =	sdelay $0x1  }
0x277: {  	v28 =	vadd.s32 v10, v59;
	_ =	sdelay $0x2  }
0x278: {  	v29 =	vmul.f32 v29, v61;
	_ =	sdelay $0x1  }
0x279: {  	[tilespmem:v28+s21+$0x0] =	vst.idx.add.f32.msk $0xffff, v29  }
0x27a: {  	v29 =	vld [tilespmem:s31+$0xC4F0];
	_ =	sdelay $0x4  }
0x27b: {  	v29 =	vmul.f32 v29, v62;
	_ =	sdelay $0x1  }
0x27c: {  	[tilespmem:v28+s22+$0x0] =	vst.idx.add.f32.msk $0xffff, v29  }
0x27d: {  	v38 =	vperm.xlane v27, v19;
	v29 =	vld [tilespmem:s31+$0x500];
	_ =	sdelay $0x1  }
0x27e: {  	v39 =	vadd.s32 v3, v38  }
0x27f: {  	v40 =	vbroadcast v25, $0xA;
	_ =	sdelay $0x1  }
0x280: {  	v29 =	vmul.f32 v29, v40;
	_ =	sdelay $0x1  }
0x281: {  	[tilespmem:v39+s21+$0x0] =	vst.idx.add.f32.msk $0xffff, v29  }
0x282: {  	v29 =	vld [tilespmem:s31+$0xC500];
	_ =	sdelay $0x2  }
0x283: {  	v41 =	vbroadcast v26, $0xA;
	_ =	sdelay $0x1  }
0x284: {  	v29 =	vmul.f32 v29, v41;
	_ =	sdelay $0x1  }
0x285: {  	[tilespmem:v39+s22+$0x0] =	vst.idx.add.f32.msk $0xffff, v29  }
0x286: {  	v29 =	vld [tilespmem:s31+$0x510];
	_ =	sdelay $0x1  }
0x287: {  	v42 =	vadd.s32 v4, v38;
	_ =	sdelay $0x2  }
0x288: {  	v29 =	vmul.f32 v29, v40;
	_ =	sdelay $0x1  }
0x289: {  	[tilespmem:v42+s21+$0x0] =	vst.idx.add.f32.msk $0xffff, v29  }
0x28a: {  	v29 =	vld [tilespmem:s31+$0xC510];
	_ =	sdelay $0x4  }
0x28b: {  	v29 =	vmul.f32 v29, v41;
	_ =	sdelay $0x1  }
0x28c: {  	[tilespmem:v42+s22+$0x0] =	vst.idx.add.f32.msk $0xffff, v29  }
0x28d: {  	v29 =	vld [tilespmem:s31+$0x520];
	_ =	sdelay $0x1  }
0x28e: {  	v43 =	vadd.s32 v5, v38;
	_ =	sdelay $0x2  }
0x28f: {  	v29 =	vmul.f32 v29, v40;
	_ =	sdelay $0x1  }
0x290: {  	[tilespmem:v43+s21+$0x0] =	vst.idx.add.f32.msk $0xffff, v29  }
0x291: {  	v29 =	vld [tilespmem:s31+$0xC520];
	_ =	sdelay $0x4  }
0x292: {  	v29 =	vmul.f32 v29, v41;
	_ =	sdelay $0x1  }
0x293: {  	[tilespmem:v43+s22+$0x0] =	vst.idx.add.f32.msk $0xffff, v29  }
0x294: {  	v29 =	vld [tilespmem:s31+$0x530];
	_ =	sdelay $0x1  }
0x295: {  	v44 =	vadd.s32 v6, v38;
	_ =	sdelay $0x2  }
0x296: {  	v29 =	vmul.f32 v29, v40;
	_ =	sdelay $0x1  }
0x297: {  	[tilespmem:v44+s21+$0x0] =	vst.idx.add.f32.msk $0xffff, v29  }
0x298: {  	v29 =	vld [tilespmem:s31+$0xC530];
	_ =	sdelay $0x4  }
0x299: {  	v29 =	vmul.f32 v29, v41;
	_ =	sdelay $0x1  }
0x29a: {  	[tilespmem:v44+s22+$0x0] =	vst.idx.add.f32.msk $0xffff, v29  }
0x29b: {  	v29 =	vld [tilespmem:s31+$0x540];
	_ =	sdelay $0x1  }
0x29c: {  	v45 =	vadd.s32 v7, v38;
	_ =	sdelay $0x2  }
0x29d: {  	v29 =	vmul.f32 v29, v40;
	_ =	sdelay $0x1  }
0x29e: {  	[tilespmem:v45+s21+$0x0] =	vst.idx.add.f32.msk $0xffff, v29  }
0x29f: {  	v29 =	vld [tilespmem:s31+$0xC540];
	_ =	sdelay $0x4  }
0x2a0: {  	v29 =	vmul.f32 v29, v41;
	_ =	sdelay $0x1  }
0x2a1: {  	[tilespmem:v45+s22+$0x0] =	vst.idx.add.f32.msk $0xffff, v29  }
0x2a2: {  	v29 =	vld [tilespmem:s31+$0x550];
	_ =	sdelay $0x1  }
0x2a3: {  	v46 =	vadd.s32 v8, v38;
	_ =	sdelay $0x2  }
0x2a4: {  	v29 =	vmul.f32 v29, v40;
	_ =	sdelay $0x1  }
0x2a5: {  	[tilespmem:v46+s21+$0x0] =	vst.idx.add.f32.msk $0xffff, v29  }
0x2a6: {  	v29 =	vld [tilespmem:s31+$0xC550];
	_ =	sdelay $0x4  }
0x2a7: {  	v29 =	vmul.f32 v29, v41;
	_ =	sdelay $0x1  }
0x2a8: {  	[tilespmem:v46+s22+$0x0] =	vst.idx.add.f32.msk $0xffff, v29  }
0x2a9: {  	v29 =	vld [tilespmem:s31+$0x560];
	_ =	sdelay $0x1  }
0x2aa: {  	v47 =	vadd.s32 v9, v38;
	_ =	sdelay $0x2  }
0x2ab: {  	v29 =	vmul.f32 v29, v40;
	_ =	sdelay $0x1  }
0x2ac: {  	[tilespmem:v47+s21+$0x0] =	vst.idx.add.f32.msk $0xffff, v29  }
0x2ad: {  	v29 =	vld [tilespmem:s31+$0xC560];
	_ =	sdelay $0x4  }
0x2ae: {  	v29 =	vmul.f32 v29, v41;
	_ =	sdelay $0x1  }
0x2af: {  	[tilespmem:v47+s22+$0x0] =	vst.idx.add.f32.msk $0xffff, v29  }
0x2b0: {  	v29 =	vld [tilespmem:s31+$0x570];
	_ =	sdelay $0x1  }
0x2b1: {  	v28 =	vadd.s32 v10, v38;
	_ =	sdelay $0x2  }
0x2b2: {  	v29 =	vmul.f32 v29, v40;
	_ =	sdelay $0x1  }
0x2b3: {  	[tilespmem:v28+s21+$0x0] =	vst.idx.add.f32.msk $0xffff, v29  }
0x2b4: {  	v29 =	vld [tilespmem:s31+$0xC570];
	_ =	sdelay $0x4  }
0x2b5: {  	v29 =	vmul.f32 v29, v41;
	_ =	sdelay $0x1  }
0x2b6: {  	[tilespmem:v28+s22+$0x0] =	vst.idx.add.f32.msk $0xffff, v29  }
0x2b7: {  	v48 =	vperm.xlane v27, v20;
	v29 =	vld [tilespmem:s31+$0x580];
	_ =	sdelay $0x1  }
0x2b8: {  	v49 =	vadd.s32 v3, v48  }
0x2b9: {  	v50 =	vbroadcast v25, $0xB;
	_ =	sdelay $0x1  }
0x2ba: {  	v29 =	vmul.f32 v29, v50;
	_ =	sdelay $0x1  }
0x2bb: {  	[tilespmem:v49+s21+$0x0] =	vst.idx.add.f32.msk $0xffff, v29  }
0x2bc: {  	v29 =	vld [tilespmem:s31+$0xC580];
	_ =	sdelay $0x2  }
0x2bd: {  	v51 =	vbroadcast v26, $0xB;
	_ =	sdelay $0x1  }
0x2be: {  	v29 =	vmul.f32 v29, v51;
	_ =	sdelay $0x1  }
0x2bf: {  	[tilespmem:v49+s22+$0x0] =	vst.idx.add.f32.msk $0xffff, v29  }
0x2c0: {  	v29 =	vld [tilespmem:s31+$0x590];
	_ =	sdelay $0x1  }
0x2c1: {  	v52 =	vadd.s32 v4, v48;
	_ =	sdelay $0x2  }
0x2c2: {  	v29 =	vmul.f32 v29, v50;
	_ =	sdelay $0x1  }
0x2c3: {  	[tilespmem:v52+s21+$0x0] =	vst.idx.add.f32.msk $0xffff, v29  }
0x2c4: {  	v29 =	vld [tilespmem:s31+$0xC590];
	_ =	sdelay $0x4  }
0x2c5: {  	v29 =	vmul.f32 v29, v51;
	_ =	sdelay $0x1  }
0x2c6: {  	[tilespmem:v52+s22+$0x0] =	vst.idx.add.f32.msk $0xffff, v29  }
0x2c7: {  	v29 =	vld [tilespmem:s31+$0x5A0];
	_ =	sdelay $0x1  }
0x2c8: {  	v53 =	vadd.s32 v5, v48;
	_ =	sdelay $0x2  }
0x2c9: {  	v29 =	vmul.f32 v29, v50;
	_ =	sdelay $0x1  }
0x2ca: {  	[tilespmem:v53+s21+$0x0] =	vst.idx.add.f32.msk $0xffff, v29  }
0x2cb: {  	v29 =	vld [tilespmem:s31+$0xC5A0];
	_ =	sdelay $0x4  }
0x2cc: {  	v29 =	vmul.f32 v29, v51;
	_ =	sdelay $0x1  }
0x2cd: {  	[tilespmem:v53+s22+$0x0] =	vst.idx.add.f32.msk $0xffff, v29  }
0x2ce: {  	v29 =	vld [tilespmem:s31+$0x5B0];
	_ =	sdelay $0x1  }
0x2cf: {  	v54 =	vadd.s32 v6, v48;
	_ =	sdelay $0x2  }
0x2d0: {  	v29 =	vmul.f32 v29, v50;
	_ =	sdelay $0x1  }
0x2d1: {  	[tilespmem:v54+s21+$0x0] =	vst.idx.add.f32.msk $0xffff, v29  }
0x2d2: {  	v29 =	vld [tilespmem:s31+$0xC5B0];
	_ =	sdelay $0x4  }
0x2d3: {  	v29 =	vmul.f32 v29, v51;
	_ =	sdelay $0x1  }
0x2d4: {  	[tilespmem:v54+s22+$0x0] =	vst.idx.add.f32.msk $0xffff, v29  }
0x2d5: {  	v29 =	vld [tilespmem:s31+$0x5C0];
	_ =	sdelay $0x1  }
0x2d6: {  	v55 =	vadd.s32 v7, v48;
	_ =	sdelay $0x2  }
0x2d7: {  	v29 =	vmul.f32 v29, v50;
	_ =	sdelay $0x1  }
0x2d8: {  	[tilespmem:v55+s21+$0x0] =	vst.idx.add.f32.msk $0xffff, v29  }
0x2d9: {  	v29 =	vld [tilespmem:s31+$0xC5C0];
	_ =	sdelay $0x4  }
0x2da: {  	v29 =	vmul.f32 v29, v51;
	_ =	sdelay $0x1  }
0x2db: {  	[tilespmem:v55+s22+$0x0] =	vst.idx.add.f32.msk $0xffff, v29  }
0x2dc: {  	v29 =	vld [tilespmem:s31+$0x5D0];
	_ =	sdelay $0x1  }
0x2dd: {  	v56 =	vadd.s32 v8, v48;
	_ =	sdelay $0x2  }
0x2de: {  	v29 =	vmul.f32 v29, v50;
	_ =	sdelay $0x1  }
0x2df: {  	[tilespmem:v56+s21+$0x0] =	vst.idx.add.f32.msk $0xffff, v29  }
0x2e0: {  	v29 =	vld [tilespmem:s31+$0xC5D0];
	_ =	sdelay $0x4  }
0x2e1: {  	v29 =	vmul.f32 v29, v51;
	_ =	sdelay $0x1  }
0x2e2: {  	[tilespmem:v56+s22+$0x0] =	vst.idx.add.f32.msk $0xffff, v29  }
0x2e3: {  	v29 =	vld [tilespmem:s31+$0x5E0];
	_ =	sdelay $0x1  }
0x2e4: {  	v57 =	vadd.s32 v9, v48;
	_ =	sdelay $0x2  }
0x2e5: {  	v29 =	vmul.f32 v29, v50;
	_ =	sdelay $0x1  }
0x2e6: {  	[tilespmem:v57+s21+$0x0] =	vst.idx.add.f32.msk $0xffff, v29  }
0x2e7: {  	v29 =	vld [tilespmem:s31+$0xC5E0];
	_ =	sdelay $0x4  }
0x2e8: {  	v29 =	vmul.f32 v29, v51;
	_ =	sdelay $0x1  }
0x2e9: {  	[tilespmem:v57+s22+$0x0] =	vst.idx.add.f32.msk $0xffff, v29  }
0x2ea: {  	v29 =	vld [tilespmem:s31+$0x5F0];
	_ =	sdelay $0x1  }
0x2eb: {  	v28 =	vadd.s32 v10, v48;
	_ =	sdelay $0x2  }
0x2ec: {  	v29 =	vmul.f32 v29, v50;
	_ =	sdelay $0x1  }
0x2ed: {  	[tilespmem:v28+s21+$0x0] =	vst.idx.add.f32.msk $0xffff, v29  }
0x2ee: {  	v29 =	vld [tilespmem:s31+$0xC5F0];
	_ =	sdelay $0x4  }
0x2ef: {  	v29 =	vmul.f32 v29, v51;
	_ =	sdelay $0x1  }
0x2f0: {  	[tilespmem:v28+s22+$0x0] =	vst.idx.add.f32.msk $0xffff, v29  }
0x2f1: {  	v58 =	vperm.xlane v27, v21;
	v29 =	vld [tilespmem:s31+$0x600];
	_ =	sdelay $0x1  }
0x2f2: {  	v59 =	vadd.s32 v3, v58  }
0x2f3: {  	v60 =	vbroadcast v25, $0xC;
	_ =	sdelay $0x1  }
0x2f4: {  	v29 =	vmul.f32 v29, v60;
	_ =	sdelay $0x1  }
0x2f5: {  	[tilespmem:v59+s21+$0x0] =	vst.idx.add.f32.msk $0xffff, v29  }
0x2f6: {  	v29 =	vld [tilespmem:s31+$0xC600];
	_ =	sdelay $0x2  }
0x2f7: {  	v61 =	vbroadcast v26, $0xC;
	_ =	sdelay $0x1  }
0x2f8: {  	v29 =	vmul.f32 v29, v61;
	_ =	sdelay $0x1  }
0x2f9: {  	[tilespmem:v59+s22+$0x0] =	vst.idx.add.f32.msk $0xffff, v29  }
0x2fa: {  	v29 =	vld [tilespmem:s31+$0x610];
	_ =	sdelay $0x1  }
0x2fb: {  	v62 =	vadd.s32 v4, v58;
	_ =	sdelay $0x2  }
0x2fc: {  	v29 =	vmul.f32 v29, v60;
	_ =	sdelay $0x1  }
0x2fd: {  	[tilespmem:v62+s21+$0x0] =	vst.idx.add.f32.msk $0xffff, v29  }
0x2fe: {  	v29 =	vld [tilespmem:s31+$0xC610];
	_ =	sdelay $0x4  }
0x2ff: {  	v29 =	vmul.f32 v29, v61;
	_ =	sdelay $0x1  }
0x300: {  	[tilespmem:v62+s22+$0x0] =	vst.idx.add.f32.msk $0xffff, v29  }
0x301: {  	v29 =	vld [tilespmem:s31+$0x620];
	_ =	sdelay $0x1  }
0x302: {  	v63 =	vadd.s32 v5, v58;
	_ =	sdelay $0x2  }
0x303: {  	v29 =	vmul.f32 v29, v60;
	_ =	sdelay $0x1  }
0x304: {  	[tilespmem:v63+s21+$0x0] =	vst.idx.add.f32.msk $0xffff, v29  }
0x305: {  	v29 =	vld [tilespmem:s31+$0xC620];
	_ =	sdelay $0x4  }
0x306: {  	v29 =	vmul.f32 v29, v61;
	_ =	sdelay $0x1  }
0x307: {  	[tilespmem:v63+s22+$0x0] =	vst.idx.add.f32.msk $0xffff, v29  }
0x308: {  	v29 =	vld [tilespmem:s31+$0x630];
	_ =	sdelay $0x1  }
0x309: {  	v33 =	vadd.s32 v6, v58;
	_ =	sdelay $0x2  }
0x30a: {  	v29 =	vmul.f32 v29, v60;
	_ =	sdelay $0x1  }
0x30b: {  	[tilespmem:v33+s21+$0x0] =	vst.idx.add.f32.msk $0xffff, v29  }
0x30c: {  	v29 =	vld [tilespmem:s31+$0xC630];
	_ =	sdelay $0x4  }
0x30d: {  	v29 =	vmul.f32 v29, v61;
	_ =	sdelay $0x1  }
0x30e: {  	[tilespmem:v33+s22+$0x0] =	vst.idx.add.f32.msk $0xffff, v29  }
0x30f: {  	v29 =	vld [tilespmem:s31+$0x640];
	_ =	sdelay $0x1  }
0x310: {  	v34 =	vadd.s32 v7, v58;
	_ =	sdelay $0x2  }
0x311: {  	v29 =	vmul.f32 v29, v60;
	_ =	sdelay $0x1  }
0x312: {  	[tilespmem:v34+s21+$0x0] =	vst.idx.add.f32.msk $0xffff, v29  }
0x313: {  	v29 =	vld [tilespmem:s31+$0xC640];
	_ =	sdelay $0x4  }
0x314: {  	v29 =	vmul.f32 v29, v61;
	_ =	sdelay $0x1  }
0x315: {  	[tilespmem:v34+s22+$0x0] =	vst.idx.add.f32.msk $0xffff, v29  }
0x316: {  	v29 =	vld [tilespmem:s31+$0x650];
	_ =	sdelay $0x1  }
0x317: {  	v35 =	vadd.s32 v8, v58;
	_ =	sdelay $0x2  }
0x318: {  	v29 =	vmul.f32 v29, v60;
	_ =	sdelay $0x1  }
0x319: {  	[tilespmem:v35+s21+$0x0] =	vst.idx.add.f32.msk $0xffff, v29  }
0x31a: {  	v29 =	vld [tilespmem:s31+$0xC650];
	_ =	sdelay $0x4  }
0x31b: {  	v29 =	vmul.f32 v29, v61;
	_ =	sdelay $0x1  }
0x31c: {  	[tilespmem:v35+s22+$0x0] =	vst.idx.add.f32.msk $0xffff, v29  }
0x31d: {  	v29 =	vld [tilespmem:s31+$0x660];
	_ =	sdelay $0x1  }
0x31e: {  	v36 =	vadd.s32 v9, v58;
	_ =	sdelay $0x2  }
0x31f: {  	v29 =	vmul.f32 v29, v60;
	_ =	sdelay $0x1  }
0x320: {  	[tilespmem:v36+s21+$0x0] =	vst.idx.add.f32.msk $0xffff, v29  }
0x321: {  	v29 =	vld [tilespmem:s31+$0xC660];
	_ =	sdelay $0x4  }
0x322: {  	v29 =	vmul.f32 v29, v61;
	_ =	sdelay $0x1  }
0x323: {  	[tilespmem:v36+s22+$0x0] =	vst.idx.add.f32.msk $0xffff, v29  }
0x324: {  	v29 =	vld [tilespmem:s31+$0x670];
	_ =	sdelay $0x1  }
0x325: {  	v28 =	vadd.s32 v10, v58;
	_ =	sdelay $0x2  }
0x326: {  	v29 =	vmul.f32 v29, v60;
	_ =	sdelay $0x1  }
0x327: {  	[tilespmem:v28+s21+$0x0] =	vst.idx.add.f32.msk $0xffff, v29  }
0x328: {  	v29 =	vld [tilespmem:s31+$0xC670];
	_ =	sdelay $0x4  }
0x329: {  	v29 =	vmul.f32 v29, v61;
	_ =	sdelay $0x1  }
0x32a: {  	[tilespmem:v28+s22+$0x0] =	vst.idx.add.f32.msk $0xffff, v29  }
0x32b: {  	v37 =	vperm.xlane v27, v22;
	v29 =	vld [tilespmem:s31+$0x680];
	_ =	sdelay $0x1  }
0x32c: {  	v38 =	vadd.s32 v3, v37  }
0x32d: {  	v39 =	vbroadcast v25, $0xD;
	_ =	sdelay $0x1  }
0x32e: {  	v29 =	vmul.f32 v29, v39;
	_ =	sdelay $0x1  }
0x32f: {  	[tilespmem:v38+s21+$0x0] =	vst.idx.add.f32.msk $0xffff, v29  }
0x330: {  	v29 =	vld [tilespmem:s31+$0xC680];
	_ =	sdelay $0x2  }
0x331: {  	v40 =	vbroadcast v26, $0xD;
	_ =	sdelay $0x1  }
0x332: {  	v29 =	vmul.f32 v29, v40;
	_ =	sdelay $0x1  }
0x333: {  	[tilespmem:v38+s22+$0x0] =	vst.idx.add.f32.msk $0xffff, v29  }
0x334: {  	v29 =	vld [tilespmem:s31+$0x690];
	_ =	sdelay $0x1  }
0x335: {  	v41 =	vadd.s32 v4, v37;
	_ =	sdelay $0x2  }
0x336: {  	v29 =	vmul.f32 v29, v39;
	_ =	sdelay $0x1  }
0x337: {  	[tilespmem:v41+s21+$0x0] =	vst.idx.add.f32.msk $0xffff, v29  }
0x338: {  	v29 =	vld [tilespmem:s31+$0xC690];
	_ =	sdelay $0x4  }
0x339: {  	v29 =	vmul.f32 v29, v40;
	_ =	sdelay $0x1  }
0x33a: {  	[tilespmem:v41+s22+$0x0] =	vst.idx.add.f32.msk $0xffff, v29  }
0x33b: {  	v29 =	vld [tilespmem:s31+$0x6A0];
	_ =	sdelay $0x1  }
0x33c: {  	v42 =	vadd.s32 v5, v37;
	_ =	sdelay $0x2  }
0x33d: {  	v29 =	vmul.f32 v29, v39;
	_ =	sdelay $0x1  }
0x33e: {  	[tilespmem:v42+s21+$0x0] =	vst.idx.add.f32.msk $0xffff, v29  }
0x33f: {  	v29 =	vld [tilespmem:s31+$0xC6A0];
	_ =	sdelay $0x4  }
0x340: {  	v29 =	vmul.f32 v29, v40;
	_ =	sdelay $0x1  }
0x341: {  	[tilespmem:v42+s22+$0x0] =	vst.idx.add.f32.msk $0xffff, v29  }
0x342: {  	v29 =	vld [tilespmem:s31+$0x6B0];
	_ =	sdelay $0x1  }
0x343: {  	v43 =	vadd.s32 v6, v37;
	_ =	sdelay $0x2  }
0x344: {  	v29 =	vmul.f32 v29, v39;
	_ =	sdelay $0x1  }
0x345: {  	[tilespmem:v43+s21+$0x0] =	vst.idx.add.f32.msk $0xffff, v29  }
0x346: {  	v29 =	vld [tilespmem:s31+$0xC6B0];
	_ =	sdelay $0x4  }
0x347: {  	v29 =	vmul.f32 v29, v40;
	_ =	sdelay $0x1  }
0x348: {  	[tilespmem:v43+s22+$0x0] =	vst.idx.add.f32.msk $0xffff, v29  }
0x349: {  	v29 =	vld [tilespmem:s31+$0x6C0];
	_ =	sdelay $0x1  }
0x34a: {  	v44 =	vadd.s32 v7, v37;
	_ =	sdelay $0x2  }
0x34b: {  	v29 =	vmul.f32 v29, v39;
	_ =	sdelay $0x1  }
0x34c: {  	[tilespmem:v44+s21+$0x0] =	vst.idx.add.f32.msk $0xffff, v29  }
0x34d: {  	v29 =	vld [tilespmem:s31+$0xC6C0];
	_ =	sdelay $0x4  }
0x34e: {  	v29 =	vmul.f32 v29, v40;
	_ =	sdelay $0x1  }
0x34f: {  	[tilespmem:v44+s22+$0x0] =	vst.idx.add.f32.msk $0xffff, v29  }
0x350: {  	v29 =	vld [tilespmem:s31+$0x6D0];
	_ =	sdelay $0x1  }
0x351: {  	v45 =	vadd.s32 v8, v37;
	_ =	sdelay $0x2  }
0x352: {  	v29 =	vmul.f32 v29, v39;
	_ =	sdelay $0x1  }
0x353: {  	[tilespmem:v45+s21+$0x0] =	vst.idx.add.f32.msk $0xffff, v29  }
0x354: {  	v29 =	vld [tilespmem:s31+$0xC6D0];
	_ =	sdelay $0x4  }
0x355: {  	v29 =	vmul.f32 v29, v40;
	_ =	sdelay $0x1  }
0x356: {  	[tilespmem:v45+s22+$0x0] =	vst.idx.add.f32.msk $0xffff, v29  }
0x357: {  	v29 =	vld [tilespmem:s31+$0x6E0];
	_ =	sdelay $0x1  }
0x358: {  	v46 =	vadd.s32 v9, v37;
	_ =	sdelay $0x2  }
0x359: {  	v29 =	vmul.f32 v29, v39;
	_ =	sdelay $0x1  }
0x35a: {  	[tilespmem:v46+s21+$0x0] =	vst.idx.add.f32.msk $0xffff, v29  }
0x35b: {  	v29 =	vld [tilespmem:s31+$0xC6E0];
	_ =	sdelay $0x4  }
0x35c: {  	v29 =	vmul.f32 v29, v40;
	_ =	sdelay $0x1  }
0x35d: {  	[tilespmem:v46+s22+$0x0] =	vst.idx.add.f32.msk $0xffff, v29  }
0x35e: {  	v29 =	vld [tilespmem:s31+$0x6F0];
	_ =	sdelay $0x1  }
0x35f: {  	v28 =	vadd.s32 v10, v37;
	_ =	sdelay $0x2  }
0x360: {  	v29 =	vmul.f32 v29, v39;
	_ =	sdelay $0x1  }
0x361: {  	[tilespmem:v28+s21+$0x0] =	vst.idx.add.f32.msk $0xffff, v29  }
0x362: {  	v29 =	vld [tilespmem:s31+$0xC6F0];
	_ =	sdelay $0x4  }
0x363: {  	v29 =	vmul.f32 v29, v40;
	_ =	sdelay $0x1  }
0x364: {  	[tilespmem:v28+s22+$0x0] =	vst.idx.add.f32.msk $0xffff, v29  }
0x365: {  	v47 =	vperm.xlane v27, v23;
	v29 =	vld [tilespmem:s31+$0x700];
	_ =	sdelay $0x1  }
0x366: {  	v48 =	vadd.s32 v3, v47  }
0x367: {  	v49 =	vbroadcast v25, $0xE;
	_ =	sdelay $0x1  }
0x368: {  	v29 =	vmul.f32 v29, v49;
	_ =	sdelay $0x1  }
0x369: {  	[tilespmem:v48+s21+$0x0] =	vst.idx.add.f32.msk $0xffff, v29  }
0x36a: {  	v29 =	vld [tilespmem:s31+$0xC700];
	_ =	sdelay $0x2  }
0x36b: {  	v50 =	vbroadcast v26, $0xE;
	_ =	sdelay $0x1  }
0x36c: {  	v29 =	vmul.f32 v29, v50;
	_ =	sdelay $0x1  }
0x36d: {  	[tilespmem:v48+s22+$0x0] =	vst.idx.add.f32.msk $0xffff, v29  }
0x36e: {  	v29 =	vld [tilespmem:s31+$0x710];
	_ =	sdelay $0x1  }
0x36f: {  	v51 =	vadd.s32 v4, v47;
	_ =	sdelay $0x2  }
0x370: {  	v29 =	vmul.f32 v29, v49;
	_ =	sdelay $0x1  }
0x371: {  	[tilespmem:v51+s21+$0x0] =	vst.idx.add.f32.msk $0xffff, v29  }
0x372: {  	v29 =	vld [tilespmem:s31+$0xC710];
	_ =	sdelay $0x4  }
0x373: {  	v29 =	vmul.f32 v29, v50;
	_ =	sdelay $0x1  }
0x374: {  	[tilespmem:v51+s22+$0x0] =	vst.idx.add.f32.msk $0xffff, v29  }
0x375: {  	v29 =	vld [tilespmem:s31+$0x720];
	_ =	sdelay $0x1  }
0x376: {  	v52 =	vadd.s32 v5, v47;
	_ =	sdelay $0x2  }
0x377: {  	v29 =	vmul.f32 v29, v49;
	_ =	sdelay $0x1  }
0x378: {  	[tilespmem:v52+s21+$0x0] =	vst.idx.add.f32.msk $0xffff, v29  }
0x379: {  	v29 =	vld [tilespmem:s31+$0xC720];
	_ =	sdelay $0x4  }
0x37a: {  	v29 =	vmul.f32 v29, v50;
	_ =	sdelay $0x1  }
0x37b: {  	[tilespmem:v52+s22+$0x0] =	vst.idx.add.f32.msk $0xffff, v29  }
0x37c: {  	v29 =	vld [tilespmem:s31+$0x730];
	_ =	sdelay $0x1  }
0x37d: {  	v53 =	vadd.s32 v6, v47;
	_ =	sdelay $0x2  }
0x37e: {  	v29 =	vmul.f32 v29, v49;
	_ =	sdelay $0x1  }
0x37f: {  	[tilespmem:v53+s21+$0x0] =	vst.idx.add.f32.msk $0xffff, v29  }
0x380: {  	v29 =	vld [tilespmem:s31+$0xC730];
	_ =	sdelay $0x4  }
0x381: {  	v29 =	vmul.f32 v29, v50;
	_ =	sdelay $0x1  }
0x382: {  	[tilespmem:v53+s22+$0x0] =	vst.idx.add.f32.msk $0xffff, v29  }
0x383: {  	v29 =	vld [tilespmem:s31+$0x740];
	_ =	sdelay $0x1  }
0x384: {  	v54 =	vadd.s32 v7, v47;
	_ =	sdelay $0x2  }
0x385: {  	v29 =	vmul.f32 v29, v49;
	_ =	sdelay $0x1  }
0x386: {  	[tilespmem:v54+s21+$0x0] =	vst.idx.add.f32.msk $0xffff, v29  }
0x387: {  	v29 =	vld [tilespmem:s31+$0xC740];
	_ =	sdelay $0x4  }
0x388: {  	v29 =	vmul.f32 v29, v50;
	_ =	sdelay $0x1  }
0x389: {  	[tilespmem:v54+s22+$0x0] =	vst.idx.add.f32.msk $0xffff, v29  }
0x38a: {  	v29 =	vld [tilespmem:s31+$0x750];
	_ =	sdelay $0x1  }
0x38b: {  	v55 =	vadd.s32 v8, v47;
	_ =	sdelay $0x2  }
0x38c: {  	v29 =	vmul.f32 v29, v49;
	_ =	sdelay $0x1  }
0x38d: {  	[tilespmem:v55+s21+$0x0] =	vst.idx.add.f32.msk $0xffff, v29  }
0x38e: {  	v29 =	vld [tilespmem:s31+$0xC750];
	_ =	sdelay $0x4  }
0x38f: {  	v29 =	vmul.f32 v29, v50;
	_ =	sdelay $0x1  }
0x390: {  	[tilespmem:v55+s22+$0x0] =	vst.idx.add.f32.msk $0xffff, v29  }
0x391: {  	v29 =	vld [tilespmem:s31+$0x760];
	_ =	sdelay $0x1  }
0x392: {  	v56 =	vadd.s32 v9, v47;
	_ =	sdelay $0x2  }
0x393: {  	v29 =	vmul.f32 v29, v49;
	_ =	sdelay $0x1  }
0x394: {  	[tilespmem:v56+s21+$0x0] =	vst.idx.add.f32.msk $0xffff, v29  }
0x395: {  	v29 =	vld [tilespmem:s31+$0xC760];
	_ =	sdelay $0x4  }
0x396: {  	v29 =	vmul.f32 v29, v50;
	_ =	sdelay $0x1  }
0x397: {  	[tilespmem:v56+s22+$0x0] =	vst.idx.add.f32.msk $0xffff, v29  }
0x398: {  	v29 =	vld [tilespmem:s31+$0x770];
	_ =	sdelay $0x1  }
0x399: {  	v28 =	vadd.s32 v10, v47;
	_ =	sdelay $0x2  }
0x39a: {  	v29 =	vmul.f32 v29, v49;
	_ =	sdelay $0x1  }
0x39b: {  	[tilespmem:v28+s21+$0x0] =	vst.idx.add.f32.msk $0xffff, v29  }
0x39c: {  	v29 =	vld [tilespmem:s31+$0xC770];
	_ =	sdelay $0x4  }
0x39d: {  	v29 =	vmul.f32 v29, v50;
	_ =	sdelay $0x1  }
0x39e: {  	[tilespmem:v28+s22+$0x0] =	vst.idx.add.f32.msk $0xffff, v29  }
0x39f: {  	v27 =	vperm.xlane v27, v24;
	v28 =	vld [tilespmem:s31+$0x780];
	_ =	sdelay $0x1  }
0x3a0: {  	v57 =	vadd.s32 v3, v27  }
0x3a1: {  	v25 =	vbroadcast v25, $0xF;
	_ =	sdelay $0x1  }
0x3a2: {  	v28 =	vmul.f32 v28, v25;
	_ =	sdelay $0x1  }
0x3a3: {  	[tilespmem:v57+s21+$0x0] =	vst.idx.add.f32.msk $0xffff, v28  }
0x3a4: {  	v28 =	vld [tilespmem:s31+$0xC780];
	_ =	sdelay $0x2  }
0x3a5: {  	v26 =	vbroadcast v26, $0xF;
	_ =	sdelay $0x1  }
0x3a6: {  	v28 =	vmul.f32 v28, v26;
	_ =	sdelay $0x1  }
0x3a7: {  	[tilespmem:v57+s22+$0x0] =	vst.idx.add.f32.msk $0xffff, v28  }
0x3a8: {  	v28 =	vld [tilespmem:s31+$0x790];
	_ =	sdelay $0x1  }
0x3a9: {  	v58 =	vadd.s32 v4, v27;
	_ =	sdelay $0x2  }
0x3aa: {  	v28 =	vmul.f32 v28, v25;
	_ =	sdelay $0x1  }
0x3ab: {  	[tilespmem:v58+s21+$0x0] =	vst.idx.add.f32.msk $0xffff, v28  }
0x3ac: {  	v28 =	vld [tilespmem:s31+$0xC790];
	_ =	sdelay $0x4  }
0x3ad: {  	v28 =	vmul.f32 v28, v26;
	_ =	sdelay $0x1  }
0x3ae: {  	[tilespmem:v58+s22+$0x0] =	vst.idx.add.f32.msk $0xffff, v28  }
0x3af: {  	v28 =	vld [tilespmem:s31+$0x7A0];
	_ =	sdelay $0x1  }
0x3b0: {  	v59 =	vadd.s32 v5, v27;
	_ =	sdelay $0x2  }
0x3b1: {  	v28 =	vmul.f32 v28, v25;
	_ =	sdelay $0x1  }
0x3b2: {  	[tilespmem:v59+s21+$0x0] =	vst.idx.add.f32.msk $0xffff, v28  }
0x3b3: {  	v28 =	vld [tilespmem:s31+$0xC7A0];
	_ =	sdelay $0x4  }
0x3b4: {  	v28 =	vmul.f32 v28, v26;
	_ =	sdelay $0x1  }
0x3b5: {  	[tilespmem:v59+s22+$0x0] =	vst.idx.add.f32.msk $0xffff, v28  }
0x3b6: {  	v28 =	vld [tilespmem:s31+$0x7B0];
	_ =	sdelay $0x1  }
0x3b7: {  	v60 =	vadd.s32 v6, v27;
	_ =	sdelay $0x2  }
0x3b8: {  	v28 =	vmul.f32 v28, v25;
	_ =	sdelay $0x1  }
0x3b9: {  	[tilespmem:v60+s21+$0x0] =	vst.idx.add.f32.msk $0xffff, v28  }
0x3ba: {  	v28 =	vld [tilespmem:s31+$0xC7B0];
	_ =	sdelay $0x4  }
0x3bb: {  	v28 =	vmul.f32 v28, v26;
	_ =	sdelay $0x1  }
0x3bc: {  	[tilespmem:v60+s22+$0x0] =	vst.idx.add.f32.msk $0xffff, v28  }
0x3bd: {  	v28 =	vld [tilespmem:s31+$0x7C0];
	_ =	sdelay $0x1  }
0x3be: {  	v61 =	vadd.s32 v7, v27;
	_ =	sdelay $0x2  }
0x3bf: {  	v28 =	vmul.f32 v28, v25;
	_ =	sdelay $0x1  }
0x3c0: {  	[tilespmem:v61+s21+$0x0] =	vst.idx.add.f32.msk $0xffff, v28  }
0x3c1: {  	v28 =	vld [tilespmem:s31+$0xC7C0];
	_ =	sdelay $0x4  }
0x3c2: {  	v28 =	vmul.f32 v28, v26;
	_ =	sdelay $0x1  }
0x3c3: {  	[tilespmem:v61+s22+$0x0] =	vst.idx.add.f32.msk $0xffff, v28  }
0x3c4: {  	v28 =	vld [tilespmem:s31+$0x7D0];
	_ =	sdelay $0x1  }
0x3c5: {  	v62 =	vadd.s32 v8, v27;
	_ =	sdelay $0x2  }
0x3c6: {  	v28 =	vmul.f32 v28, v25;
	_ =	sdelay $0x1  }
0x3c7: {  	[tilespmem:v62+s21+$0x0] =	vst.idx.add.f32.msk $0xffff, v28  }
0x3c8: {  	v28 =	vld [tilespmem:s31+$0xC7D0];
	_ =	sdelay $0x4  }
0x3c9: {  	v28 =	vmul.f32 v28, v26;
	_ =	sdelay $0x1  }
0x3ca: {  	[tilespmem:v62+s22+$0x0] =	vst.idx.add.f32.msk $0xffff, v28  }
0x3cb: {  	v28 =	vld [tilespmem:s31+$0x7E0];
	_ =	sdelay $0x1  }
0x3cc: {  	v63 =	vadd.s32 v9, v27;
	_ =	sdelay $0x2  }
0x3cd: {  	v28 =	vmul.f32 v28, v25;
	_ =	sdelay $0x1  }
0x3ce: {  	[tilespmem:v63+s21+$0x0] =	vst.idx.add.f32.msk $0xffff, v28  }
0x3cf: {  	v28 =	vld [tilespmem:s31+$0xC7E0];
	_ =	sdelay $0x4  }
0x3d0: {  	v28 =	vmul.f32 v28, v26;
	_ =	sdelay $0x1  }
0x3d1: {  	[tilespmem:v63+s22+$0x0] =	vst.idx.add.f32.msk $0xffff, v28  }
0x3d2: {  	v28 =	vld [tilespmem:s31+$0x7F0];
	_ =	sdelay $0x1  }
0x3d3: {  	v27 =	vadd.s32 v10, v27;
	_ =	sdelay $0x2  }
0x3d4: {  	v25 =	vmul.f32 v28, v25;
	_ =	sdelay $0x1  }
0x3d5: {  	[tilespmem:v27+s21+$0x0] =	vst.idx.add.f32.msk $0xffff, v25  }
0x3d6: {  	v25 =	vld [tilespmem:s31+$0xC7F0];
	_ =	sdelay $0x1  }
0x3d7: {  	p0 =	sne.s32 s24, $0x17  }
.Ltmp1:
0x3d8: {  	_ = 	snop;
	(pc) =	sbr.rel @p0 .LBB2_4-.Ltmp1, $3  }
0x3d9: {  	_ = 	snop  }
0x3da: {  	v25 =	vmul.f32 v25, v26;
	_ =	sdelay $0x1  }
0x3db: {  	s24 =	sadd.s32 $0x1, s24;
	[tilespmem:v27+s22+$0x0] =	vst.idx.add.f32.msk $0xffff, v25  }
0x3dc: {  	[hbm4b:s9+s2] =	stream.linear.scatter [tilespmem:s21], [sflag:$0x3], $0x1800, $0x38;
	[tilespmem:$0x1B480] =	vst v63  }
0x3dd: {  	s23 =	sadd.s32 $0x1, s23;
	_ =	swait.ge [sflag:s16], $0x1800  }
0x3de: {  	p0 =	sne.s32 s23, s11;
	[sflag:s16] =	ssyncset.done $0x0  }
.Ltmp2:
0x3df: {  	[sflag:s16] =	ssyncadd.s32 $0xFFFFE800;
	(pc) =	sbr.rel @p0 .LBB2_1-.Ltmp2, $4  }
0x3e0: {  	[hbm4b:s10+s2] =	stream.linear.scatter [tilespmem:s22], [sflag:$0x3], $0x1800, $0x38;
	[tilespmem:$0x1B480] =	vst v63  }
0x3e1: {  	_ =	swait.ge [sflag:s16], $0x1800  }
0x3e2: {  	[sflag:s16] =	ssyncset.done $0x0  }
0x3e3: {  	[sflag:s16] =	ssyncadd.s32 $0xFFFFE800  }
0x3e4: {  	_ =	sfence.sel $0x180000  }
0x3e5: {  	[bflag:$0x0] =	sbarrier.arrive $0xFFFF  }
0x3e6: {  	p0 =	sne.s32 s1, $0x0;
	_ =	strace $0x90000047  }
0x3e7: {  	s0 =	sadd.s32 @!p0 $0x100000, s0;
	[bflag:$0x2] =	sbarrier.arrive $0xFFFF  }
0x3e8: {  	[sflag:s0] =	ssyncadd.tile.s32 @!p0 $0x1;
	_ =	shalt  }
.Lfunc_end2:
_tile_overlayer_lowered:
.L_overlay_start_2:
0x3e9: {  	(tag) =	ssettag $0x2  }
0x3ea: {  	s0 =	rddreg [dreg:$0x0];
	s2 =	stileid.u32  }
0x3eb: {  	s1 =	rddreg [dreg:$0x1];
	p0 =	sne.s32 s2, $0x0  }
0x3ec: {  	s3 =	rddreg [dreg:$0x2];
	[bflag:$0x3] =	sbarrier.arrive $0xFFFF;
	s2 =	simm.s32 @!p0 $0x1C03  }
0x3ed: {  	[timem:s3], [sflag:s2] =	dma.local @!p0 [hbm:s0], s1  }
0x3ee: {  	s0 =	simm.s32 @!p0 $0x3  }
0x3ef: {  	_ =	swait.ge @!p0 [sflag:s0], s1  }
0x3f0: {  	s1 =	ssub.s32 @!p0 $0x0, s1;
	[sflag:s0] =	ssyncset.done @!p0 $0x0  }
0x3f1: {  	[sflag:s0] =	ssyncadd.s32 @!p0 s1  }
0x3f2: {  	[bflag:$0x3] =	sbarrier.arrive $0xFFFF  }
0x3f3: {  	_ =	shalt  }

</sc_bundles>
